<compile_context>
chip_gen: v7x
topology: tpu7x:2x2x1
jax: 0.10.2.dev20260603
libtpu: 0.0.44.dev20260713+nightly
codegen_flags: <defaults>
</compile_context>

<pallas_src>
import functools

import jax
import jax.numpy as jnp
from jax import lax
from jax.experimental import pallas as pl
from jax.experimental.pallas import tpu as pltpu
from jax.experimental.pallas import tpu_sc as plsc

NC = 2
NS = 16
NW = NC * NS
L = 16

_BCAST_DNUMS = lax.GatherDimensionNumbers(
    offset_dims=(), collapsed_slice_dims=(0,), start_index_map=(0,))


def _lane_bcast(vec, k):
    idx = jnp.full((L, 1), k, jnp.int32)
    return lax.gather(vec, idx, _BCAST_DNUMS, (1,),
                      mode=lax.GatherScatterMode.PROMISE_IN_BOUNDS)


def _make_sc_segment(n, e, d):
    ew = e // NW
    c = 80
    nch = ew // c
    stripe = (n // NS) & ~7
    tail = n - NS * stripe
    nj = d // L

    mesh = plsc.VectorSubcoreMesh(
        core_axis_name="c", subcore_axis_name="s",
        num_cores=NC, num_subcores=NS)

    @functools.partial(
        pl.kernel,
        out_type=jax.ShapeDtypeStruct((NC, n, d), jnp.float32),
        mesh=mesh,
        scratch_types=[
            pltpu.VMEM((c,), jnp.int32),
            pltpu.VMEM((c,), jnp.int32),
            pltpu.VMEM((c,), jnp.float32),
            pltpu.VMEM((c, d), jnp.float32),
            pltpu.VMEM_SHARED((n, d), jnp.float32),
            pltpu.SemaphoreType.DMA,
        ],
    )
    def sc_segment(x_hbm, src_hbm, dst_hbm, w_hbm, out_hbm,
                   src_v, dst_v, w_v, rows_v, acc, sem):
        cid = lax.axis_index("c")
        sid = lax.axis_index("s")
        wid = sid * NC + cid

        zero16 = jnp.zeros((L,), jnp.float32)

        def zrow(i, carry):
            for j in range(nj):
                rows_v[i, pl.ds(j * L, L)] = zero16
            return carry

        lax.fori_loop(0, c, zrow, 0)

        def copy_rows(src_fn, dst_fn, base, count):
            done = 0
            while count - done >= c:
                src_fn_c, dst_fn_c = src_fn(base + done, c), dst_fn(base + done, c)
                pltpu.sync_copy(src_fn_c, dst_fn_c)
                done += c
            if count - done:
                r = count - done
                pltpu.sync_copy(src_fn(base + done, r), dst_fn(base + done, r))

        rbase = pl.multiple_of(sid * stripe, 8)

        def zsrc(off, cnt):
            return rows_v.at[pl.ds(0, cnt)]

        copy_rows(zsrc, lambda off, cnt: acc.at[pl.ds(off, cnt)], rbase, stripe)

        @pl.when(sid == NS - 1)
        def _():
            copy_rows(zsrc, lambda off, cnt: acc.at[pl.ds(off, cnt)],
                      NS * stripe, tail)

        plsc.subcore_barrier()

        ebase = wid * ew

        def chunk(i, carry):
            off = ebase + i * c
            pltpu.sync_copy(src_hbm.at[pl.ds(off, c)], src_v)
            pltpu.sync_copy(dst_hbm.at[pl.ds(off, c)], dst_v)
            pltpu.sync_copy(w_hbm.at[pl.ds(off, c)], w_v)
            pltpu.async_copy(x_hbm.at[src_v], rows_v, sem).wait()

            def wmul(g, carry2):
                wg = w_v[pl.ds(g * L, L)]
                for k in range(L):
                    wb = _lane_bcast(wg, k)
                    ei = g * L + k
                    for j in range(nj):
                        sl = pl.ds(j * L, L)
                        rows_v[ei, sl] = rows_v[ei, sl] * wb
                return carry2

            lax.fori_loop(0, c // L, wmul, 0)

            pltpu.sync_copy(rows_v, acc.at[dst_v], add=True)
            return carry

        lax.fori_loop(0, nch, chunk, 0)
        plsc.subcore_barrier()

        def asrc(off, cnt):
            return acc.at[pl.ds(off, cnt)]

        def odst(off, cnt):
            return out_hbm.at[cid, pl.ds(off, cnt)]

        copy_rows(asrc, odst, rbase, stripe)

        @pl.when(sid == NS - 1)
        def _():
            copy_rows(asrc, odst, NS * stripe, tail)

    return sc_segment


def _tc_finish_body(x_ref, f_ref, w_ref, b_ref, o_ref):
    h = x_ref[...] + f_ref[0] + f_ref[1]
    y = lax.dot_general(h, w_ref[...], (((1,), (1,)), ((), ())),
                        preferred_element_type=jnp.float32)
    o_ref[...] = jnp.tanh(y + b_ref[...])


def _make_tc_finish(n, d, br):
    return pl.pallas_call(
        _tc_finish_body,
        grid=(n // br,),
        in_specs=[
            pl.BlockSpec((br, d), lambda i: (i, 0)),
            pl.BlockSpec((NC, br, d), lambda i: (0, i, 0)),
            pl.BlockSpec((d, d), lambda i: (0, 0)),
            pl.BlockSpec((1, d), lambda i: (0, 0)),
        ],
        out_specs=pl.BlockSpec((br, d), lambda i: (i, 0)),
        out_shape=jax.ShapeDtypeStruct((n, d), jnp.float32),
    )


@jax.jit
def kernel(x, edge_index, edge_weight, W, b):
    n, d = x.shape
    e = edge_index.shape[1]
    src = edge_index[0]
    dst = edge_index[1]
    ft_partial = _make_sc_segment(n, e, d)(x, src, dst, edge_weight)
    return _make_tc_finish(n, d, 400)(x, ft_partial, W, b.reshape(1, d))

# --- scband reference (transcript-rebuilt; emitter-appended) ---
"""Pipeline reference for scband-kgcn-aggregate-4629974745848 (READ-ONLY COPY).

The authoritative reference and input builder live on the scoring server;
editing this copy changes nothing except your own understanding.
"""

import jax, jax.numpy as jnp
import numpy as np

N = 10000
E = 320000
D = 128

def setup_inputs(seed: int = 0) -> dict:
    key = jax.random.key(seed)
    k1, k2, k3, k4, k5 = jax.random.split(key, 5)
    x = jax.random.normal(k1, (N, D), dtype=jnp.float32)
    edge_index = jax.random.randint(k2, (2, E), 0, N, dtype=jnp.int32)
    edge_weight = jax.random.uniform(k3, (E,), dtype=jnp.float32)
    # Learned params of self.agg = nn.Linear(in_dim, out_dim) (SUM aggregate)
    bound = 1.0 / np.sqrt(D)
    W = jax.random.uniform(k4, (D, D), dtype=jnp.float32, minval=-bound, maxval=bound)
    b = jax.random.uniform(k5, (D,), dtype=jnp.float32, minval=-bound, maxval=bound)
    return {"x": x, "edge_index": edge_index, "edge_weight": edge_weight, "W": W, "b": b}

def reference(x, edge_index, edge_weight, W, b):
    # DGL block message passing: fn.u_mul_e('embedding','weight','m'); fn.sum('m','ft')
    src = edge_index[0]
    dst = edge_index[1]
    m = x[src] * edge_weight[:, None]            # gather + elementwise (u_mul_e)
    ft = jax.ops.segment_sum(m, dst, num_segments=x.shape[0])  # scatter-add (fn.sum)
    # aggregate == 'SUM': dst embedding + aggregated neighborhood
    h = x + ft
    # final layer: tanh(Linear(h))
    item_embeddings = jnp.tanh(h @ W.T + b)
    return item_embeddings

if __name__ == "__main__":
    import jax
    _d = setup_inputs()
    print(jax.jit(kernel)(*tuple(_d.values())))

</pallas_src>

<mosaic_0001>
#map = affine_map<(d0, d1) -> (0, 0)>
#map1 = affine_map<(d0, d1) -> (0)>
#map2 = affine_map<(d0, d1) -> (0, 0, 0)>
module attributes {stable_mosaic.version = 14 : i64} {
  func.func @sc_segment(%arg0: i32, %arg1: i32, %arg2: memref<10000x128xf32, #tpu.memory_space<hbm>>, %arg3: memref<320000xi32, #tpu.memory_space<hbm>>, %arg4: memref<320000xi32, #tpu.memory_space<hbm>>, %arg5: memref<320000xf32, #tpu.memory_space<hbm>>, %arg6: memref<2x10000x128xf32, #tpu.memory_space<hbm>>, %arg7: memref<80xi32, #tpu.memory_space<vmem>>, %arg8: memref<80xi32, #tpu.memory_space<vmem>>, %arg9: memref<80xf32, #tpu.memory_space<vmem>>, %arg10: memref<80x128xf32, #tpu.memory_space<vmem>>, %arg11: memref<10000x128xf32, #tpu.memory_space<vmem_shared>>, %arg12: memref<!tpu.dma_semaphore, #tpu.memory_space<semaphore_mem>>) attributes {dimension_semantics = [#tpu.dimension_semantics<core_parallel>, #tpu.dimension_semantics<subcore_parallel>], iteration_bounds = array<i64: 2, 16>, scalar_prefetch = 0 : i64, scratch_operands = 6 : i64, tpu.core_type = #tpu.core_type<sc_vector_subcore>, window_params = [{transform_indices = #map}, {transform_indices = #map1}, {transform_indices = #map1}, {transform_indices = #map1}, {transform_indices = #map2}]} {
    %mul3A = arith.constant 2 : i32
    %mul3A_0 = arith.muli %arg1, %mul3A : i32
    %add3A = arith.addi %mul3A_0, %arg0 : i32
    %broadcast_in_dim3A = arith.constant 0.000000e+00 : f32
    %broadcast_in_dim3A_1 = vector.broadcast %broadcast_in_dim3A : f32 to vector<16xf32>
    %scan3A = arith.constant 0 : i32
    %scan3A_2 = arith.constant 0 : i32
    %scan3A_3 = arith.constant 80 : i32
    %scan3A_4 = arith.addi %scan3A_2, %scan3A_3 : i32
    %scan3A_5 = arith.constant 1 : i32
    scf.for %scan3A_89 = %scan3A_2 to %scan3A_4 step %scan3A_5  : i32 {
      %swap3A = arith.index_cast %scan3A_89 : i32 to index
      %swap3A_90 = arith.constant 0 : index
      %swap3A_91 = tpu.vector_load %arg10[%swap3A, %swap3A_90] {strides = array<i32>} : memref<80x128xf32, #tpu.memory_space<vmem>>, vector<1x16xf32>,
      %swap3A_92 = vector.shape_cast %swap3A_91 : vector<1x16xf32> to vector<16xf32>
      %swap3A_93 = vector.shape_cast %broadcast_in_dim3A_1 : vector<16xf32> to vector<1x16xf32>
      tpu.vector_store %arg10[%swap3A, %swap3A_90], %swap3A_93 {strides = array<i32>} : memref<80x128xf32, #tpu.memory_space<vmem>>, vector<1x16xf32>,
      %swap3A_94 = arith.index_cast %scan3A_89 : i32 to index
      %swap3A_95 = arith.constant 16 : index
      %swap3A_96 = tpu.vector_load %arg10[%swap3A_94, %swap3A_95] {strides = array<i32>} : memref<80x128xf32, #tpu.memory_space<vmem>>, vector<1x16xf32>,
      %swap3A_97 = vector.shape_cast %swap3A_96 : vector<1x16xf32> to vector<16xf32>
      %swap3A_98 = vector.shape_cast %broadcast_in_dim3A_1 : vector<16xf32> to vector<1x16xf32>
      tpu.vector_store %arg10[%swap3A_94, %swap3A_95], %swap3A_98 {strides = array<i32>} : memref<80x128xf32, #tpu.memory_space<vmem>>, vector<1x16xf32>,
      %swap3A_99 = arith.index_cast %scan3A_89 : i32 to index
      %swap3A_100 = arith.constant 32 : index
      %swap3A_101 = tpu.vector_load %arg10[%swap3A_99, %swap3A_100] {strides = array<i32>} : memref<80x128xf32, #tpu.memory_space<vmem>>, vector<1x16xf32>,
      %swap3A_102 = vector.shape_cast %swap3A_101 : vector<1x16xf32> to vector<16xf32>
      %swap3A_103 = vector.shape_cast %broadcast_in_dim3A_1 : vector<16xf32> to vector<1x16xf32>
      tpu.vector_store %arg10[%swap3A_99, %swap3A_100], %swap3A_103 {strides = array<i32>} : memref<80x128xf32, #tpu.memory_space<vmem>>, vector<1x16xf32>,
      %swap3A_104 = arith.index_cast %scan3A_89 : i32 to index
      %swap3A_105 = arith.constant 48 : index
      %swap3A_106 = tpu.vector_load %arg10[%swap3A_104, %swap3A_105] {strides = array<i32>} : memref<80x128xf32, #tpu.memory_space<vmem>>, vector<1x16xf32>,
      %swap3A_107 = vector.shape_cast %swap3A_106 : vector<1x16xf32> to vector<16xf32>
      %swap3A_108 = vector.shape_cast %broadcast_in_dim3A_1 : vector<16xf32> to vector<1x16xf32>
      tpu.vector_store %arg10[%swap3A_104, %swap3A_105], %swap3A_108 {strides = array<i32>} : memref<80x128xf32, #tpu.memory_space<vmem>>, vector<1x16xf32>,
      %swap3A_109 = arith.index_cast %scan3A_89 : i32 to index
      %swap3A_110 = arith.constant 64 : index
      %swap3A_111 = tpu.vector_load %arg10[%swap3A_109, %swap3A_110] {strides = array<i32>} : memref<80x128xf32, #tpu.memory_space<vmem>>, vector<1x16xf32>,
      %swap3A_112 = vector.shape_cast %swap3A_111 : vector<1x16xf32> to vector<16xf32>
      %swap3A_113 = vector.shape_cast %broadcast_in_dim3A_1 : vector<16xf32> to vector<1x16xf32>
      tpu.vector_store %arg10[%swap3A_109, %swap3A_110], %swap3A_113 {strides = array<i32>} : memref<80x128xf32, #tpu.memory_space<vmem>>, vector<1x16xf32>,
      %swap3A_114 = arith.index_cast %scan3A_89 : i32 to index
      %swap3A_115 = arith.constant 80 : index
      %swap3A_116 = tpu.vector_load %arg10[%swap3A_114, %swap3A_115] {strides = array<i32>} : memref<80x128xf32, #tpu.memory_space<vmem>>, vector<1x16xf32>,
      %swap3A_117 = vector.shape_cast %swap3A_116 : vector<1x16xf32> to vector<16xf32>
      %swap3A_118 = vector.shape_cast %broadcast_in_dim3A_1 : vector<16xf32> to vector<1x16xf32>
      tpu.vector_store %arg10[%swap3A_114, %swap3A_115], %swap3A_118 {strides = array<i32>} : memref<80x128xf32, #tpu.memory_space<vmem>>, vector<1x16xf32>,
      %swap3A_119 = arith.index_cast %scan3A_89 : i32 to index
      %swap3A_120 = arith.constant 96 : index
      %swap3A_121 = tpu.vector_load %arg10[%swap3A_119, %swap3A_120] {strides = array<i32>} : memref<80x128xf32, #tpu.memory_space<vmem>>, vector<1x16xf32>,
      %swap3A_122 = vector.shape_cast %swap3A_121 : vector<1x16xf32> to vector<16xf32>
      %swap3A_123 = vector.shape_cast %broadcast_in_dim3A_1 : vector<16xf32> to vector<1x16xf32>
      tpu.vector_store %arg10[%swap3A_119, %swap3A_120], %swap3A_123 {strides = array<i32>} : memref<80x128xf32, #tpu.memory_space<vmem>>, vector<1x16xf32>,
      %swap3A_124 = arith.index_cast %scan3A_89 : i32 to index
      %swap3A_125 = arith.constant 112 : index
      %swap3A_126 = tpu.vector_load %arg10[%swap3A_124, %swap3A_125] {strides = array<i32>} : memref<80x128xf32, #tpu.memory_space<vmem>>, vector<1x16xf32>,
      %swap3A_127 = vector.shape_cast %swap3A_126 : vector<1x16xf32> to vector<16xf32>
      %swap3A_128 = vector.shape_cast %broadcast_in_dim3A_1 : vector<16xf32> to vector<1x16xf32>
      tpu.vector_store %arg10[%swap3A_124, %swap3A_125], %swap3A_128 {strides = array<i32>} : memref<80x128xf32, #tpu.memory_space<vmem>>, vector<1x16xf32>,
    }
    %scan3A_6 = arith.constant 80 : i32
    %mul3A_7 = arith.constant 624 : i32
    %mul3A_8 = arith.muli %arg1, %mul3A_7 : i32
    %multiple_of3A = tpu.assume_multiple %mul3A_8, 8 : i32
    %add3A_9 = arith.constant 0 : i32
    %add3A_10 = arith.addi %multiple_of3A, %add3A_9 : i32
    %add3A_11 = arith.constant 0 : i32
    %add3A_12 = arith.addi %multiple_of3A, %add3A_11 : i32
    "tpu.region"() ({
      %run_scoped3A = tpu.sem_alloc : memref<!tpu.dma_semaphore, #tpu.memory_space<semaphore_mem>>
      %dma_start3A = arith.constant 0 : i32
      %dma_start3A_89 = arith.constant 0 : i32
      %dma_start3A_90 = tpu.memref_slice %arg10[%dma_start3A, %dma_start3A_89] : memref<80x128xf32, #tpu.memory_space<vmem>> -> memref<80x128xf32, #tpu.memory_space<vmem>>
      %dma_start3A_91 = arith.constant 0 : i32
      %dma_start3A_92 = tpu.memref_slice %arg11[%add3A_12, %dma_start3A_91] : memref<10000x128xf32, #tpu.memory_space<vmem_shared>> -> memref<80x128xf32, #tpu.memory_space<vmem_shared>>
      %dma_start3A_93 = arith.constant 0 : i32
      %dma_start3A_94 = tpu.memref_slice %arg11[%add3A_12, %dma_start3A_93] : memref<10000x128xf32, #tpu.memory_space<vmem_shared>> -> memref<80x128xf32, #tpu.memory_space<vmem_shared>>
      %dma_start3A_95 = arith.constant 0 : i32
      %dma_start3A_96 = arith.constant 0 : i32
      %dma_start3A_97 = tpu.memref_slice %arg10[%dma_start3A_95, %dma_start3A_96] : memref<80x128xf32, #tpu.memory_space<vmem>> -> memref<80x128xf32, #tpu.memory_space<vmem>>
      tpu.enqueue_dma source(%dma_start3A_97 : memref<80x128xf32, #tpu.memory_space<vmem>>) target(%dma_start3A_94 : memref<80x128xf32, #tpu.memory_space<vmem_shared>>) target_semaphore(%run_scoped3A : memref<!tpu.dma_semaphore, #tpu.memory_space<semaphore_mem>>)
      %dma_wait3A = arith.constant 0 : i32
      %dma_wait3A_98 = arith.constant 0 : i32
      %dma_wait3A_99 = tpu.memref_slice %arg10[%dma_wait3A, %dma_wait3A_98] : memref<80x128xf32, #tpu.memory_space<vmem>> -> memref<80x128xf32, #tpu.memory_space<vmem>>
      %dma_wait3A_100 = arith.constant 0 : i32
      %dma_wait3A_101 = tpu.memref_slice %arg11[%add3A_12, %dma_wait3A_100] : memref<10000x128xf32, #tpu.memory_space<vmem_shared>> -> memref<80x128xf32, #tpu.memory_space<vmem_shared>>
      %dma_wait3A_102 = arith.constant 0 : i32
      %dma_wait3A_103 = tpu.memref_slice %arg11[%add3A_12, %dma_wait3A_102] : memref<10000x128xf32, #tpu.memory_space<vmem_shared>> -> memref<80x128xf32, #tpu.memory_space<vmem_shared>>
      %dma_wait3A_104 = arith.constant 0 : i32
      %dma_wait3A_105 = arith.constant 0 : i32
      %dma_wait3A_106 = tpu.memref_slice %arg10[%dma_wait3A_104, %dma_wait3A_105] : memref<80x128xf32, #tpu.memory_space<vmem>> -> memref<80x128xf32, #tpu.memory_space<vmem>>
      tpu.wait_dma2 semaphore(%run_scoped3A : memref<!tpu.dma_semaphore, #tpu.memory_space<semaphore_mem>>) src(%dma_wait3A_106 : memref<80x128xf32, #tpu.memory_space<vmem>>) dst(%dma_wait3A_103 : memref<80x128xf32, #tpu.memory_space<vmem_shared>>)
      tpu.yield
    }) : () -> ()
    %add3A_13 = arith.constant 80 : i32
    %add3A_14 = arith.addi %multiple_of3A, %add3A_13 : i32
    %add3A_15 = arith.constant 80 : i32
    %add3A_16 = arith.addi %multiple_of3A, %add3A_15 : i32
    "tpu.region"() ({
      %run_scoped3A = tpu.sem_alloc : memref<!tpu.dma_semaphore, #tpu.memory_space<semaphore_mem>>
      %dma_start3A = arith.constant 0 : i32
      %dma_start3A_89 = arith.constant 0 : i32
      %dma_start3A_90 = tpu.memref_slice %arg10[%dma_start3A, %dma_start3A_89] : memref<80x128xf32, #tpu.memory_space<vmem>> -> memref<80x128xf32, #tpu.memory_space<vmem>>
      %dma_start3A_91 = arith.constant 0 : i32
      %dma_start3A_92 = tpu.memref_slice %arg11[%add3A_16, %dma_start3A_91] : memref<10000x128xf32, #tpu.memory_space<vmem_shared>> -> memref<80x128xf32, #tpu.memory_space<vmem_shared>>
      %dma_start3A_93 = arith.constant 0 : i32
      %dma_start3A_94 = tpu.memref_slice %arg11[%add3A_16, %dma_start3A_93] : memref<10000x128xf32, #tpu.memory_space<vmem_shared>> -> memref<80x128xf32, #tpu.memory_space<vmem_shared>>
      %dma_start3A_95 = arith.constant 0 : i32
      %dma_start3A_96 = arith.constant 0 : i32
      %dma_start3A_97 = tpu.memref_slice %arg10[%dma_start3A_95, %dma_start3A_96] : memref<80x128xf32, #tpu.memory_space<vmem>> -> memref<80x128xf32, #tpu.memory_space<vmem>>
      tpu.enqueue_dma source(%dma_start3A_97 : memref<80x128xf32, #tpu.memory_space<vmem>>) target(%dma_start3A_94 : memref<80x128xf32, #tpu.memory_space<vmem_shared>>) target_semaphore(%run_scoped3A : memref<!tpu.dma_semaphore, #tpu.memory_space<semaphore_mem>>)
      %dma_wait3A = arith.constant 0 : i32
      %dma_wait3A_98 = arith.constant 0 : i32
      %dma_wait3A_99 = tpu.memref_slice %arg10[%dma_wait3A, %dma_wait3A_98] : memref<80x128xf32, #tpu.memory_space<vmem>> -> memref<80x128xf32, #tpu.memory_space<vmem>>
      %dma_wait3A_100 = arith.constant 0 : i32
      %dma_wait3A_101 = tpu.memref_slice %arg11[%add3A_16, %dma_wait3A_100] : memref<10000x128xf32, #tpu.memory_space<vmem_shared>> -> memref<80x128xf32, #tpu.memory_space<vmem_shared>>
      %dma_wait3A_102 = arith.constant 0 : i32
      %dma_wait3A_103 = tpu.memref_slice %arg11[%add3A_16, %dma_wait3A_102] : memref<10000x128xf32, #tpu.memory_space<vmem_shared>> -> memref<80x128xf32, #tpu.memory_space<vmem_shared>>
      %dma_wait3A_104 = arith.constant 0 : i32
      %dma_wait3A_105 = arith.constant 0 : i32
      %dma_wait3A_106 = tpu.memref_slice %arg10[%dma_wait3A_104, %dma_wait3A_105] : memref<80x128xf32, #tpu.memory_space<vmem>> -> memref<80x128xf32, #tpu.memory_space<vmem>>
      tpu.wait_dma2 semaphore(%run_scoped3A : memref<!tpu.dma_semaphore, #tpu.memory_space<semaphore_mem>>) src(%dma_wait3A_106 : memref<80x128xf32, #tpu.memory_space<vmem>>) dst(%dma_wait3A_103 : memref<80x128xf32, #tpu.memory_space<vmem_shared>>)
      tpu.yield
    }) : () -> ()
    %add3A_17 = arith.constant 160 : i32
    %add3A_18 = arith.addi %multiple_of3A, %add3A_17 : i32
    %add3A_19 = arith.constant 160 : i32
    %add3A_20 = arith.addi %multiple_of3A, %add3A_19 : i32
    "tpu.region"() ({
      %run_scoped3A = tpu.sem_alloc : memref<!tpu.dma_semaphore, #tpu.memory_space<semaphore_mem>>
      %dma_start3A = arith.constant 0 : i32
      %dma_start3A_89 = arith.constant 0 : i32
      %dma_start3A_90 = tpu.memref_slice %arg10[%dma_start3A, %dma_start3A_89] : memref<80x128xf32, #tpu.memory_space<vmem>> -> memref<80x128xf32, #tpu.memory_space<vmem>>
      %dma_start3A_91 = arith.constant 0 : i32
      %dma_start3A_92 = tpu.memref_slice %arg11[%add3A_20, %dma_start3A_91] : memref<10000x128xf32, #tpu.memory_space<vmem_shared>> -> memref<80x128xf32, #tpu.memory_space<vmem_shared>>
      %dma_start3A_93 = arith.constant 0 : i32
      %dma_start3A_94 = tpu.memref_slice %arg11[%add3A_20, %dma_start3A_93] : memref<10000x128xf32, #tpu.memory_space<vmem_shared>> -> memref<80x128xf32, #tpu.memory_space<vmem_shared>>
      %dma_start3A_95 = arith.constant 0 : i32
      %dma_start3A_96 = arith.constant 0 : i32
      %dma_start3A_97 = tpu.memref_slice %arg10[%dma_start3A_95, %dma_start3A_96] : memref<80x128xf32, #tpu.memory_space<vmem>> -> memref<80x128xf32, #tpu.memory_space<vmem>>
      tpu.enqueue_dma source(%dma_start3A_97 : memref<80x128xf32, #tpu.memory_space<vmem>>) target(%dma_start3A_94 : memref<80x128xf32, #tpu.memory_space<vmem_shared>>) target_semaphore(%run_scoped3A : memref<!tpu.dma_semaphore, #tpu.memory_space<semaphore_mem>>)
      %dma_wait3A = arith.constant 0 : i32
      %dma_wait3A_98 = arith.constant 0 : i32
      %dma_wait3A_99 = tpu.memref_slice %arg10[%dma_wait3A, %dma_wait3A_98] : memref<80x128xf32, #tpu.memory_space<vmem>> -> memref<80x128xf32, #tpu.memory_space<vmem>>
      %dma_wait3A_100 = arith.constant 0 : i32
      %dma_wait3A_101 = tpu.memref_slice %arg11[%add3A_20, %dma_wait3A_100] : memref<10000x128xf32, #tpu.memory_space<vmem_shared>> -> memref<80x128xf32, #tpu.memory_space<vmem_shared>>
      %dma_wait3A_102 = arith.constant 0 : i32
      %dma_wait3A_103 = tpu.memref_slice %arg11[%add3A_20, %dma_wait3A_102] : memref<10000x128xf32, #tpu.memory_space<vmem_shared>> -> memref<80x128xf32, #tpu.memory_space<vmem_shared>>
      %dma_wait3A_104 = arith.constant 0 : i32
      %dma_wait3A_105 = arith.constant 0 : i32
      %dma_wait3A_106 = tpu.memref_slice %arg10[%dma_wait3A_104, %dma_wait3A_105] : memref<80x128xf32, #tpu.memory_space<vmem>> -> memref<80x128xf32, #tpu.memory_space<vmem>>
      tpu.wait_dma2 semaphore(%run_scoped3A : memref<!tpu.dma_semaphore, #tpu.memory_space<semaphore_mem>>) src(%dma_wait3A_106 : memref<80x128xf32, #tpu.memory_space<vmem>>) dst(%dma_wait3A_103 : memref<80x128xf32, #tpu.memory_space<vmem_shared>>)
      tpu.yield
    }) : () -> ()
    %add3A_21 = arith.constant 240 : i32
    %add3A_22 = arith.addi %multiple_of3A, %add3A_21 : i32
    %add3A_23 = arith.constant 240 : i32
    %add3A_24 = arith.addi %multiple_of3A, %add3A_23 : i32
    "tpu.region"() ({
      %run_scoped3A = tpu.sem_alloc : memref<!tpu.dma_semaphore, #tpu.memory_space<semaphore_mem>>
      %dma_start3A = arith.constant 0 : i32
      %dma_start3A_89 = arith.constant 0 : i32
      %dma_start3A_90 = tpu.memref_slice %arg10[%dma_start3A, %dma_start3A_89] : memref<80x128xf32, #tpu.memory_space<vmem>> -> memref<80x128xf32, #tpu.memory_space<vmem>>
      %dma_start3A_91 = arith.constant 0 : i32
      %dma_start3A_92 = tpu.memref_slice %arg11[%add3A_24, %dma_start3A_91] : memref<10000x128xf32, #tpu.memory_space<vmem_shared>> -> memref<80x128xf32, #tpu.memory_space<vmem_shared>>
      %dma_start3A_93 = arith.constant 0 : i32
      %dma_start3A_94 = tpu.memref_slice %arg11[%add3A_24, %dma_start3A_93] : memref<10000x128xf32, #tpu.memory_space<vmem_shared>> -> memref<80x128xf32, #tpu.memory_space<vmem_shared>>
      %dma_start3A_95 = arith.constant 0 : i32
      %dma_start3A_96 = arith.constant 0 : i32
      %dma_start3A_97 = tpu.memref_slice %arg10[%dma_start3A_95, %dma_start3A_96] : memref<80x128xf32, #tpu.memory_space<vmem>> -> memref<80x128xf32, #tpu.memory_space<vmem>>
      tpu.enqueue_dma source(%dma_start3A_97 : memref<80x128xf32, #tpu.memory_space<vmem>>) target(%dma_start3A_94 : memref<80x128xf32, #tpu.memory_space<vmem_shared>>) target_semaphore(%run_scoped3A : memref<!tpu.dma_semaphore, #tpu.memory_space<semaphore_mem>>)
      %dma_wait3A = arith.constant 0 : i32
      %dma_wait3A_98 = arith.constant 0 : i32
      %dma_wait3A_99 = tpu.memref_slice %arg10[%dma_wait3A, %dma_wait3A_98] : memref<80x128xf32, #tpu.memory_space<vmem>> -> memref<80x128xf32, #tpu.memory_space<vmem>>
      %dma_wait3A_100 = arith.constant 0 : i32
      %dma_wait3A_101 = tpu.memref_slice %arg11[%add3A_24, %dma_wait3A_100] : memref<10000x128xf32, #tpu.memory_space<vmem_shared>> -> memref<80x128xf32, #tpu.memory_space<vmem_shared>>
      %dma_wait3A_102 = arith.constant 0 : i32
      %dma_wait3A_103 = tpu.memref_slice %arg11[%add3A_24, %dma_wait3A_102] : memref<10000x128xf32, #tpu.memory_space<vmem_shared>> -> memref<80x128xf32, #tpu.memory_space<vmem_shared>>
      %dma_wait3A_104 = arith.constant 0 : i32
      %dma_wait3A_105 = arith.constant 0 : i32
      %dma_wait3A_106 = tpu.memref_slice %arg10[%dma_wait3A_104, %dma_wait3A_105] : memref<80x128xf32, #tpu.memory_space<vmem>> -> memref<80x128xf32, #tpu.memory_space<vmem>>
      tpu.wait_dma2 semaphore(%run_scoped3A : memref<!tpu.dma_semaphore, #tpu.memory_space<semaphore_mem>>) src(%dma_wait3A_106 : memref<80x128xf32, #tpu.memory_space<vmem>>) dst(%dma_wait3A_103 : memref<80x128xf32, #tpu.memory_space<vmem_shared>>)
      tpu.yield
    }) : () -> ()
    %add3A_25 = arith.constant 320 : i32
    %add3A_26 = arith.addi %multiple_of3A, %add3A_25 : i32
    %add3A_27 = arith.constant 320 : i32
    %add3A_28 = arith.addi %multiple_of3A, %add3A_27 : i32
    "tpu.region"() ({
      %run_scoped3A = tpu.sem_alloc : memref<!tpu.dma_semaphore, #tpu.memory_space<semaphore_mem>>
      %dma_start3A = arith.constant 0 : i32
      %dma_start3A_89 = arith.constant 0 : i32
      %dma_start3A_90 = tpu.memref_slice %arg10[%dma_start3A, %dma_start3A_89] : memref<80x128xf32, #tpu.memory_space<vmem>> -> memref<80x128xf32, #tpu.memory_space<vmem>>
      %dma_start3A_91 = arith.constant 0 : i32
      %dma_start3A_92 = tpu.memref_slice %arg11[%add3A_28, %dma_start3A_91] : memref<10000x128xf32, #tpu.memory_space<vmem_shared>> -> memref<80x128xf32, #tpu.memory_space<vmem_shared>>
      %dma_start3A_93 = arith.constant 0 : i32
      %dma_start3A_94 = tpu.memref_slice %arg11[%add3A_28, %dma_start3A_93] : memref<10000x128xf32, #tpu.memory_space<vmem_shared>> -> memref<80x128xf32, #tpu.memory_space<vmem_shared>>
      %dma_start3A_95 = arith.constant 0 : i32
      %dma_start3A_96 = arith.constant 0 : i32
      %dma_start3A_97 = tpu.memref_slice %arg10[%dma_start3A_95, %dma_start3A_96] : memref<80x128xf32, #tpu.memory_space<vmem>> -> memref<80x128xf32, #tpu.memory_space<vmem>>
      tpu.enqueue_dma source(%dma_start3A_97 : memref<80x128xf32, #tpu.memory_space<vmem>>) target(%dma_start3A_94 : memref<80x128xf32, #tpu.memory_space<vmem_shared>>) target_semaphore(%run_scoped3A : memref<!tpu.dma_semaphore, #tpu.memory_space<semaphore_mem>>)
      %dma_wait3A = arith.constant 0 : i32
      %dma_wait3A_98 = arith.constant 0 : i32
      %dma_wait3A_99 = tpu.memref_slice %arg10[%dma_wait3A, %dma_wait3A_98] : memref<80x128xf32, #tpu.memory_space<vmem>> -> memref<80x128xf32, #tpu.memory_space<vmem>>
      %dma_wait3A_100 = arith.constant 0 : i32
      %dma_wait3A_101 = tpu.memref_slice %arg11[%add3A_28, %dma_wait3A_100] : memref<10000x128xf32, #tpu.memory_space<vmem_shared>> -> memref<80x128xf32, #tpu.memory_space<vmem_shared>>
      %dma_wait3A_102 = arith.constant 0 : i32
      %dma_wait3A_103 = tpu.memref_slice %arg11[%add3A_28, %dma_wait3A_102] : memref<10000x128xf32, #tpu.memory_space<vmem_shared>> -> memref<80x128xf32, #tpu.memory_space<vmem_shared>>
      %dma_wait3A_104 = arith.constant 0 : i32
      %dma_wait3A_105 = arith.constant 0 : i32
      %dma_wait3A_106 = tpu.memref_slice %arg10[%dma_wait3A_104, %dma_wait3A_105] : memref<80x128xf32, #tpu.memory_space<vmem>> -> memref<80x128xf32, #tpu.memory_space<vmem>>
      tpu.wait_dma2 semaphore(%run_scoped3A : memref<!tpu.dma_semaphore, #tpu.memory_space<semaphore_mem>>) src(%dma_wait3A_106 : memref<80x128xf32, #tpu.memory_space<vmem>>) dst(%dma_wait3A_103 : memref<80x128xf32, #tpu.memory_space<vmem_shared>>)
      tpu.yield
    }) : () -> ()
    %add3A_29 = arith.constant 400 : i32
    %add3A_30 = arith.addi %multiple_of3A, %add3A_29 : i32
    %add3A_31 = arith.constant 400 : i32
    %add3A_32 = arith.addi %multiple_of3A, %add3A_31 : i32
    "tpu.region"() ({
      %run_scoped3A = tpu.sem_alloc : memref<!tpu.dma_semaphore, #tpu.memory_space<semaphore_mem>>
      %dma_start3A = arith.constant 0 : i32
      %dma_start3A_89 = arith.constant 0 : i32
      %dma_start3A_90 = tpu.memref_slice %arg10[%dma_start3A, %dma_start3A_89] : memref<80x128xf32, #tpu.memory_space<vmem>> -> memref<80x128xf32, #tpu.memory_space<vmem>>
      %dma_start3A_91 = arith.constant 0 : i32
      %dma_start3A_92 = tpu.memref_slice %arg11[%add3A_32, %dma_start3A_91] : memref<10000x128xf32, #tpu.memory_space<vmem_shared>> -> memref<80x128xf32, #tpu.memory_space<vmem_shared>>
      %dma_start3A_93 = arith.constant 0 : i32
      %dma_start3A_94 = tpu.memref_slice %arg11[%add3A_32, %dma_start3A_93] : memref<10000x128xf32, #tpu.memory_space<vmem_shared>> -> memref<80x128xf32, #tpu.memory_space<vmem_shared>>
      %dma_start3A_95 = arith.constant 0 : i32
      %dma_start3A_96 = arith.constant 0 : i32
      %dma_start3A_97 = tpu.memref_slice %arg10[%dma_start3A_95, %dma_start3A_96] : memref<80x128xf32, #tpu.memory_space<vmem>> -> memref<80x128xf32, #tpu.memory_space<vmem>>
      tpu.enqueue_dma source(%dma_start3A_97 : memref<80x128xf32, #tpu.memory_space<vmem>>) target(%dma_start3A_94 : memref<80x128xf32, #tpu.memory_space<vmem_shared>>) target_semaphore(%run_scoped3A : memref<!tpu.dma_semaphore, #tpu.memory_space<semaphore_mem>>)
      %dma_wait3A = arith.constant 0 : i32
      %dma_wait3A_98 = arith.constant 0 : i32
      %dma_wait3A_99 = tpu.memref_slice %arg10[%dma_wait3A, %dma_wait3A_98] : memref<80x128xf32, #tpu.memory_space<vmem>> -> memref<80x128xf32, #tpu.memory_space<vmem>>
      %dma_wait3A_100 = arith.constant 0 : i32
      %dma_wait3A_101 = tpu.memref_slice %arg11[%add3A_32, %dma_wait3A_100] : memref<10000x128xf32, #tpu.memory_space<vmem_shared>> -> memref<80x128xf32, #tpu.memory_space<vmem_shared>>
      %dma_wait3A_102 = arith.constant 0 : i32
      %dma_wait3A_103 = tpu.memref_slice %arg11[%add3A_32, %dma_wait3A_102] : memref<10000x128xf32, #tpu.memory_space<vmem_shared>> -> memref<80x128xf32, #tpu.memory_space<vmem_shared>>
      %dma_wait3A_104 = arith.constant 0 : i32
      %dma_wait3A_105 = arith.constant 0 : i32
      %dma_wait3A_106 = tpu.memref_slice %arg10[%dma_wait3A_104, %dma_wait3A_105] : memref<80x128xf32, #tpu.memory_space<vmem>> -> memref<80x128xf32, #tpu.memory_space<vmem>>
      tpu.wait_dma2 semaphore(%run_scoped3A : memref<!tpu.dma_semaphore, #tpu.memory_space<semaphore_mem>>) src(%dma_wait3A_106 : memref<80x128xf32, #tpu.memory_space<vmem>>) dst(%dma_wait3A_103 : memref<80x128xf32, #tpu.memory_space<vmem_shared>>)
      tpu.yield
    }) : () -> ()
    %add3A_33 = arith.constant 480 : i32
    %add3A_34 = arith.addi %multiple_of3A, %add3A_33 : i32
    %add3A_35 = arith.constant 480 : i32
    %add3A_36 = arith.addi %multiple_of3A, %add3A_35 : i32
    "tpu.region"() ({
      %run_scoped3A = tpu.sem_alloc : memref<!tpu.dma_semaphore, #tpu.memory_space<semaphore_mem>>
      %dma_start3A = arith.constant 0 : i32
      %dma_start3A_89 = arith.constant 0 : i32
      %dma_start3A_90 = tpu.memref_slice %arg10[%dma_start3A, %dma_start3A_89] : memref<80x128xf32, #tpu.memory_space<vmem>> -> memref<80x128xf32, #tpu.memory_space<vmem>>
      %dma_start3A_91 = arith.constant 0 : i32
      %dma_start3A_92 = tpu.memref_slice %arg11[%add3A_36, %dma_start3A_91] : memref<10000x128xf32, #tpu.memory_space<vmem_shared>> -> memref<80x128xf32, #tpu.memory_space<vmem_shared>>
      %dma_start3A_93 = arith.constant 0 : i32
      %dma_start3A_94 = tpu.memref_slice %arg11[%add3A_36, %dma_start3A_93] : memref<10000x128xf32, #tpu.memory_space<vmem_shared>> -> memref<80x128xf32, #tpu.memory_space<vmem_shared>>
      %dma_start3A_95 = arith.constant 0 : i32
      %dma_start3A_96 = arith.constant 0 : i32
      %dma_start3A_97 = tpu.memref_slice %arg10[%dma_start3A_95, %dma_start3A_96] : memref<80x128xf32, #tpu.memory_space<vmem>> -> memref<80x128xf32, #tpu.memory_space<vmem>>
      tpu.enqueue_dma source(%dma_start3A_97 : memref<80x128xf32, #tpu.memory_space<vmem>>) target(%dma_start3A_94 : memref<80x128xf32, #tpu.memory_space<vmem_shared>>) target_semaphore(%run_scoped3A : memref<!tpu.dma_semaphore, #tpu.memory_space<semaphore_mem>>)
      %dma_wait3A = arith.constant 0 : i32
      %dma_wait3A_98 = arith.constant 0 : i32
      %dma_wait3A_99 = tpu.memref_slice %arg10[%dma_wait3A, %dma_wait3A_98] : memref<80x128xf32, #tpu.memory_space<vmem>> -> memref<80x128xf32, #tpu.memory_space<vmem>>
      %dma_wait3A_100 = arith.constant 0 : i32
      %dma_wait3A_101 = tpu.memref_slice %arg11[%add3A_36, %dma_wait3A_100] : memref<10000x128xf32, #tpu.memory_space<vmem_shared>> -> memref<80x128xf32, #tpu.memory_space<vmem_shared>>
      %dma_wait3A_102 = arith.constant 0 : i32
      %dma_wait3A_103 = tpu.memref_slice %arg11[%add3A_36, %dma_wait3A_102] : memref<10000x128xf32, #tpu.memory_space<vmem_shared>> -> memref<80x128xf32, #tpu.memory_space<vmem_shared>>
      %dma_wait3A_104 = arith.constant 0 : i32
      %dma_wait3A_105 = arith.constant 0 : i32
      %dma_wait3A_106 = tpu.memref_slice %arg10[%dma_wait3A_104, %dma_wait3A_105] : memref<80x128xf32, #tpu.memory_space<vmem>> -> memref<80x128xf32, #tpu.memory_space<vmem>>
      tpu.wait_dma2 semaphore(%run_scoped3A : memref<!tpu.dma_semaphore, #tpu.memory_space<semaphore_mem>>) src(%dma_wait3A_106 : memref<80x128xf32, #tpu.memory_space<vmem>>) dst(%dma_wait3A_103 : memref<80x128xf32, #tpu.memory_space<vmem_shared>>)
      tpu.yield
    }) : () -> ()
    %add3A_37 = arith.constant 560 : i32
    %add3A_38 = arith.addi %multiple_of3A, %add3A_37 : i32
    %add3A_39 = arith.constant 560 : i32
    %add3A_40 = arith.addi %multiple_of3A, %add3A_39 : i32
    "tpu.region"() ({
      %run_scoped3A = tpu.sem_alloc : memref<!tpu.dma_semaphore, #tpu.memory_space<semaphore_mem>>
      %dma_start3A = arith.constant 0 : i32
      %dma_start3A_89 = arith.constant 0 : i32
      %dma_start3A_90 = tpu.memref_slice %arg10[%dma_start3A, %dma_start3A_89] : memref<80x128xf32, #tpu.memory_space<vmem>> -> memref<64x128xf32, #tpu.memory_space<vmem>>
      %dma_start3A_91 = arith.constant 0 : i32
      %dma_start3A_92 = tpu.memref_slice %arg11[%add3A_40, %dma_start3A_91] : memref<10000x128xf32, #tpu.memory_space<vmem_shared>> -> memref<64x128xf32, #tpu.memory_space<vmem_shared>>
      %dma_start3A_93 = arith.constant 0 : i32
      %dma_start3A_94 = tpu.memref_slice %arg11[%add3A_40, %dma_start3A_93] : memref<10000x128xf32, #tpu.memory_space<vmem_shared>> -> memref<64x128xf32, #tpu.memory_space<vmem_shared>>
      %dma_start3A_95 = arith.constant 0 : i32
      %dma_start3A_96 = arith.constant 0 : i32
      %dma_start3A_97 = tpu.memref_slice %arg10[%dma_start3A_95, %dma_start3A_96] : memref<80x128xf32, #tpu.memory_space<vmem>> -> memref<64x128xf32, #tpu.memory_space<vmem>>
      tpu.enqueue_dma source(%dma_start3A_97 : memref<64x128xf32, #tpu.memory_space<vmem>>) target(%dma_start3A_94 : memref<64x128xf32, #tpu.memory_space<vmem_shared>>) target_semaphore(%run_scoped3A : memref<!tpu.dma_semaphore, #tpu.memory_space<semaphore_mem>>)
      %dma_wait3A = arith.constant 0 : i32
      %dma_wait3A_98 = arith.constant 0 : i32
      %dma_wait3A_99 = tpu.memref_slice %arg10[%dma_wait3A, %dma_wait3A_98] : memref<80x128xf32, #tpu.memory_space<vmem>> -> memref<64x128xf32, #tpu.memory_space<vmem>>
      %dma_wait3A_100 = arith.constant 0 : i32
      %dma_wait3A_101 = tpu.memref_slice %arg11[%add3A_40, %dma_wait3A_100] : memref<10000x128xf32, #tpu.memory_space<vmem_shared>> -> memref<64x128xf32, #tpu.memory_space<vmem_shared>>
      %dma_wait3A_102 = arith.constant 0 : i32
      %dma_wait3A_103 = tpu.memref_slice %arg11[%add3A_40, %dma_wait3A_102] : memref<10000x128xf32, #tpu.memory_space<vmem_shared>> -> memref<64x128xf32, #tpu.memory_space<vmem_shared>>
      %dma_wait3A_104 = arith.constant 0 : i32
      %dma_wait3A_105 = arith.constant 0 : i32
      %dma_wait3A_106 = tpu.memref_slice %arg10[%dma_wait3A_104, %dma_wait3A_105] : memref<80x128xf32, #tpu.memory_space<vmem>> -> memref<64x128xf32, #tpu.memory_space<vmem>>
      tpu.wait_dma2 semaphore(%run_scoped3A : memref<!tpu.dma_semaphore, #tpu.memory_space<semaphore_mem>>) src(%dma_wait3A_106 : memref<64x128xf32, #tpu.memory_space<vmem>>) dst(%dma_wait3A_103 : memref<64x128xf32, #tpu.memory_space<vmem_shared>>)
      tpu.yield
    }) : () -> ()
    %eq3A = arith.constant 15 : i32
    %eq3A_41 = arith.cmpi eq, %arg1, %eq3A : i32
    %convert_element_type3A = arith.extui %eq3A_41 : i1 to i32
    %cond3A = arith.constant 0 : i32
    %cond3A_42 = arith.cmpi ne, %convert_element_type3A, %cond3A : i32
    scf.if %cond3A_42 {
      "tpu.region"() ({
        %run_scoped3A = tpu.sem_alloc : memref<!tpu.dma_semaphore, #tpu.memory_space<semaphore_mem>>
        %dma_start3A = arith.constant 0 : i32
        %dma_start3A_89 = arith.constant 0 : i32
        %dma_start3A_90 = tpu.memref_slice %arg10[%dma_start3A, %dma_start3A_89] : memref<80x128xf32, #tpu.memory_space<vmem>> -> memref<16x128xf32, #tpu.memory_space<vmem>>
        %dma_start3A_91 = arith.constant 9984 : i32
        %dma_start3A_92 = arith.constant 0 : i32
        %dma_start3A_93 = tpu.memref_slice %arg11[%dma_start3A_91, %dma_start3A_92] : memref<10000x128xf32, #tpu.memory_space<vmem_shared>> -> memref<16x128xf32, #tpu.memory_space<vmem_shared>>
        %dma_start3A_94 = arith.constant 9984 : i32
        %dma_start3A_95 = arith.constant 0 : i32
        %dma_start3A_96 = tpu.memref_slice %arg11[%dma_start3A_94, %dma_start3A_95] : memref<10000x128xf32, #tpu.memory_space<vmem_shared>> -> memref<16x128xf32, #tpu.memory_space<vmem_shared>>
        %dma_start3A_97 = arith.constant 0 : i32
        %dma_start3A_98 = arith.constant 0 : i32
        %dma_start3A_99 = tpu.memref_slice %arg10[%dma_start3A_97, %dma_start3A_98] : memref<80x128xf32, #tpu.memory_space<vmem>> -> memref<16x128xf32, #tpu.memory_space<vmem>>
        tpu.enqueue_dma source(%dma_start3A_99 : memref<16x128xf32, #tpu.memory_space<vmem>>) target(%dma_start3A_96 : memref<16x128xf32, #tpu.memory_space<vmem_shared>>) target_semaphore(%run_scoped3A : memref<!tpu.dma_semaphore, #tpu.memory_space<semaphore_mem>>)
        %dma_wait3A = arith.constant 0 : i32
        %dma_wait3A_100 = arith.constant 0 : i32
        %dma_wait3A_101 = tpu.memref_slice %arg10[%dma_wait3A, %dma_wait3A_100] : memref<80x128xf32, #tpu.memory_space<vmem>> -> memref<16x128xf32, #tpu.memory_space<vmem>>
        %dma_wait3A_102 = arith.constant 9984 : i32
        %dma_wait3A_103 = arith.constant 0 : i32
        %dma_wait3A_104 = tpu.memref_slice %arg11[%dma_wait3A_102, %dma_wait3A_103] : memref<10000x128xf32, #tpu.memory_space<vmem_shared>> -> memref<16x128xf32, #tpu.memory_space<vmem_shared>>
        %dma_wait3A_105 = arith.constant 9984 : i32
        %dma_wait3A_106 = arith.constant 0 : i32
        %dma_wait3A_107 = tpu.memref_slice %arg11[%dma_wait3A_105, %dma_wait3A_106] : memref<10000x128xf32, #tpu.memory_space<vmem_shared>> -> memref<16x128xf32, #tpu.memory_space<vmem_shared>>
        %dma_wait3A_108 = arith.constant 0 : i32
        %dma_wait3A_109 = arith.constant 0 : i32
        %dma_wait3A_110 = tpu.memref_slice %arg10[%dma_wait3A_108, %dma_wait3A_109] : memref<80x128xf32, #tpu.memory_space<vmem>> -> memref<16x128xf32, #tpu.memory_space<vmem>>
        tpu.wait_dma2 semaphore(%run_scoped3A : memref<!tpu.dma_semaphore, #tpu.memory_space<semaphore_mem>>) src(%dma_wait3A_110 : memref<16x128xf32, #tpu.memory_space<vmem>>) dst(%dma_wait3A_107 : memref<16x128xf32, #tpu.memory_space<vmem_shared>>)
        tpu.yield
      }) : () -> ()
    } else {
    }
    %barrier3A = arith.constant 0 : index
    tpu.barrier barrier_id(%barrier3A)
    %mul3A_43 = arith.constant 10000 : i32
    %mul3A_44 = arith.muli %add3A, %mul3A_43 : i32
    %scan3A_45 = arith.constant 0 : i32
    %scan3A_46 = arith.constant 0 : i32
    %scan3A_47 = arith.constant 125 : i32
    %scan3A_48 = arith.addi %scan3A_46, %scan3A_47 : i32
    %scan3A_49 = arith.constant 1 : i32
    scf.for %scan3A_89 = %scan3A_46 to %scan3A_48 step %scan3A_49  : i32 {
      %mul3A_90 = arith.constant 80 : i32
      %mul3A_91 = arith.muli %scan3A_89, %mul3A_90 : i32
      %add3A_92 = arith.addi %mul3A_44, %mul3A_91 : i32
      "tpu.region"() ({
        %run_scoped3A = tpu.sem_alloc : memref<!tpu.dma_semaphore, #tpu.memory_space<semaphore_mem>>
        %dma_start3A_103 = tpu.memref_slice %arg3[%add3A_92] : memref<320000xi32, #tpu.memory_space<hbm>> -> memref<80xi32, #tpu.memory_space<hbm>>
        %dma_start3A_104 = tpu.memref_slice %arg3[%add3A_92] : memref<320000xi32, #tpu.memory_space<hbm>> -> memref<80xi32, #tpu.memory_space<hbm>>
        tpu.enqueue_dma source(%dma_start3A_104 : memref<80xi32, #tpu.memory_space<hbm>>) target(%arg7 : memref<80xi32, #tpu.memory_space<vmem>>) target_semaphore(%run_scoped3A : memref<!tpu.dma_semaphore, #tpu.memory_space<semaphore_mem>>)
        %dma_wait3A_105 = tpu.memref_slice %arg3[%add3A_92] : memref<320000xi32, #tpu.memory_space<hbm>> -> memref<80xi32, #tpu.memory_space<hbm>>
        %dma_wait3A_106 = tpu.memref_slice %arg3[%add3A_92] : memref<320000xi32, #tpu.memory_space<hbm>> -> memref<80xi32, #tpu.memory_space<hbm>>
        tpu.wait_dma2 semaphore(%run_scoped3A : memref<!tpu.dma_semaphore, #tpu.memory_space<semaphore_mem>>) src(%dma_wait3A_106 : memref<80xi32, #tpu.memory_space<hbm>>) dst(%arg7 : memref<80xi32, #tpu.memory_space<vmem>>)
        tpu.yield
      }) : () -> ()
      "tpu.region"() ({
        %run_scoped3A = tpu.sem_alloc : memref<!tpu.dma_semaphore, #tpu.memory_space<semaphore_mem>>
        %dma_start3A_103 = tpu.memref_slice %arg4[%add3A_92] : memref<320000xi32, #tpu.memory_space<hbm>> -> memref<80xi32, #tpu.memory_space<hbm>>
        %dma_start3A_104 = tpu.memref_slice %arg4[%add3A_92] : memref<320000xi32, #tpu.memory_space<hbm>> -> memref<80xi32, #tpu.memory_space<hbm>>
        tpu.enqueue_dma source(%dma_start3A_104 : memref<80xi32, #tpu.memory_space<hbm>>) target(%arg8 : memref<80xi32, #tpu.memory_space<vmem>>) target_semaphore(%run_scoped3A : memref<!tpu.dma_semaphore, #tpu.memory_space<semaphore_mem>>)
        %dma_wait3A_105 = tpu.memref_slice %arg4[%add3A_92] : memref<320000xi32, #tpu.memory_space<hbm>> -> memref<80xi32, #tpu.memory_space<hbm>>
        %dma_wait3A_106 = tpu.memref_slice %arg4[%add3A_92] : memref<320000xi32, #tpu.memory_space<hbm>> -> memref<80xi32, #tpu.memory_space<hbm>>
        tpu.wait_dma2 semaphore(%run_scoped3A : memref<!tpu.dma_semaphore, #tpu.memory_space<semaphore_mem>>) src(%dma_wait3A_106 : memref<80xi32, #tpu.memory_space<hbm>>) dst(%arg8 : memref<80xi32, #tpu.memory_space<vmem>>)
        tpu.yield
      }) : () -> ()
      "tpu.region"() ({
        %run_scoped3A = tpu.sem_alloc : memref<!tpu.dma_semaphore, #tpu.memory_space<semaphore_mem>>
        %dma_start3A_103 = tpu.memref_slice %arg5[%add3A_92] : memref<320000xf32, #tpu.memory_space<hbm>> -> memref<80xf32, #tpu.memory_space<hbm>>
        %dma_start3A_104 = tpu.memref_slice %arg5[%add3A_92] : memref<320000xf32, #tpu.memory_space<hbm>> -> memref<80xf32, #tpu.memory_space<hbm>>
        tpu.enqueue_dma source(%dma_start3A_104 : memref<80xf32, #tpu.memory_space<hbm>>) target(%arg9 : memref<80xf32, #tpu.memory_space<vmem>>) target_semaphore(%run_scoped3A : memref<!tpu.dma_semaphore, #tpu.memory_space<semaphore_mem>>)
        %dma_wait3A_105 = tpu.memref_slice %arg5[%add3A_92] : memref<320000xf32, #tpu.memory_space<hbm>> -> memref<80xf32, #tpu.memory_space<hbm>>
        %dma_wait3A_106 = tpu.memref_slice %arg5[%add3A_92] : memref<320000xf32, #tpu.memory_space<hbm>> -> memref<80xf32, #tpu.memory_space<hbm>>
        tpu.wait_dma2 semaphore(%run_scoped3A : memref<!tpu.dma_semaphore, #tpu.memory_space<semaphore_mem>>) src(%dma_wait3A_106 : memref<80xf32, #tpu.memory_space<hbm>>) dst(%arg9 : memref<80xf32, #tpu.memory_space<vmem>>)
        tpu.yield
      }) : () -> ()
      %dma_start3A = arith.constant 0 : i32
      %dma_start3A_93 = arith.constant 0 : i32
      %dma_start3A_94 = tpu.memref_slice %arg2[%dma_start3A, %dma_start3A_93] : memref<10000x128xf32, #tpu.memory_space<hbm>> -> memref<10000x128xf32, #tpu.memory_space<hbm>>
      tpu.enqueue_indirect_dma source(%dma_start3A_94 : memref<10000x128xf32, #tpu.memory_space<hbm>>) target(%arg10 : memref<80x128xf32, #tpu.memory_space<vmem>>) offsets(%arg7 : memref<80xi32, #tpu.memory_space<vmem>>) semaphore(%arg12 : memref<!tpu.dma_semaphore, #tpu.memory_space<semaphore_mem>>)
      %dma_wait3A = arith.constant 0 : i32
      %dma_wait3A_95 = arith.constant 0 : i32
      %dma_wait3A_96 = tpu.memref_slice %arg2[%dma_wait3A, %dma_wait3A_95] : memref<10000x128xf32, #tpu.memory_space<hbm>> -> memref<10000x128xf32, #tpu.memory_space<hbm>>
      tpu.wait_indirect_dma semaphore(%arg12 : memref<!tpu.dma_semaphore, #tpu.memory_space<semaphore_mem>>) src(%dma_wait3A_96 : memref<10000x128xf32, #tpu.memory_space<hbm>>) dst(%arg10 : memref<80x128xf32, #tpu.memory_space<vmem>>)
      %scan3A_97 = arith.constant 0 : i32
      %scan3A_98 = arith.constant 0 : i32
      %scan3A_99 = arith.constant 5 : i32
      %scan3A_100 = arith.addi %scan3A_98, %scan3A_99 : i32
      %scan3A_101 = arith.constant 1 : i32
      scf.for %scan3A_103 = %scan3A_98 to %scan3A_100 step %scan3A_101  : i32 {
        %mul3A_104 = arith.constant 16 : i32
        %mul3A_105 = arith.muli %scan3A_103, %mul3A_104 : i32
        %get3A = arith.index_cast %mul3A_105 : i32 to index
        %get3A_106 = tpu.vector_load %arg9[%get3A] {strides = array<i32>} : memref<80xf32, #tpu.memory_space<vmem>>, vector<16xf32>,
        %get3A_107 = vector.shape_cast %get3A_106 : vector<16xf32> to vector<16xf32>
        %broadcast_in_dim3A_108 = arith.constant 0 : i32
        %broadcast_in_dim3A_109 = vector.broadcast %broadcast_in_dim3A_108 : i32 to vector<16x1xi32>
        %gather3A = vector.shape_cast %broadcast_in_dim3A_109 : vector<16x1xi32> to vector<16xi32>
        %gather3A_110 = tpu.dynamic_gather %get3A_107[%gather3A] in [0] : vector<16xf32>, vector<16xi32> -> vector<16xf32>
        %mul3A_111 = arith.constant 16 : i32
        %mul3A_112 = arith.muli %scan3A_103, %mul3A_111 : i32
        %add3A_113 = arith.constant 0 : i32
        %add3A_114 = arith.addi %mul3A_112, %add3A_113 : i32
        %get3A_115 = arith.index_cast %add3A_114 : i32 to index
        %get3A_116 = arith.constant 0 : index
        %get3A_117 = tpu.vector_load %arg10[%get3A_115, %get3A_116] {strides = array<i32>} : memref<80x128xf32, #tpu.memory_space<vmem>>, vector<1x16xf32>,
        %get3A_118 = vector.shape_cast %get3A_117 : vector<1x16xf32> to vector<16xf32>
        %mul3A_119 = arith.mulf %get3A_118, %gather3A_110 : vector<16xf32>
        %swap3A = arith.index_cast %add3A_114 : i32 to index
        %swap3A_120 = arith.constant 0 : index
        %swap3A_121 = tpu.vector_load %arg10[%swap3A, %swap3A_120] {strides = array<i32>} : memref<80x128xf32, #tpu.memory_space<vmem>>, vector<1x16xf32>,
        %swap3A_122 = vector.shape_cast %swap3A_121 : vector<1x16xf32> to vector<16xf32>
        %swap3A_123 = vector.shape_cast %mul3A_119 : vector<16xf32> to vector<1x16xf32>
        tpu.vector_store %arg10[%swap3A, %swap3A_120], %swap3A_123 {strides = array<i32>} : memref<80x128xf32, #tpu.memory_space<vmem>>, vector<1x16xf32>,
        %get3A_124 = arith.index_cast %add3A_114 : i32 to index
        %get3A_125 = arith.constant 16 : index
        %get3A_126 = tpu.vector_load %arg10[%get3A_124, %get3A_125] {strides = array<i32>} : memref<80x128xf32, #tpu.memory_space<vmem>>, vector<1x16xf32>,
        %get3A_127 = vector.shape_cast %get3A_126 : vector<1x16xf32> to vector<16xf32>
        %mul3A_128 = arith.mulf %get3A_127, %gather3A_110 : vector<16xf32>
        %swap3A_129 = arith.index_cast %add3A_114 : i32 to index
        %swap3A_130 = arith.constant 16 : index
        %swap3A_131 = tpu.vector_load %arg10[%swap3A_129, %swap3A_130] {strides = array<i32>} : memref<80x128xf32, #tpu.memory_space<vmem>>, vector<1x16xf32>,
        %swap3A_132 = vector.shape_cast %swap3A_131 : vector<1x16xf32> to vector<16xf32>
        %swap3A_133 = vector.shape_cast %mul3A_128 : vector<16xf32> to vector<1x16xf32>
        tpu.vector_store %arg10[%swap3A_129, %swap3A_130], %swap3A_133 {strides = array<i32>} : memref<80x128xf32, #tpu.memory_space<vmem>>, vector<1x16xf32>,
        %get3A_134 = arith.index_cast %add3A_114 : i32 to index
        %get3A_135 = arith.constant 32 : index
        %get3A_136 = tpu.vector_load %arg10[%get3A_134, %get3A_135] {strides = array<i32>} : memref<80x128xf32, #tpu.memory_space<vmem>>, vector<1x16xf32>,
        %get3A_137 = vector.shape_cast %get3A_136 : vector<1x16xf32> to vector<16xf32>
        %mul3A_138 = arith.mulf %get3A_137, %gather3A_110 : vector<16xf32>
        %swap3A_139 = arith.index_cast %add3A_114 : i32 to index
        %swap3A_140 = arith.constant 32 : index
        %swap3A_141 = tpu.vector_load %arg10[%swap3A_139, %swap3A_140] {strides = array<i32>} : memref<80x128xf32, #tpu.memory_space<vmem>>, vector<1x16xf32>,
        %swap3A_142 = vector.shape_cast %swap3A_141 : vector<1x16xf32> to vector<16xf32>
        %swap3A_143 = vector.shape_cast %mul3A_138 : vector<16xf32> to vector<1x16xf32>
        tpu.vector_store %arg10[%swap3A_139, %swap3A_140], %swap3A_143 {strides = array<i32>} : memref<80x128xf32, #tpu.memory_space<vmem>>, vector<1x16xf32>,
        %get3A_144 = arith.index_cast %add3A_114 : i32 to index
        %get3A_145 = arith.constant 48 : index
        %get3A_146 = tpu.vector_load %arg10[%get3A_144, %get3A_145] {strides = array<i32>} : memref<80x128xf32, #tpu.memory_space<vmem>>, vector<1x16xf32>,
        %get3A_147 = vector.shape_cast %get3A_146 : vector<1x16xf32> to vector<16xf32>
        %mul3A_148 = arith.mulf %get3A_147, %gather3A_110 : vector<16xf32>
        %swap3A_149 = arith.index_cast %add3A_114 : i32 to index
        %swap3A_150 = arith.constant 48 : index
        %swap3A_151 = tpu.vector_load %arg10[%swap3A_149, %swap3A_150] {strides = array<i32>} : memref<80x128xf32, #tpu.memory_space<vmem>>, vector<1x16xf32>,
        %swap3A_152 = vector.shape_cast %swap3A_151 : vector<1x16xf32> to vector<16xf32>
        %swap3A_153 = vector.shape_cast %mul3A_148 : vector<16xf32> to vector<1x16xf32>
        tpu.vector_store %arg10[%swap3A_149, %swap3A_150], %swap3A_153 {strides = array<i32>} : memref<80x128xf32, #tpu.memory_space<vmem>>, vector<1x16xf32>,
        %get3A_154 = arith.index_cast %add3A_114 : i32 to index
        %get3A_155 = arith.constant 64 : index
        %get3A_156 = tpu.vector_load %arg10[%get3A_154, %get3A_155] {strides = array<i32>} : memref<80x128xf32, #tpu.memory_space<vmem>>, vector<1x16xf32>,
        %get3A_157 = vector.shape_cast %get3A_156 : vector<1x16xf32> to vector<16xf32>
        %mul3A_158 = arith.mulf %get3A_157, %gather3A_110 : vector<16xf32>
        %swap3A_159 = arith.index_cast %add3A_114 : i32 to index
        %swap3A_160 = arith.constant 64 : index
        %swap3A_161 = tpu.vector_load %arg10[%swap3A_159, %swap3A_160] {strides = array<i32>} : memref<80x128xf32, #tpu.memory_space<vmem>>, vector<1x16xf32>,
        %swap3A_162 = vector.shape_cast %swap3A_161 : vector<1x16xf32> to vector<16xf32>
        %swap3A_163 = vector.shape_cast %mul3A_158 : vector<16xf32> to vector<1x16xf32>
        tpu.vector_store %arg10[%swap3A_159, %swap3A_160], %swap3A_163 {strides = array<i32>} : memref<80x128xf32, #tpu.memory_space<vmem>>, vector<1x16xf32>,
        %get3A_164 = arith.index_cast %add3A_114 : i32 to index
        %get3A_165 = arith.constant 80 : index
        %get3A_166 = tpu.vector_load %arg10[%get3A_164, %get3A_165] {strides = array<i32>} : memref<80x128xf32, #tpu.memory_space<vmem>>, vector<1x16xf32>,
        %get3A_167 = vector.shape_cast %get3A_166 : vector<1x16xf32> to vector<16xf32>
        %mul3A_168 = arith.mulf %get3A_167, %gather3A_110 : vector<16xf32>
        %swap3A_169 = arith.index_cast %add3A_114 : i32 to index
        %swap3A_170 = arith.constant 80 : index
        %swap3A_171 = tpu.vector_load %arg10[%swap3A_169, %swap3A_170] {strides = array<i32>} : memref<80x128xf32, #tpu.memory_space<vmem>>, vector<1x16xf32>,
        %swap3A_172 = vector.shape_cast %swap3A_171 : vector<1x16xf32> to vector<16xf32>
        %swap3A_173 = vector.shape_cast %mul3A_168 : vector<16xf32> to vector<1x16xf32>
        tpu.vector_store %arg10[%swap3A_169, %swap3A_170], %swap3A_173 {strides = array<i32>} : memref<80x128xf32, #tpu.memory_space<vmem>>, vector<1x16xf32>,
        %get3A_174 = arith.index_cast %add3A_114 : i32 to index
        %get3A_175 = arith.constant 96 : index
        %get3A_176 = tpu.vector_load %arg10[%get3A_174, %get3A_175] {strides = array<i32>} : memref<80x128xf32, #tpu.memory_space<vmem>>, vector<1x16xf32>,
        %get3A_177 = vector.shape_cast %get3A_176 : vector<1x16xf32> to vector<16xf32>
        %mul3A_178 = arith.mulf %get3A_177, %gather3A_110 : vector<16xf32>
        %swap3A_179 = arith.index_cast %add3A_114 : i32 to index
        %swap3A_180 = arith.constant 96 : index
        %swap3A_181 = tpu.vector_load %arg10[%swap3A_179, %swap3A_180] {strides = array<i32>} : memref<80x128xf32, #tpu.memory_space<vmem>>, vector<1x16xf32>,
        %swap3A_182 = vector.shape_cast %swap3A_181 : vector<1x16xf32> to vector<16xf32>
        %swap3A_183 = vector.shape_cast %mul3A_178 : vector<16xf32> to vector<1x16xf32>
        tpu.vector_store %arg10[%swap3A_179, %swap3A_180], %swap3A_183 {strides = array<i32>} : memref<80x128xf32, #tpu.memory_space<vmem>>, vector<1x16xf32>,
        %get3A_184 = arith.index_cast %add3A_114 : i32 to index
        %get3A_185 = arith.constant 112 : index
        %get3A_186 = tpu.vector_load %arg10[%get3A_184, %get3A_185] {strides = array<i32>} : memref<80x128xf32, #tpu.memory_space<vmem>>, vector<1x16xf32>,
        %get3A_187 = vector.shape_cast %get3A_186 : vector<1x16xf32> to vector<16xf32>
        %mul3A_188 = arith.mulf %get3A_187, %gather3A_110 : vector<16xf32>
        %swap3A_189 = arith.index_cast %add3A_114 : i32 to index
        %swap3A_190 = arith.constant 112 : index
        %swap3A_191 = tpu.vector_load %arg10[%swap3A_189, %swap3A_190] {strides = array<i32>} : memref<80x128xf32, #tpu.memory_space<vmem>>, vector<1x16xf32>,
        %swap3A_192 = vector.shape_cast %swap3A_191 : vector<1x16xf32> to vector<16xf32>
        %swap3A_193 = vector.shape_cast %mul3A_188 : vector<16xf32> to vector<1x16xf32>
        tpu.vector_store %arg10[%swap3A_189, %swap3A_190], %swap3A_193 {strides = array<i32>} : memref<80x128xf32, #tpu.memory_space<vmem>>, vector<1x16xf32>,
        %broadcast_in_dim3A_194 = arith.constant 1 : i32
        %broadcast_in_dim3A_195 = vector.broadcast %broadcast_in_dim3A_194 : i32 to vector<16x1xi32>
        %gather3A_196 = vector.shape_cast %broadcast_in_dim3A_195 : vector<16x1xi32> to vector<16xi32>
        %gather3A_197 = tpu.dynamic_gather %get3A_107[%gather3A_196] in [0] : vector<16xf32>, vector<16xi32> -> vector<16xf32>
        %mul3A_198 = arith.constant 16 : i32
        %mul3A_199 = arith.muli %scan3A_103, %mul3A_198 : i32
        %add3A_200 = arith.constant 1 : i32
        %add3A_201 = arith.addi %mul3A_199, %add3A_200 : i32
        %get3A_202 = arith.index_cast %add3A_201 : i32 to index
        %get3A_203 = arith.constant 0 : index
        %get3A_204 = tpu.vector_load %arg10[%get3A_202, %get3A_203] {strides = array<i32>} : memref<80x128xf32, #tpu.memory_space<vmem>>, vector<1x16xf32>,
        %get3A_205 = vector.shape_cast %get3A_204 : vector<1x16xf32> to vector<16xf32>
        %mul3A_206 = arith.mulf %get3A_205, %gather3A_197 : vector<16xf32>
        %swap3A_207 = arith.index_cast %add3A_201 : i32 to index
        %swap3A_208 = arith.constant 0 : index
        %swap3A_209 = tpu.vector_load %arg10[%swap3A_207, %swap3A_208] {strides = array<i32>} : memref<80x128xf32, #tpu.memory_space<vmem>>, vector<1x16xf32>,
        %swap3A_210 = vector.shape_cast %swap3A_209 : vector<1x16xf32> to vector<16xf32>
        %swap3A_211 = vector.shape_cast %mul3A_206 : vector<16xf32> to vector<1x16xf32>
        tpu.vector_store %arg10[%swap3A_207, %swap3A_208], %swap3A_211 {strides = array<i32>} : memref<80x128xf32, #tpu.memory_space<vmem>>, vector<1x16xf32>,
        %get3A_212 = arith.index_cast %add3A_201 : i32 to index
        %get3A_213 = arith.constant 16 : index
        %get3A_214 = tpu.vector_load %arg10[%get3A_212, %get3A_213] {strides = array<i32>} : memref<80x128xf32, #tpu.memory_space<vmem>>, vector<1x16xf32>,
        %get3A_215 = vector.shape_cast %get3A_214 : vector<1x16xf32> to vector<16xf32>
        %mul3A_216 = arith.mulf %get3A_215, %gather3A_197 : vector<16xf32>
        %swap3A_217 = arith.index_cast %add3A_201 : i32 to index
        %swap3A_218 = arith.constant 16 : index
        %swap3A_219 = tpu.vector_load %arg10[%swap3A_217, %swap3A_218] {strides = array<i32>} : memref<80x128xf32, #tpu.memory_space<vmem>>, vector<1x16xf32>,
        %swap3A_220 = vector.shape_cast %swap3A_219 : vector<1x16xf32> to vector<16xf32>
        %swap3A_221 = vector.shape_cast %mul3A_216 : vector<16xf32> to vector<1x16xf32>
        tpu.vector_store %arg10[%swap3A_217, %swap3A_218], %swap3A_221 {strides = array<i32>} : memref<80x128xf32, #tpu.memory_space<vmem>>, vector<1x16xf32>,
        %get3A_222 = arith.index_cast %add3A_201 : i32 to index
        %get3A_223 = arith.constant 32 : index
        %get3A_224 = tpu.vector_load %arg10[%get3A_222, %get3A_223] {strides = array<i32>} : memref<80x128xf32, #tpu.memory_space<vmem>>, vector<1x16xf32>,
        %get3A_225 = vector.shape_cast %get3A_224 : vector<1x16xf32> to vector<16xf32>
        %mul3A_226 = arith.mulf %get3A_225, %gather3A_197 : vector<16xf32>
        %swap3A_227 = arith.index_cast %add3A_201 : i32 to index
        %swap3A_228 = arith.constant 32 : index
        %swap3A_229 = tpu.vector_load %arg10[%swap3A_227, %swap3A_228] {strides = array<i32>} : memref<80x128xf32, #tpu.memory_space<vmem>>, vector<1x16xf32>,
        %swap3A_230 = vector.shape_cast %swap3A_229 : vector<1x16xf32> to vector<16xf32>
        %swap3A_231 = vector.shape_cast %mul3A_226 : vector<16xf32> to vector<1x16xf32>
        tpu.vector_store %arg10[%swap3A_227, %swap3A_228], %swap3A_231 {strides = array<i32>} : memref<80x128xf32, #tpu.memory_space<vmem>>, vector<1x16xf32>,
        %get3A_232 = arith.index_cast %add3A_201 : i32 to index
        %get3A_233 = arith.constant 48 : index
        %get3A_234 = tpu.vector_load %arg10[%get3A_232, %get3A_233] {strides = array<i32>} : memref<80x128xf32, #tpu.memory_space<vmem>>, vector<1x16xf32>,
        %get3A_235 = vector.shape_cast %get3A_234 : vector<1x16xf32> to vector<16xf32>
        %mul3A_236 = arith.mulf %get3A_235, %gather3A_197 : vector<16xf32>
        %swap3A_237 = arith.index_cast %add3A_201 : i32 to index
        %swap3A_238 = arith.constant 48 : index
        %swap3A_239 = tpu.vector_load %arg10[%swap3A_237, %swap3A_238] {strides = array<i32>} : memref<80x128xf32, #tpu.memory_space<vmem>>, vector<1x16xf32>,
        %swap3A_240 = vector.shape_cast %swap3A_239 : vector<1x16xf32> to vector<16xf32>
        %swap3A_241 = vector.shape_cast %mul3A_236 : vector<16xf32> to vector<1x16xf32>
        tpu.vector_store %arg10[%swap3A_237, %swap3A_238], %swap3A_241 {strides = array<i32>} : memref<80x128xf32, #tpu.memory_space<vmem>>, vector<1x16xf32>,
        %get3A_242 = arith.index_cast %add3A_201 : i32 to index
        %get3A_243 = arith.constant 64 : index
        %get3A_244 = tpu.vector_load %arg10[%get3A_242, %get3A_243] {strides = array<i32>} : memref<80x128xf32, #tpu.memory_space<vmem>>, vector<1x16xf32>,
        %get3A_245 = vector.shape_cast %get3A_244 : vector<1x16xf32> to vector<16xf32>
        %mul3A_246 = arith.mulf %get3A_245, %gather3A_197 : vector<16xf32>
        %swap3A_247 = arith.index_cast %add3A_201 : i32 to index
        %swap3A_248 = arith.constant 64 : index
        %swap3A_249 = tpu.vector_load %arg10[%swap3A_247, %swap3A_248] {strides = array<i32>} : memref<80x128xf32, #tpu.memory_space<vmem>>, vector<1x16xf32>,
        %swap3A_250 = vector.shape_cast %swap3A_249 : vector<1x16xf32> to vector<16xf32>
        %swap3A_251 = vector.shape_cast %mul3A_246 : vector<16xf32> to vector<1x16xf32>
        tpu.vector_store %arg10[%swap3A_247, %swap3A_248], %swap3A_251 {strides = array<i32>} : memref<80x128xf32, #tpu.memory_space<vmem>>, vector<1x16xf32>,
        %get3A_252 = arith.index_cast %add3A_201 : i32 to index
        %get3A_253 = arith.constant 80 : index
        %get3A_254 = tpu.vector_load %arg10[%get3A_252, %get3A_253] {strides = array<i32>} : memref<80x128xf32, #tpu.memory_space<vmem>>, vector<1x16xf32>,
        %get3A_255 = vector.shape_cast %get3A_254 : vector<1x16xf32> to vector<16xf32>
        %mul3A_256 = arith.mulf %get3A_255, %gather3A_197 : vector<16xf32>
        %swap3A_257 = arith.index_cast %add3A_201 : i32 to index
        %swap3A_258 = arith.constant 80 : index
        %swap3A_259 = tpu.vector_load %arg10[%swap3A_257, %swap3A_258] {strides = array<i32>} : memref<80x128xf32, #tpu.memory_space<vmem>>, vector<1x16xf32>,
        %swap3A_260 = vector.shape_cast %swap3A_259 : vector<1x16xf32> to vector<16xf32>
        %swap3A_261 = vector.shape_cast %mul3A_256 : vector<16xf32> to vector<1x16xf32>
        tpu.vector_store %arg10[%swap3A_257, %swap3A_258], %swap3A_261 {strides = array<i32>} : memref<80x128xf32, #tpu.memory_space<vmem>>, vector<1x16xf32>,
        %get3A_262 = arith.index_cast %add3A_201 : i32 to index
        %get3A_263 = arith.constant 96 : index
        %get3A_264 = tpu.vector_load %arg10[%get3A_262, %get3A_263] {strides = array<i32>} : memref<80x128xf32, #tpu.memory_space<vmem>>, vector<1x16xf32>,
        %get3A_265 = vector.shape_cast %get3A_264 : vector<1x16xf32> to vector<16xf32>
        %mul3A_266 = arith.mulf %get3A_265, %gather3A_197 : vector<16xf32>
        %swap3A_267 = arith.index_cast %add3A_201 : i32 to index
        %swap3A_268 = arith.constant 96 : index
        %swap3A_269 = tpu.vector_load %arg10[%swap3A_267, %swap3A_268] {strides = array<i32>} : memref<80x128xf32, #tpu.memory_space<vmem>>, vector<1x16xf32>,
        %swap3A_270 = vector.shape_cast %swap3A_269 : vector<1x16xf32> to vector<16xf32>
        %swap3A_271 = vector.shape_cast %mul3A_266 : vector<16xf32> to vector<1x16xf32>
        tpu.vector_store %arg10[%swap3A_267, %swap3A_268], %swap3A_271 {strides = array<i32>} : memref<80x128xf32, #tpu.memory_space<vmem>>, vector<1x16xf32>,
        %get3A_272 = arith.index_cast %add3A_201 : i32 to index
        %get3A_273 = arith.constant 112 : index
        %get3A_274 = tpu.vector_load %arg10[%get3A_272, %get3A_273] {strides = array<i32>} : memref<80x128xf32, #tpu.memory_space<vmem>>, vector<1x16xf32>,
        %get3A_275 = vector.shape_cast %get3A_274 : vector<1x16xf32> to vector<16xf32>
        %mul3A_276 = arith.mulf %get3A_275, %gather3A_197 : vector<16xf32>
        %swap3A_277 = arith.index_cast %add3A_201 : i32 to index
        %swap3A_278 = arith.constant 112 : index
        %swap3A_279 = tpu.vector_load %arg10[%swap3A_277, %swap3A_278] {strides = array<i32>} : memref<80x128xf32, #tpu.memory_space<vmem>>, vector<1x16xf32>,
        %swap3A_280 = vector.shape_cast %swap3A_279 : vector<1x16xf32> to vector<16xf32>
        %swap3A_281 = vector.shape_cast %mul3A_276 : vector<16xf32> to vector<1x16xf32>
        tpu.vector_store %arg10[%swap3A_277, %swap3A_278], %swap3A_281 {strides = array<i32>} : memref<80x128xf32, #tpu.memory_space<vmem>>, vector<1x16xf32>,
        %broadcast_in_dim3A_282 = arith.constant 2 : i32
        %broadcast_in_dim3A_283 = vector.broadcast %broadcast_in_dim3A_282 : i32 to vector<16x1xi32>
        %gather3A_284 = vector.shape_cast %broadcast_in_dim3A_283 : vector<16x1xi32> to vector<16xi32>
        %gather3A_285 = tpu.dynamic_gather %get3A_107[%gather3A_284] in [0] : vector<16xf32>, vector<16xi32> -> vector<16xf32>
        %mul3A_286 = arith.constant 16 : i32
        %mul3A_287 = arith.muli %scan3A_103, %mul3A_286 : i32
        %add3A_288 = arith.constant 2 : i32
        %add3A_289 = arith.addi %mul3A_287, %add3A_288 : i32
        %get3A_290 = arith.index_cast %add3A_289 : i32 to index
        %get3A_291 = arith.constant 0 : index
        %get3A_292 = tpu.vector_load %arg10[%get3A_290, %get3A_291] {strides = array<i32>} : memref<80x128xf32, #tpu.memory_space<vmem>>, vector<1x16xf32>,
        %get3A_293 = vector.shape_cast %get3A_292 : vector<1x16xf32> to vector<16xf32>
        %mul3A_294 = arith.mulf %get3A_293, %gather3A_285 : vector<16xf32>
        %swap3A_295 = arith.index_cast %add3A_289 : i32 to index
        %swap3A_296 = arith.constant 0 : index
        %swap3A_297 = tpu.vector_load %arg10[%swap3A_295, %swap3A_296] {strides = array<i32>} : memref<80x128xf32, #tpu.memory_space<vmem>>, vector<1x16xf32>,
        %swap3A_298 = vector.shape_cast %swap3A_297 : vector<1x16xf32> to vector<16xf32>
        %swap3A_299 = vector.shape_cast %mul3A_294 : vector<16xf32> to vector<1x16xf32>
        tpu.vector_store %arg10[%swap3A_295, %swap3A_296], %swap3A_299 {strides = array<i32>} : memref<80x128xf32, #tpu.memory_space<vmem>>, vector<1x16xf32>,
        %get3A_300 = arith.index_cast %add3A_289 : i32 to index
        %get3A_301 = arith.constant 16 : index
        %get3A_302 = tpu.vector_load %arg10[%get3A_300, %get3A_301] {strides = array<i32>} : memref<80x128xf32, #tpu.memory_space<vmem>>, vector<1x16xf32>,
        %get3A_303 = vector.shape_cast %get3A_302 : vector<1x16xf32> to vector<16xf32>
        %mul3A_304 = arith.mulf %get3A_303, %gather3A_285 : vector<16xf32>
        %swap3A_305 = arith.index_cast %add3A_289 : i32 to index
        %swap3A_306 = arith.constant 16 : index
        %swap3A_307 = tpu.vector_load %arg10[%swap3A_305, %swap3A_306] {strides = array<i32>} : memref<80x128xf32, #tpu.memory_space<vmem>>, vector<1x16xf32>,
        %swap3A_308 = vector.shape_cast %swap3A_307 : vector<1x16xf32> to vector<16xf32>
        %swap3A_309 = vector.shape_cast %mul3A_304 : vector<16xf32> to vector<1x16xf32>
        tpu.vector_store %arg10[%swap3A_305, %swap3A_306], %swap3A_309 {strides = array<i32>} : memref<80x128xf32, #tpu.memory_space<vmem>>, vector<1x16xf32>,
        %get3A_310 = arith.index_cast %add3A_289 : i32 to index
        %get3A_311 = arith.constant 32 : index
        %get3A_312 = tpu.vector_load %arg10[%get3A_310, %get3A_311] {strides = array<i32>} : memref<80x128xf32, #tpu.memory_space<vmem>>, vector<1x16xf32>,
        %get3A_313 = vector.shape_cast %get3A_312 : vector<1x16xf32> to vector<16xf32>
        %mul3A_314 = arith.mulf %get3A_313, %gather3A_285 : vector<16xf32>
        %swap3A_315 = arith.index_cast %add3A_289 : i32 to index
        %swap3A_316 = arith.constant 32 : index
        %swap3A_317 = tpu.vector_load %arg10[%swap3A_315, %swap3A_316] {strides = array<i32>} : memref<80x128xf32, #tpu.memory_space<vmem>>, vector<1x16xf32>,
        %swap3A_318 = vector.shape_cast %swap3A_317 : vector<1x16xf32> to vector<16xf32>
        %swap3A_319 = vector.shape_cast %mul3A_314 : vector<16xf32> to vector<1x16xf32>
        tpu.vector_store %arg10[%swap3A_315, %swap3A_316], %swap3A_319 {strides = array<i32>} : memref<80x128xf32, #tpu.memory_space<vmem>>, vector<1x16xf32>,
        %get3A_320 = arith.index_cast %add3A_289 : i32 to index
        %get3A_321 = arith.constant 48 : index
        %get3A_322 = tpu.vector_load %arg10[%get3A_320, %get3A_321] {strides = array<i32>} : memref<80x128xf32, #tpu.memory_space<vmem>>, vector<1x16xf32>,
        %get3A_323 = vector.shape_cast %get3A_322 : vector<1x16xf32> to vector<16xf32>
        %mul3A_324 = arith.mulf %get3A_323, %gather3A_285 : vector<16xf32>
        %swap3A_325 = arith.index_cast %add3A_289 : i32 to index
        %swap3A_326 = arith.constant 48 : index
        %swap3A_327 = tpu.vector_load %arg10[%swap3A_325, %swap3A_326] {strides = array<i32>} : memref<80x128xf32, #tpu.memory_space<vmem>>, vector<1x16xf32>,
        %swap3A_328 = vector.shape_cast %swap3A_327 : vector<1x16xf32> to vector<16xf32>
        %swap3A_329 = vector.shape_cast %mul3A_324 : vector<16xf32> to vector<1x16xf32>
        tpu.vector_store %arg10[%swap3A_325, %swap3A_326], %swap3A_329 {strides = array<i32>} : memref<80x128xf32, #tpu.memory_space<vmem>>, vector<1x16xf32>,
        %get3A_330 = arith.index_cast %add3A_289 : i32 to index
        %get3A_331 = arith.constant 64 : index
        %get3A_332 = tpu.vector_load %arg10[%get3A_330, %get3A_331] {strides = array<i32>} : memref<80x128xf32, #tpu.memory_space<vmem>>, vector<1x16xf32>,
        %get3A_333 = vector.shape_cast %get3A_332 : vector<1x16xf32> to vector<16xf32>
        %mul3A_334 = arith.mulf %get3A_333, %gather3A_285 : vector<16xf32>
        %swap3A_335 = arith.index_cast %add3A_289 : i32 to index
        %swap3A_336 = arith.constant 64 : index
        %swap3A_337 = tpu.vector_load %arg10[%swap3A_335, %swap3A_336] {strides = array<i32>} : memref<80x128xf32, #tpu.memory_space<vmem>>, vector<1x16xf32>,
        %swap3A_338 = vector.shape_cast %swap3A_337 : vector<1x16xf32> to vector<16xf32>
        %swap3A_339 = vector.shape_cast %mul3A_334 : vector<16xf32> to vector<1x16xf32>
        tpu.vector_store %arg10[%swap3A_335, %swap3A_336], %swap3A_339 {strides = array<i32>} : memref<80x128xf32, #tpu.memory_space<vmem>>, vector<1x16xf32>,
        %get3A_340 = arith.index_cast %add3A_289 : i32 to index
        %get3A_341 = arith.constant 80 : index
        %get3A_342 = tpu.vector_load %arg10[%get3A_340, %get3A_341] {strides = array<i32>} : memref<80x128xf32, #tpu.memory_space<vmem>>, vector<1x16xf32>,
        %get3A_343 = vector.shape_cast %get3A_342 : vector<1x16xf32> to vector<16xf32>
        %mul3A_344 = arith.mulf %get3A_343, %gather3A_285 : vector<16xf32>
        %swap3A_345 = arith.index_cast %add3A_289 : i32 to index
        %swap3A_346 = arith.constant 80 : index
        %swap3A_347 = tpu.vector_load %arg10[%swap3A_345, %swap3A_346] {strides = array<i32>} : memref<80x128xf32, #tpu.memory_space<vmem>>, vector<1x16xf32>,
        %swap3A_348 = vector.shape_cast %swap3A_347 : vector<1x16xf32> to vector<16xf32>
        %swap3A_349 = vector.shape_cast %mul3A_344 : vector<16xf32> to vector<1x16xf32>
        tpu.vector_store %arg10[%swap3A_345, %swap3A_346], %swap3A_349 {strides = array<i32>} : memref<80x128xf32, #tpu.memory_space<vmem>>, vector<1x16xf32>,
        %get3A_350 = arith.index_cast %add3A_289 : i32 to index
        %get3A_351 = arith.constant 96 : index
        %get3A_352 = tpu.vector_load %arg10[%get3A_350, %get3A_351] {strides = array<i32>} : memref<80x128xf32, #tpu.memory_space<vmem>>, vector<1x16xf32>,
        %get3A_353 = vector.shape_cast %get3A_352 : vector<1x16xf32> to vector<16xf32>
        %mul3A_354 = arith.mulf %get3A_353, %gather3A_285 : vector<16xf32>
        %swap3A_355 = arith.index_cast %add3A_289 : i32 to index
        %swap3A_356 = arith.constant 96 : index
        %swap3A_357 = tpu.vector_load %arg10[%swap3A_355, %swap3A_356] {strides = array<i32>} : memref<80x128xf32, #tpu.memory_space<vmem>>, vector<1x16xf32>,
        %swap3A_358 = vector.shape_cast %swap3A_357 : vector<1x16xf32> to vector<16xf32>
        %swap3A_359 = vector.shape_cast %mul3A_354 : vector<16xf32> to vector<1x16xf32>
        tpu.vector_store %arg10[%swap3A_355, %swap3A_356], %swap3A_359 {strides = array<i32>} : memref<80x128xf32, #tpu.memory_space<vmem>>, vector<1x16xf32>,
        %get3A_360 = arith.index_cast %add3A_289 : i32 to index
        %get3A_361 = arith.constant 112 : index
        %get3A_362 = tpu.vector_load %arg10[%get3A_360, %get3A_361] {strides = array<i32>} : memref<80x128xf32, #tpu.memory_space<vmem>>, vector<1x16xf32>,
        %get3A_363 = vector.shape_cast %get3A_362 : vector<1x16xf32> to vector<16xf32>
        %mul3A_364 = arith.mulf %get3A_363, %gather3A_285 : vector<16xf32>
        %swap3A_365 = arith.index_cast %add3A_289 : i32 to index
        %swap3A_366 = arith.constant 112 : index
        %swap3A_367 = tpu.vector_load %arg10[%swap3A_365, %swap3A_366] {strides = array<i32>} : memref<80x128xf32, #tpu.memory_space<vmem>>, vector<1x16xf32>,
        %swap3A_368 = vector.shape_cast %swap3A_367 : vector<1x16xf32> to vector<16xf32>
        %swap3A_369 = vector.shape_cast %mul3A_364 : vector<16xf32> to vector<1x16xf32>
        tpu.vector_store %arg10[%swap3A_365, %swap3A_366], %swap3A_369 {strides = array<i32>} : memref<80x128xf32, #tpu.memory_space<vmem>>, vector<1x16xf32>,
        %broadcast_in_dim3A_370 = arith.constant 3 : i32
        %broadcast_in_dim3A_371 = vector.broadcast %broadcast_in_dim3A_370 : i32 to vector<16x1xi32>
        %gather3A_372 = vector.shape_cast %broadcast_in_dim3A_371 : vector<16x1xi32> to vector<16xi32>
        %gather3A_373 = tpu.dynamic_gather %get3A_107[%gather3A_372] in [0] : vector<16xf32>, vector<16xi32> -> vector<16xf32>
        %mul3A_374 = arith.constant 16 : i32
        %mul3A_375 = arith.muli %scan3A_103, %mul3A_374 : i32
        %add3A_376 = arith.constant 3 : i32
        %add3A_377 = arith.addi %mul3A_375, %add3A_376 : i32
        %get3A_378 = arith.index_cast %add3A_377 : i32 to index
        %get3A_379 = arith.constant 0 : index
        %get3A_380 = tpu.vector_load %arg10[%get3A_378, %get3A_379] {strides = array<i32>} : memref<80x128xf32, #tpu.memory_space<vmem>>, vector<1x16xf32>,
        %get3A_381 = vector.shape_cast %get3A_380 : vector<1x16xf32> to vector<16xf32>
        %mul3A_382 = arith.mulf %get3A_381, %gather3A_373 : vector<16xf32>
        %swap3A_383 = arith.index_cast %add3A_377 : i32 to index
        %swap3A_384 = arith.constant 0 : index
        %swap3A_385 = tpu.vector_load %arg10[%swap3A_383, %swap3A_384] {strides = array<i32>} : memref<80x128xf32, #tpu.memory_space<vmem>>, vector<1x16xf32>,
        %swap3A_386 = vector.shape_cast %swap3A_385 : vector<1x16xf32> to vector<16xf32>
        %swap3A_387 = vector.shape_cast %mul3A_382 : vector<16xf32> to vector<1x16xf32>
        tpu.vector_store %arg10[%swap3A_383, %swap3A_384], %swap3A_387 {strides = array<i32>} : memref<80x128xf32, #tpu.memory_space<vmem>>, vector<1x16xf32>,
        %get3A_388 = arith.index_cast %add3A_377 : i32 to index
        %get3A_389 = arith.constant 16 : index
        %get3A_390 = tpu.vector_load %arg10[%get3A_388, %get3A_389] {strides = array<i32>} : memref<80x128xf32, #tpu.memory_space<vmem>>, vector<1x16xf32>,
        %get3A_391 = vector.shape_cast %get3A_390 : vector<1x16xf32> to vector<16xf32>
        %mul3A_392 = arith.mulf %get3A_391, %gather3A_373 : vector<16xf32>
        %swap3A_393 = arith.index_cast %add3A_377 : i32 to index
        %swap3A_394 = arith.constant 16 : index
        %swap3A_395 = tpu.vector_load %arg10[%swap3A_393, %swap3A_394] {strides = array<i32>} : memref<80x128xf32, #tpu.memory_space<vmem>>, vector<1x16xf32>,
        %swap3A_396 = vector.shape_cast %swap3A_395 : vector<1x16xf32> to vector<16xf32>
        %swap3A_397 = vector.shape_cast %mul3A_392 : vector<16xf32> to vector<1x16xf32>
        tpu.vector_store %arg10[%swap3A_393, %swap3A_394], %swap3A_397 {strides = array<i32>} : memref<80x128xf32, #tpu.memory_space<vmem>>, vector<1x16xf32>,
        %get3A_398 = arith.index_cast %add3A_377 : i32 to index
        %get3A_399 = arith.constant 32 : index
        %get3A_400 = tpu.vector_load %arg10[%get3A_398, %get3A_399] {strides = array<i32>} : memref<80x128xf32, #tpu.memory_space<vmem>>, vector<1x16xf32>,
        %get3A_401 = vector.shape_cast %get3A_400 : vector<1x16xf32> to vector<16xf32>
        %mul3A_402 = arith.mulf %get3A_401, %gather3A_373 : vector<16xf32>
        %swap3A_403 = arith.index_cast %add3A_377 : i32 to index
        %swap3A_404 = arith.constant 32 : index
        %swap3A_405 = tpu.vector_load %arg10[%swap3A_403, %swap3A_404] {strides = array<i32>} : memref<80x128xf32, #tpu.memory_space<vmem>>, vector<1x16xf32>,
        %swap3A_406 = vector.shape_cast %swap3A_405 : vector<1x16xf32> to vector<16xf32>
        %swap3A_407 = vector.shape_cast %mul3A_402 : vector<16xf32> to vector<1x16xf32>
        tpu.vector_store %arg10[%swap3A_403, %swap3A_404], %swap3A_407 {strides = array<i32>} : memref<80x128xf32, #tpu.memory_space<vmem>>, vector<1x16xf32>,
        %get3A_408 = arith.index_cast %add3A_377 : i32 to index
        %get3A_409 = arith.constant 48 : index
        %get3A_410 = tpu.vector_load %arg10[%get3A_408, %get3A_409] {strides = array<i32>} : memref<80x128xf32, #tpu.memory_space<vmem>>, vector<1x16xf32>,
        %get3A_411 = vector.shape_cast %get3A_410 : vector<1x16xf32> to vector<16xf32>
        %mul3A_412 = arith.mulf %get3A_411, %gather3A_373 : vector<16xf32>
        %swap3A_413 = arith.index_cast %add3A_377 : i32 to index
        %swap3A_414 = arith.constant 48 : index
        %swap3A_415 = tpu.vector_load %arg10[%swap3A_413, %swap3A_414] {strides = array<i32>} : memref<80x128xf32, #tpu.memory_space<vmem>>, vector<1x16xf32>,
        %swap3A_416 = vector.shape_cast %swap3A_415 : vector<1x16xf32> to vector<16xf32>
        %swap3A_417 = vector.shape_cast %mul3A_412 : vector<16xf32> to vector<1x16xf32>
        tpu.vector_store %arg10[%swap3A_413, %swap3A_414], %swap3A_417 {strides = array<i32>} : memref<80x128xf32, #tpu.memory_space<vmem>>, vector<1x16xf32>,
        %get3A_418 = arith.index_cast %add3A_377 : i32 to index
        %get3A_419 = arith.constant 64 : index
        %get3A_420 = tpu.vector_load %arg10[%get3A_418, %get3A_419] {strides = array<i32>} : memref<80x128xf32, #tpu.memory_space<vmem>>, vector<1x16xf32>,
        %get3A_421 = vector.shape_cast %get3A_420 : vector<1x16xf32> to vector<16xf32>
        %mul3A_422 = arith.mulf %get3A_421, %gather3A_373 : vector<16xf32>
        %swap3A_423 = arith.index_cast %add3A_377 : i32 to index
        %swap3A_424 = arith.constant 64 : index
        %swap3A_425 = tpu.vector_load %arg10[%swap3A_423, %swap3A_424] {strides = array<i32>} : memref<80x128xf32, #tpu.memory_space<vmem>>, vector<1x16xf32>,
        %swap3A_426 = vector.shape_cast %swap3A_425 : vector<1x16xf32> to vector<16xf32>
        %swap3A_427 = vector.shape_cast %mul3A_422 : vector<16xf32> to vector<1x16xf32>
        tpu.vector_store %arg10[%swap3A_423, %swap3A_424], %swap3A_427 {strides = array<i32>} : memref<80x128xf32, #tpu.memory_space<vmem>>, vector<1x16xf32>,
        %get3A_428 = arith.index_cast %add3A_377 : i32 to index
        %get3A_429 = arith.constant 80 : index
        %get3A_430 = tpu.vector_load %arg10[%get3A_428, %get3A_429] {strides = array<i32>} : memref<80x128xf32, #tpu.memory_space<vmem>>, vector<1x16xf32>,
        %get3A_431 = vector.shape_cast %get3A_430 : vector<1x16xf32> to vector<16xf32>
        %mul3A_432 = arith.mulf %get3A_431, %gather3A_373 : vector<16xf32>
        %swap3A_433 = arith.index_cast %add3A_377 : i32 to index
        %swap3A_434 = arith.constant 80 : index
        %swap3A_435 = tpu.vector_load %arg10[%swap3A_433, %swap3A_434] {strides = array<i32>} : memref<80x128xf32, #tpu.memory_space<vmem>>, vector<1x16xf32>,
        %swap3A_436 = vector.shape_cast %swap3A_435 : vector<1x16xf32> to vector<16xf32>
        %swap3A_437 = vector.shape_cast %mul3A_432 : vector<16xf32> to vector<1x16xf32>
        tpu.vector_store %arg10[%swap3A_433, %swap3A_434], %swap3A_437 {strides = array<i32>} : memref<80x128xf32, #tpu.memory_space<vmem>>, vector<1x16xf32>,
        %get3A_438 = arith.index_cast %add3A_377 : i32 to index
        %get3A_439 = arith.constant 96 : index
        %get3A_440 = tpu.vector_load %arg10[%get3A_438, %get3A_439] {strides = array<i32>} : memref<80x128xf32, #tpu.memory_space<vmem>>, vector<1x16xf32>,
        %get3A_441 = vector.shape_cast %get3A_440 : vector<1x16xf32> to vector<16xf32>
        %mul3A_442 = arith.mulf %get3A_441, %gather3A_373 : vector<16xf32>
        %swap3A_443 = arith.index_cast %add3A_377 : i32 to index
        %swap3A_444 = arith.constant 96 : index
        %swap3A_445 = tpu.vector_load %arg10[%swap3A_443, %swap3A_444] {strides = array<i32>} : memref<80x128xf32, #tpu.memory_space<vmem>>, vector<1x16xf32>,
        %swap3A_446 = vector.shape_cast %swap3A_445 : vector<1x16xf32> to vector<16xf32>
        %swap3A_447 = vector.shape_cast %mul3A_442 : vector<16xf32> to vector<1x16xf32>
        tpu.vector_store %arg10[%swap3A_443, %swap3A_444], %swap3A_447 {strides = array<i32>} : memref<80x128xf32, #tpu.memory_space<vmem>>, vector<1x16xf32>,
        %get3A_448 = arith.index_cast %add3A_377 : i32 to index
        %get3A_449 = arith.constant 112 : index
        %get3A_450 = tpu.vector_load %arg10[%get3A_448, %get3A_449] {strides = array<i32>} : memref<80x128xf32, #tpu.memory_space<vmem>>, vector<1x16xf32>,
        %get3A_451 = vector.shape_cast %get3A_450 : vector<1x16xf32> to vector<16xf32>
        %mul3A_452 = arith.mulf %get3A_451, %gather3A_373 : vector<16xf32>
        %swap3A_453 = arith.index_cast %add3A_377 : i32 to index
        %swap3A_454 = arith.constant 112 : index
        %swap3A_455 = tpu.vector_load %arg10[%swap3A_453, %swap3A_454] {strides = array<i32>} : memref<80x128xf32, #tpu.memory_space<vmem>>, vector<1x16xf32>,
        %swap3A_456 = vector.shape_cast %swap3A_455 : vector<1x16xf32> to vector<16xf32>
        %swap3A_457 = vector.shape_cast %mul3A_452 : vector<16xf32> to vector<1x16xf32>
        tpu.vector_store %arg10[%swap3A_453, %swap3A_454], %swap3A_457 {strides = array<i32>} : memref<80x128xf32, #tpu.memory_space<vmem>>, vector<1x16xf32>,
        %broadcast_in_dim3A_458 = arith.constant 4 : i32
        %broadcast_in_dim3A_459 = vector.broadcast %broadcast_in_dim3A_458 : i32 to vector<16x1xi32>
        %gather3A_460 = vector.shape_cast %broadcast_in_dim3A_459 : vector<16x1xi32> to vector<16xi32>
        %gather3A_461 = tpu.dynamic_gather %get3A_107[%gather3A_460] in [0] : vector<16xf32>, vector<16xi32> -> vector<16xf32>
        %mul3A_462 = arith.constant 16 : i32
        %mul3A_463 = arith.muli %scan3A_103, %mul3A_462 : i32
        %add3A_464 = arith.constant 4 : i32
        %add3A_465 = arith.addi %mul3A_463, %add3A_464 : i32
        %get3A_466 = arith.index_cast %add3A_465 : i32 to index
        %get3A_467 = arith.constant 0 : index
        %get3A_468 = tpu.vector_load %arg10[%get3A_466, %get3A_467] {strides = array<i32>} : memref<80x128xf32, #tpu.memory_space<vmem>>, vector<1x16xf32>,
        %get3A_469 = vector.shape_cast %get3A_468 : vector<1x16xf32> to vector<16xf32>
        %mul3A_470 = arith.mulf %get3A_469, %gather3A_461 : vector<16xf32>
        %swap3A_471 = arith.index_cast %add3A_465 : i32 to index
        %swap3A_472 = arith.constant 0 : index
        %swap3A_473 = tpu.vector_load %arg10[%swap3A_471, %swap3A_472] {strides = array<i32>} : memref<80x128xf32, #tpu.memory_space<vmem>>, vector<1x16xf32>,
        %swap3A_474 = vector.shape_cast %swap3A_473 : vector<1x16xf32> to vector<16xf32>
        %swap3A_475 = vector.shape_cast %mul3A_470 : vector<16xf32> to vector<1x16xf32>
        tpu.vector_store %arg10[%swap3A_471, %swap3A_472], %swap3A_475 {strides = array<i32>} : memref<80x128xf32, #tpu.memory_space<vmem>>, vector<1x16xf32>,
        %get3A_476 = arith.index_cast %add3A_465 : i32 to index
        %get3A_477 = arith.constant 16 : index
        %get3A_478 = tpu.vector_load %arg10[%get3A_476, %get3A_477] {strides = array<i32>} : memref<80x128xf32, #tpu.memory_space<vmem>>, vector<1x16xf32>,
        %get3A_479 = vector.shape_cast %get3A_478 : vector<1x16xf32> to vector<16xf32>
        %mul3A_480 = arith.mulf %get3A_479, %gather3A_461 : vector<16xf32>
        %swap3A_481 = arith.index_cast %add3A_465 : i32 to index
        %swap3A_482 = arith.constant 16 : index
        %swap3A_483 = tpu.vector_load %arg10[%swap3A_481, %swap3A_482] {strides = array<i32>} : memref<80x128xf32, #tpu.memory_space<vmem>>, vector<1x16xf32>,
        %swap3A_484 = vector.shape_cast %swap3A_483 : vector<1x16xf32> to vector<16xf32>
        %swap3A_485 = vector.shape_cast %mul3A_480 : vector<16xf32> to vector<1x16xf32>
        tpu.vector_store %arg10[%swap3A_481, %swap3A_482], %swap3A_485 {strides = array<i32>} : memref<80x128xf32, #tpu.memory_space<vmem>>, vector<1x16xf32>,
        %get3A_486 = arith.index_cast %add3A_465 : i32 to index
        %get3A_487 = arith.constant 32 : index
        %get3A_488 = tpu.vector_load %arg10[%get3A_486, %get3A_487] {strides = array<i32>} : memref<80x128xf32, #tpu.memory_space<vmem>>, vector<1x16xf32>,
        %get3A_489 = vector.shape_cast %get3A_488 : vector<1x16xf32> to vector<16xf32>
        %mul3A_490 = arith.mulf %get3A_489, %gather3A_461 : vector<16xf32>
        %swap3A_491 = arith.index_cast %add3A_465 : i32 to index
        %swap3A_492 = arith.constant 32 : index
        %swap3A_493 = tpu.vector_load %arg10[%swap3A_491, %swap3A_492] {strides = array<i32>} : memref<80x128xf32, #tpu.memory_space<vmem>>, vector<1x16xf32>,
        %swap3A_494 = vector.shape_cast %swap3A_493 : vector<1x16xf32> to vector<16xf32>
        %swap3A_495 = vector.shape_cast %mul3A_490 : vector<16xf32> to vector<1x16xf32>
        tpu.vector_store %arg10[%swap3A_491, %swap3A_492], %swap3A_495 {strides = array<i32>} : memref<80x128xf32, #tpu.memory_space<vmem>>, vector<1x16xf32>,
        %get3A_496 = arith.index_cast %add3A_465 : i32 to index
        %get3A_497 = arith.constant 48 : index
        %get3A_498 = tpu.vector_load %arg10[%get3A_496, %get3A_497] {strides = array<i32>} : memref<80x128xf32, #tpu.memory_space<vmem>>, vector<1x16xf32>,
        %get3A_499 = vector.shape_cast %get3A_498 : vector<1x16xf32> to vector<16xf32>
        %mul3A_500 = arith.mulf %get3A_499, %gather3A_461 : vector<16xf32>
        %swap3A_501 = arith.index_cast %add3A_465 : i32 to index
        %swap3A_502 = arith.constant 48 : index
        %swap3A_503 = tpu.vector_load %arg10[%swap3A_501, %swap3A_502] {strides = array<i32>} : memref<80x128xf32, #tpu.memory_space<vmem>>, vector<1x16xf32>,
        %swap3A_504 = vector.shape_cast %swap3A_503 : vector<1x16xf32> to vector<16xf32>
        %swap3A_505 = vector.shape_cast %mul3A_500 : vector<16xf32> to vector<1x16xf32>
        tpu.vector_store %arg10[%swap3A_501, %swap3A_502], %swap3A_505 {strides = array<i32>} : memref<80x128xf32, #tpu.memory_space<vmem>>, vector<1x16xf32>,
        %get3A_506 = arith.index_cast %add3A_465 : i32 to index
        %get3A_507 = arith.constant 64 : index
        %get3A_508 = tpu.vector_load %arg10[%get3A_506, %get3A_507] {strides = array<i32>} : memref<80x128xf32, #tpu.memory_space<vmem>>, vector<1x16xf32>,
        %get3A_509 = vector.shape_cast %get3A_508 : vector<1x16xf32> to vector<16xf32>
        %mul3A_510 = arith.mulf %get3A_509, %gather3A_461 : vector<16xf32>
        %swap3A_511 = arith.index_cast %add3A_465 : i32 to index
        %swap3A_512 = arith.constant 64 : index
        %swap3A_513 = tpu.vector_load %arg10[%swap3A_511, %swap3A_512] {strides = array<i32>} : memref<80x128xf32, #tpu.memory_space<vmem>>, vector<1x16xf32>,
        %swap3A_514 = vector.shape_cast %swap3A_513 : vector<1x16xf32> to vector<16xf32>
        %swap3A_515 = vector.shape_cast %mul3A_510 : vector<16xf32> to vector<1x16xf32>
        tpu.vector_store %arg10[%swap3A_511, %swap3A_512], %swap3A_515 {strides = array<i32>} : memref<80x128xf32, #tpu.memory_space<vmem>>, vector<1x16xf32>,
        %get3A_516 = arith.index_cast %add3A_465 : i32 to index
        %get3A_517 = arith.constant 80 : index
        %get3A_518 = tpu.vector_load %arg10[%get3A_516, %get3A_517] {strides = array<i32>} : memref<80x128xf32, #tpu.memory_space<vmem>>, vector<1x16xf32>,
        %get3A_519 = vector.shape_cast %get3A_518 : vector<1x16xf32> to vector<16xf32>
        %mul3A_520 = arith.mulf %get3A_519, %gather3A_461 : vector<16xf32>
        %swap3A_521 = arith.index_cast %add3A_465 : i32 to index
        %swap3A_522 = arith.constant 80 : index
        %swap3A_523 = tpu.vector_load %arg10[%swap3A_521, %swap3A_522] {strides = array<i32>} : memref<80x128xf32, #tpu.memory_space<vmem>>, vector<1x16xf32>,
        %swap3A_524 = vector.shape_cast %swap3A_523 : vector<1x16xf32> to vector<16xf32>
        %swap3A_525 = vector.shape_cast %mul3A_520 : vector<16xf32> to vector<1x16xf32>
        tpu.vector_store %arg10[%swap3A_521, %swap3A_522], %swap3A_525 {strides = array<i32>} : memref<80x128xf32, #tpu.memory_space<vmem>>, vector<1x16xf32>,
        %get3A_526 = arith.index_cast %add3A_465 : i32 to index
        %get3A_527 = arith.constant 96 : index
        %get3A_528 = tpu.vector_load %arg10[%get3A_526, %get3A_527] {strides = array<i32>} : memref<80x128xf32, #tpu.memory_space<vmem>>, vector<1x16xf32>,
        %get3A_529 = vector.shape_cast %get3A_528 : vector<1x16xf32> to vector<16xf32>
        %mul3A_530 = arith.mulf %get3A_529, %gather3A_461 : vector<16xf32>
        %swap3A_531 = arith.index_cast %add3A_465 : i32 to index
        %swap3A_532 = arith.constant 96 : index
        %swap3A_533 = tpu.vector_load %arg10[%swap3A_531, %swap3A_532] {strides = array<i32>} : memref<80x128xf32, #tpu.memory_space<vmem>>, vector<1x16xf32>,
        %swap3A_534 = vector.shape_cast %swap3A_533 : vector<1x16xf32> to vector<16xf32>
        %swap3A_535 = vector.shape_cast %mul3A_530 : vector<16xf32> to vector<1x16xf32>
        tpu.vector_store %arg10[%swap3A_531, %swap3A_532], %swap3A_535 {strides = array<i32>} : memref<80x128xf32, #tpu.memory_space<vmem>>, vector<1x16xf32>,
        %get3A_536 = arith.index_cast %add3A_465 : i32 to index
        %get3A_537 = arith.constant 112 : index
        %get3A_538 = tpu.vector_load %arg10[%get3A_536, %get3A_537] {strides = array<i32>} : memref<80x128xf32, #tpu.memory_space<vmem>>, vector<1x16xf32>,
        %get3A_539 = vector.shape_cast %get3A_538 : vector<1x16xf32> to vector<16xf32>
        %mul3A_540 = arith.mulf %get3A_539, %gather3A_461 : vector<16xf32>
        %swap3A_541 = arith.index_cast %add3A_465 : i32 to index
        %swap3A_542 = arith.constant 112 : index
        %swap3A_543 = tpu.vector_load %arg10[%swap3A_541, %swap3A_542] {strides = array<i32>} : memref<80x128xf32, #tpu.memory_space<vmem>>, vector<1x16xf32>,
        %swap3A_544 = vector.shape_cast %swap3A_543 : vector<1x16xf32> to vector<16xf32>
        %swap3A_545 = vector.shape_cast %mul3A_540 : vector<16xf32> to vector<1x16xf32>
        tpu.vector_store %arg10[%swap3A_541, %swap3A_542], %swap3A_545 {strides = array<i32>} : memref<80x128xf32, #tpu.memory_space<vmem>>, vector<1x16xf32>,
        %broadcast_in_dim3A_546 = arith.constant 5 : i32
        %broadcast_in_dim3A_547 = vector.broadcast %broadcast_in_dim3A_546 : i32 to vector<16x1xi32>
        %gather3A_548 = vector.shape_cast %broadcast_in_dim3A_547 : vector<16x1xi32> to vector<16xi32>
        %gather3A_549 = tpu.dynamic_gather %get3A_107[%gather3A_548] in [0] : vector<16xf32>, vector<16xi32> -> vector<16xf32>
        %mul3A_550 = arith.constant 16 : i32
        %mul3A_551 = arith.muli %scan3A_103, %mul3A_550 : i32
        %add3A_552 = arith.constant 5 : i32
        %add3A_553 = arith.addi %mul3A_551, %add3A_552 : i32
        %get3A_554 = arith.index_cast %add3A_553 : i32 to index
        %get3A_555 = arith.constant 0 : index
        %get3A_556 = tpu.vector_load %arg10[%get3A_554, %get3A_555] {strides = array<i32>} : memref<80x128xf32, #tpu.memory_space<vmem>>, vector<1x16xf32>,
        %get3A_557 = vector.shape_cast %get3A_556 : vector<1x16xf32> to vector<16xf32>
        %mul3A_558 = arith.mulf %get3A_557, %gather3A_549 : vector<16xf32>
        %swap3A_559 = arith.index_cast %add3A_553 : i32 to index
        %swap3A_560 = arith.constant 0 : index
        %swap3A_561 = tpu.vector_load %arg10[%swap3A_559, %swap3A_560] {strides = array<i32>} : memref<80x128xf32, #tpu.memory_space<vmem>>, vector<1x16xf32>,
        %swap3A_562 = vector.shape_cast %swap3A_561 : vector<1x16xf32> to vector<16xf32>
        %swap3A_563 = vector.shape_cast %mul3A_558 : vector<16xf32> to vector<1x16xf32>
        tpu.vector_store %arg10[%swap3A_559, %swap3A_560], %swap3A_563 {strides = array<i32>} : memref<80x128xf32, #tpu.memory_space<vmem>>, vector<1x16xf32>,
        %get3A_564 = arith.index_cast %add3A_553 : i32 to index
        %get3A_565 = arith.constant 16 : index
        %get3A_566 = tpu.vector_load %arg10[%get3A_564, %get3A_565] {strides = array<i32>} : memref<80x128xf32, #tpu.memory_space<vmem>>, vector<1x16xf32>,
        %get3A_567 = vector.shape_cast %get3A_566 : vector<1x16xf32> to vector<16xf32>
        %mul3A_568 = arith.mulf %get3A_567, %gather3A_549 : vector<16xf32>
        %swap3A_569 = arith.index_cast %add3A_553 : i32 to index
        %swap3A_570 = arith.constant 16 : index
        %swap3A_571 = tpu.vector_load %arg10[%swap3A_569, %swap3A_570] {strides = array<i32>} : memref<80x128xf32, #tpu.memory_space<vmem>>, vector<1x16xf32>,
        %swap3A_572 = vector.shape_cast %swap3A_571 : vector<1x16xf32> to vector<16xf32>
        %swap3A_573 = vector.shape_cast %mul3A_568 : vector<16xf32> to vector<1x16xf32>
        tpu.vector_store %arg10[%swap3A_569, %swap3A_570], %swap3A_573 {strides = array<i32>} : memref<80x128xf32, #tpu.memory_space<vmem>>, vector<1x16xf32>,
        %get3A_574 = arith.index_cast %add3A_553 : i32 to index
        %get3A_575 = arith.constant 32 : index
        %get3A_576 = tpu.vector_load %arg10[%get3A_574, %get3A_575] {strides = array<i32>} : memref<80x128xf32, #tpu.memory_space<vmem>>, vector<1x16xf32>,
        %get3A_577 = vector.shape_cast %get3A_576 : vector<1x16xf32> to vector<16xf32>
        %mul3A_578 = arith.mulf %get3A_577, %gather3A_549 : vector<16xf32>
        %swap3A_579 = arith.index_cast %add3A_553 : i32 to index
        %swap3A_580 = arith.constant 32 : index
        %swap3A_581 = tpu.vector_load %arg10[%swap3A_579, %swap3A_580] {strides = array<i32>} : memref<80x128xf32, #tpu.memory_space<vmem>>, vector<1x16xf32>,
        %swap3A_582 = vector.shape_cast %swap3A_581 : vector<1x16xf32> to vector<16xf32>
        %swap3A_583 = vector.shape_cast %mul3A_578 : vector<16xf32> to vector<1x16xf32>
        tpu.vector_store %arg10[%swap3A_579, %swap3A_580], %swap3A_583 {strides = array<i32>} : memref<80x128xf32, #tpu.memory_space<vmem>>, vector<1x16xf32>,
        %get3A_584 = arith.index_cast %add3A_553 : i32 to index
        %get3A_585 = arith.constant 48 : index
        %get3A_586 = tpu.vector_load %arg10[%get3A_584, %get3A_585] {strides = array<i32>} : memref<80x128xf32, #tpu.memory_space<vmem>>, vector<1x16xf32>,
        %get3A_587 = vector.shape_cast %get3A_586 : vector<1x16xf32> to vector<16xf32>
        %mul3A_588 = arith.mulf %get3A_587, %gather3A_549 : vector<16xf32>
        %swap3A_589 = arith.index_cast %add3A_553 : i32 to index
        %swap3A_590 = arith.constant 48 : index
        %swap3A_591 = tpu.vector_load %arg10[%swap3A_589, %swap3A_590] {strides = array<i32>} : memref<80x128xf32, #tpu.memory_space<vmem>>, vector<1x16xf32>,
        %swap3A_592 = vector.shape_cast %swap3A_591 : vector<1x16xf32> to vector<16xf32>
        %swap3A_593 = vector.shape_cast %mul3A_588 : vector<16xf32> to vector<1x16xf32>
        tpu.vector_store %arg10[%swap3A_589, %swap3A_590], %swap3A_593 {strides = array<i32>} : memref<80x128xf32, #tpu.memory_space<vmem>>, vector<1x16xf32>,
        %get3A_594 = arith.index_cast %add3A_553 : i32 to index
        %get3A_595 = arith.constant 64 : index
        %get3A_596 = tpu.vector_load %arg10[%get3A_594, %get3A_595] {strides = array<i32>} : memref<80x128xf32, #tpu.memory_space<vmem>>, vector<1x16xf32>,
        %get3A_597 = vector.shape_cast %get3A_596 : vector<1x16xf32> to vector<16xf32>
        %mul3A_598 = arith.mulf %get3A_597, %gather3A_549 : vector<16xf32>
        %swap3A_599 = arith.index_cast %add3A_553 : i32 to index
        %swap3A_600 = arith.constant 64 : index
        %swap3A_601 = tpu.vector_load %arg10[%swap3A_599, %swap3A_600] {strides = array<i32>} : memref<80x128xf32, #tpu.memory_space<vmem>>, vector<1x16xf32>,
        %swap3A_602 = vector.shape_cast %swap3A_601 : vector<1x16xf32> to vector<16xf32>
        %swap3A_603 = vector.shape_cast %mul3A_598 : vector<16xf32> to vector<1x16xf32>
        tpu.vector_store %arg10[%swap3A_599, %swap3A_600], %swap3A_603 {strides = array<i32>} : memref<80x128xf32, #tpu.memory_space<vmem>>, vector<1x16xf32>,
        %get3A_604 = arith.index_cast %add3A_553 : i32 to index
        %get3A_605 = arith.constant 80 : index
        %get3A_606 = tpu.vector_load %arg10[%get3A_604, %get3A_605] {strides = array<i32>} : memref<80x128xf32, #tpu.memory_space<vmem>>, vector<1x16xf32>,
        %get3A_607 = vector.shape_cast %get3A_606 : vector<1x16xf32> to vector<16xf32>
        %mul3A_608 = arith.mulf %get3A_607, %gather3A_549 : vector<16xf32>
        %swap3A_609 = arith.index_cast %add3A_553 : i32 to index
        %swap3A_610 = arith.constant 80 : index
        %swap3A_611 = tpu.vector_load %arg10[%swap3A_609, %swap3A_610] {strides = array<i32>} : memref<80x128xf32, #tpu.memory_space<vmem>>, vector<1x16xf32>,
        %swap3A_612 = vector.shape_cast %swap3A_611 : vector<1x16xf32> to vector<16xf32>
        %swap3A_613 = vector.shape_cast %mul3A_608 : vector<16xf32> to vector<1x16xf32>
        tpu.vector_store %arg10[%swap3A_609, %swap3A_610], %swap3A_613 {strides = array<i32>} : memref<80x128xf32, #tpu.memory_space<vmem>>, vector<1x16xf32>,
        %get3A_614 = arith.index_cast %add3A_553 : i32 to index
        %get3A_615 = arith.constant 96 : index
        %get3A_616 = tpu.vector_load %arg10[%get3A_614, %get3A_615] {strides = array<i32>} : memref<80x128xf32, #tpu.memory_space<vmem>>, vector<1x16xf32>,
        %get3A_617 = vector.shape_cast %get3A_616 : vector<1x16xf32> to vector<16xf32>
        %mul3A_618 = arith.mulf %get3A_617, %gather3A_549 : vector<16xf32>
        %swap3A_619 = arith.index_cast %add3A_553 : i32 to index
        %swap3A_620 = arith.constant 96 : index
        %swap3A_621 = tpu.vector_load %arg10[%swap3A_619, %swap3A_620] {strides = array<i32>} : memref<80x128xf32, #tpu.memory_space<vmem>>, vector<1x16xf32>,
        %swap3A_622 = vector.shape_cast %swap3A_621 : vector<1x16xf32> to vector<16xf32>
        %swap3A_623 = vector.shape_cast %mul3A_618 : vector<16xf32> to vector<1x16xf32>
        tpu.vector_store %arg10[%swap3A_619, %swap3A_620], %swap3A_623 {strides = array<i32>} : memref<80x128xf32, #tpu.memory_space<vmem>>, vector<1x16xf32>,
        %get3A_624 = arith.index_cast %add3A_553 : i32 to index
        %get3A_625 = arith.constant 112 : index
        %get3A_626 = tpu.vector_load %arg10[%get3A_624, %get3A_625] {strides = array<i32>} : memref<80x128xf32, #tpu.memory_space<vmem>>, vector<1x16xf32>,
        %get3A_627 = vector.shape_cast %get3A_626 : vector<1x16xf32> to vector<16xf32>
        %mul3A_628 = arith.mulf %get3A_627, %gather3A_549 : vector<16xf32>
        %swap3A_629 = arith.index_cast %add3A_553 : i32 to index
        %swap3A_630 = arith.constant 112 : index
        %swap3A_631 = tpu.vector_load %arg10[%swap3A_629, %swap3A_630] {strides = array<i32>} : memref<80x128xf32, #tpu.memory_space<vmem>>, vector<1x16xf32>,
        %swap3A_632 = vector.shape_cast %swap3A_631 : vector<1x16xf32> to vector<16xf32>
        %swap3A_633 = vector.shape_cast %mul3A_628 : vector<16xf32> to vector<1x16xf32>
        tpu.vector_store %arg10[%swap3A_629, %swap3A_630], %swap3A_633 {strides = array<i32>} : memref<80x128xf32, #tpu.memory_space<vmem>>, vector<1x16xf32>,
        %broadcast_in_dim3A_634 = arith.constant 6 : i32
        %broadcast_in_dim3A_635 = vector.broadcast %broadcast_in_dim3A_634 : i32 to vector<16x1xi32>
        %gather3A_636 = vector.shape_cast %broadcast_in_dim3A_635 : vector<16x1xi32> to vector<16xi32>
        %gather3A_637 = tpu.dynamic_gather %get3A_107[%gather3A_636] in [0] : vector<16xf32>, vector<16xi32> -> vector<16xf32>
        %mul3A_638 = arith.constant 16 : i32
        %mul3A_639 = arith.muli %scan3A_103, %mul3A_638 : i32
        %add3A_640 = arith.constant 6 : i32
        %add3A_641 = arith.addi %mul3A_639, %add3A_640 : i32
        %get3A_642 = arith.index_cast %add3A_641 : i32 to index
        %get3A_643 = arith.constant 0 : index
        %get3A_644 = tpu.vector_load %arg10[%get3A_642, %get3A_643] {strides = array<i32>} : memref<80x128xf32, #tpu.memory_space<vmem>>, vector<1x16xf32>,
        %get3A_645 = vector.shape_cast %get3A_644 : vector<1x16xf32> to vector<16xf32>
        %mul3A_646 = arith.mulf %get3A_645, %gather3A_637 : vector<16xf32>
        %swap3A_647 = arith.index_cast %add3A_641 : i32 to index
        %swap3A_648 = arith.constant 0 : index
        %swap3A_649 = tpu.vector_load %arg10[%swap3A_647, %swap3A_648] {strides = array<i32>} : memref<80x128xf32, #tpu.memory_space<vmem>>, vector<1x16xf32>,
        %swap3A_650 = vector.shape_cast %swap3A_649 : vector<1x16xf32> to vector<16xf32>
        %swap3A_651 = vector.shape_cast %mul3A_646 : vector<16xf32> to vector<1x16xf32>
        tpu.vector_store %arg10[%swap3A_647, %swap3A_648], %swap3A_651 {strides = array<i32>} : memref<80x128xf32, #tpu.memory_space<vmem>>, vector<1x16xf32>,
        %get3A_652 = arith.index_cast %add3A_641 : i32 to index
        %get3A_653 = arith.constant 16 : index
        %get3A_654 = tpu.vector_load %arg10[%get3A_652, %get3A_653] {strides = array<i32>} : memref<80x128xf32, #tpu.memory_space<vmem>>, vector<1x16xf32>,
        %get3A_655 = vector.shape_cast %get3A_654 : vector<1x16xf32> to vector<16xf32>
        %mul3A_656 = arith.mulf %get3A_655, %gather3A_637 : vector<16xf32>
        %swap3A_657 = arith.index_cast %add3A_641 : i32 to index
        %swap3A_658 = arith.constant 16 : index
        %swap3A_659 = tpu.vector_load %arg10[%swap3A_657, %swap3A_658] {strides = array<i32>} : memref<80x128xf32, #tpu.memory_space<vmem>>, vector<1x16xf32>,
        %swap3A_660 = vector.shape_cast %swap3A_659 : vector<1x16xf32> to vector<16xf32>
        %swap3A_661 = vector.shape_cast %mul3A_656 : vector<16xf32> to vector<1x16xf32>
        tpu.vector_store %arg10[%swap3A_657, %swap3A_658], %swap3A_661 {strides = array<i32>} : memref<80x128xf32, #tpu.memory_space<vmem>>, vector<1x16xf32>,
        %get3A_662 = arith.index_cast %add3A_641 : i32 to index
        %get3A_663 = arith.constant 32 : index
        %get3A_664 = tpu.vector_load %arg10[%get3A_662, %get3A_663] {strides = array<i32>} : memref<80x128xf32, #tpu.memory_space<vmem>>, vector<1x16xf32>,
        %get3A_665 = vector.shape_cast %get3A_664 : vector<1x16xf32> to vector<16xf32>
        %mul3A_666 = arith.mulf %get3A_665, %gather3A_637 : vector<16xf32>
        %swap3A_667 = arith.index_cast %add3A_641 : i32 to index
        %swap3A_668 = arith.constant 32 : index
        %swap3A_669 = tpu.vector_load %arg10[%swap3A_667, %swap3A_668] {strides = array<i32>} : memref<80x128xf32, #tpu.memory_space<vmem>>, vector<1x16xf32>,
        %swap3A_670 = vector.shape_cast %swap3A_669 : vector<1x16xf32> to vector<16xf32>
        %swap3A_671 = vector.shape_cast %mul3A_666 : vector<16xf32> to vector<1x16xf32>
        tpu.vector_store %arg10[%swap3A_667, %swap3A_668], %swap3A_671 {strides = array<i32>} : memref<80x128xf32, #tpu.memory_space<vmem>>, vector<1x16xf32>,
        %get3A_672 = arith.index_cast %add3A_641 : i32 to index
        %get3A_673 = arith.constant 48 : index
        %get3A_674 = tpu.vector_load %arg10[%get3A_672, %get3A_673] {strides = array<i32>} : memref<80x128xf32, #tpu.memory_space<vmem>>, vector<1x16xf32>,
        %get3A_675 = vector.shape_cast %get3A_674 : vector<1x16xf32> to vector<16xf32>
        %mul3A_676 = arith.mulf %get3A_675, %gather3A_637 : vector<16xf32>
        %swap3A_677 = arith.index_cast %add3A_641 : i32 to index
        %swap3A_678 = arith.constant 48 : index
        %swap3A_679 = tpu.vector_load %arg10[%swap3A_677, %swap3A_678] {strides = array<i32>} : memref<80x128xf32, #tpu.memory_space<vmem>>, vector<1x16xf32>,
        %swap3A_680 = vector.shape_cast %swap3A_679 : vector<1x16xf32> to vector<16xf32>
        %swap3A_681 = vector.shape_cast %mul3A_676 : vector<16xf32> to vector<1x16xf32>
        tpu.vector_store %arg10[%swap3A_677, %swap3A_678], %swap3A_681 {strides = array<i32>} : memref<80x128xf32, #tpu.memory_space<vmem>>, vector<1x16xf32>,
        %get3A_682 = arith.index_cast %add3A_641 : i32 to index
        %get3A_683 = arith.constant 64 : index
        %get3A_684 = tpu.vector_load %arg10[%get3A_682, %get3A_683] {strides = array<i32>} : memref<80x128xf32, #tpu.memory_space<vmem>>, vector<1x16xf32>,
        %get3A_685 = vector.shape_cast %get3A_684 : vector<1x16xf32> to vector<16xf32>
        %mul3A_686 = arith.mulf %get3A_685, %gather3A_637 : vector<16xf32>
        %swap3A_687 = arith.index_cast %add3A_641 : i32 to index
        %swap3A_688 = arith.constant 64 : index
        %swap3A_689 = tpu.vector_load %arg10[%swap3A_687, %swap3A_688] {strides = array<i32>} : memref<80x128xf32, #tpu.memory_space<vmem>>, vector<1x16xf32>,
        %swap3A_690 = vector.shape_cast %swap3A_689 : vector<1x16xf32> to vector<16xf32>
        %swap3A_691 = vector.shape_cast %mul3A_686 : vector<16xf32> to vector<1x16xf32>
        tpu.vector_store %arg10[%swap3A_687, %swap3A_688], %swap3A_691 {strides = array<i32>} : memref<80x128xf32, #tpu.memory_space<vmem>>, vector<1x16xf32>,
        %get3A_692 = arith.index_cast %add3A_641 : i32 to index
        %get3A_693 = arith.constant 80 : index
        %get3A_694 = tpu.vector_load %arg10[%get3A_692, %get3A_693] {strides = array<i32>} : memref<80x128xf32, #tpu.memory_space<vmem>>, vector<1x16xf32>,
        %get3A_695 = vector.shape_cast %get3A_694 : vector<1x16xf32> to vector<16xf32>
        %mul3A_696 = arith.mulf %get3A_695, %gather3A_637 : vector<16xf32>
        %swap3A_697 = arith.index_cast %add3A_641 : i32 to index
        %swap3A_698 = arith.constant 80 : index
        %swap3A_699 = tpu.vector_load %arg10[%swap3A_697, %swap3A_698] {strides = array<i32>} : memref<80x128xf32, #tpu.memory_space<vmem>>, vector<1x16xf32>,
        %swap3A_700 = vector.shape_cast %swap3A_699 : vector<1x16xf32> to vector<16xf32>
        %swap3A_701 = vector.shape_cast %mul3A_696 : vector<16xf32> to vector<1x16xf32>
        tpu.vector_store %arg10[%swap3A_697, %swap3A_698], %swap3A_701 {strides = array<i32>} : memref<80x128xf32, #tpu.memory_space<vmem>>, vector<1x16xf32>,
        %get3A_702 = arith.index_cast %add3A_641 : i32 to index
        %get3A_703 = arith.constant 96 : index
        %get3A_704 = tpu.vector_load %arg10[%get3A_702, %get3A_703] {strides = array<i32>} : memref<80x128xf32, #tpu.memory_space<vmem>>, vector<1x16xf32>,
        %get3A_705 = vector.shape_cast %get3A_704 : vector<1x16xf32> to vector<16xf32>
        %mul3A_706 = arith.mulf %get3A_705, %gather3A_637 : vector<16xf32>
        %swap3A_707 = arith.index_cast %add3A_641 : i32 to index
        %swap3A_708 = arith.constant 96 : index
        %swap3A_709 = tpu.vector_load %arg10[%swap3A_707, %swap3A_708] {strides = array<i32>} : memref<80x128xf32, #tpu.memory_space<vmem>>, vector<1x16xf32>,
        %swap3A_710 = vector.shape_cast %swap3A_709 : vector<1x16xf32> to vector<16xf32>
        %swap3A_711 = vector.shape_cast %mul3A_706 : vector<16xf32> to vector<1x16xf32>
        tpu.vector_store %arg10[%swap3A_707, %swap3A_708], %swap3A_711 {strides = array<i32>} : memref<80x128xf32, #tpu.memory_space<vmem>>, vector<1x16xf32>,
        %get3A_712 = arith.index_cast %add3A_641 : i32 to index
        %get3A_713 = arith.constant 112 : index
        %get3A_714 = tpu.vector_load %arg10[%get3A_712, %get3A_713] {strides = array<i32>} : memref<80x128xf32, #tpu.memory_space<vmem>>, vector<1x16xf32>,
        %get3A_715 = vector.shape_cast %get3A_714 : vector<1x16xf32> to vector<16xf32>
        %mul3A_716 = arith.mulf %get3A_715, %gather3A_637 : vector<16xf32>
        %swap3A_717 = arith.index_cast %add3A_641 : i32 to index
        %swap3A_718 = arith.constant 112 : index
        %swap3A_719 = tpu.vector_load %arg10[%swap3A_717, %swap3A_718] {strides = array<i32>} : memref<80x128xf32, #tpu.memory_space<vmem>>, vector<1x16xf32>,
        %swap3A_720 = vector.shape_cast %swap3A_719 : vector<1x16xf32> to vector<16xf32>
        %swap3A_721 = vector.shape_cast %mul3A_716 : vector<16xf32> to vector<1x16xf32>
        tpu.vector_store %arg10[%swap3A_717, %swap3A_718], %swap3A_721 {strides = array<i32>} : memref<80x128xf32, #tpu.memory_space<vmem>>, vector<1x16xf32>,
        %broadcast_in_dim3A_722 = arith.constant 7 : i32
        %broadcast_in_dim3A_723 = vector.broadcast %broadcast_in_dim3A_722 : i32 to vector<16x1xi32>
        %gather3A_724 = vector.shape_cast %broadcast_in_dim3A_723 : vector<16x1xi32> to vector<16xi32>
        %gather3A_725 = tpu.dynamic_gather %get3A_107[%gather3A_724] in [0] : vector<16xf32>, vector<16xi32> -> vector<16xf32>
        %mul3A_726 = arith.constant 16 : i32
        %mul3A_727 = arith.muli %scan3A_103, %mul3A_726 : i32
        %add3A_728 = arith.constant 7 : i32
        %add3A_729 = arith.addi %mul3A_727, %add3A_728 : i32
        %get3A_730 = arith.index_cast %add3A_729 : i32 to index
        %get3A_731 = arith.constant 0 : index
        %get3A_732 = tpu.vector_load %arg10[%get3A_730, %get3A_731] {strides = array<i32>} : memref<80x128xf32, #tpu.memory_space<vmem>>, vector<1x16xf32>,
        %get3A_733 = vector.shape_cast %get3A_732 : vector<1x16xf32> to vector<16xf32>
        %mul3A_734 = arith.mulf %get3A_733, %gather3A_725 : vector<16xf32>
        %swap3A_735 = arith.index_cast %add3A_729 : i32 to index
        %swap3A_736 = arith.constant 0 : index
        %swap3A_737 = tpu.vector_load %arg10[%swap3A_735, %swap3A_736] {strides = array<i32>} : memref<80x128xf32, #tpu.memory_space<vmem>>, vector<1x16xf32>,
        %swap3A_738 = vector.shape_cast %swap3A_737 : vector<1x16xf32> to vector<16xf32>
        %swap3A_739 = vector.shape_cast %mul3A_734 : vector<16xf32> to vector<1x16xf32>
        tpu.vector_store %arg10[%swap3A_735, %swap3A_736], %swap3A_739 {strides = array<i32>} : memref<80x128xf32, #tpu.memory_space<vmem>>, vector<1x16xf32>,
        %get3A_740 = arith.index_cast %add3A_729 : i32 to index
        %get3A_741 = arith.constant 16 : index
        %get3A_742 = tpu.vector_load %arg10[%get3A_740, %get3A_741] {strides = array<i32>} : memref<80x128xf32, #tpu.memory_space<vmem>>, vector<1x16xf32>,
        %get3A_743 = vector.shape_cast %get3A_742 : vector<1x16xf32> to vector<16xf32>
        %mul3A_744 = arith.mulf %get3A_743, %gather3A_725 : vector<16xf32>
        %swap3A_745 = arith.index_cast %add3A_729 : i32 to index
        %swap3A_746 = arith.constant 16 : index
        %swap3A_747 = tpu.vector_load %arg10[%swap3A_745, %swap3A_746] {strides = array<i32>} : memref<80x128xf32, #tpu.memory_space<vmem>>, vector<1x16xf32>,
        %swap3A_748 = vector.shape_cast %swap3A_747 : vector<1x16xf32> to vector<16xf32>
        %swap3A_749 = vector.shape_cast %mul3A_744 : vector<16xf32> to vector<1x16xf32>
        tpu.vector_store %arg10[%swap3A_745, %swap3A_746], %swap3A_749 {strides = array<i32>} : memref<80x128xf32, #tpu.memory_space<vmem>>, vector<1x16xf32>,
        %get3A_750 = arith.index_cast %add3A_729 : i32 to index
        %get3A_751 = arith.constant 32 : index
        %get3A_752 = tpu.vector_load %arg10[%get3A_750, %get3A_751] {strides = array<i32>} : memref<80x128xf32, #tpu.memory_space<vmem>>, vector<1x16xf32>,
        %get3A_753 = vector.shape_cast %get3A_752 : vector<1x16xf32> to vector<16xf32>
        %mul3A_754 = arith.mulf %get3A_753, %gather3A_725 : vector<16xf32>
        %swap3A_755 = arith.index_cast %add3A_729 : i32 to index
        %swap3A_756 = arith.constant 32 : index
        %swap3A_757 = tpu.vector_load %arg10[%swap3A_755, %swap3A_756] {strides = array<i32>} : memref<80x128xf32, #tpu.memory_space<vmem>>, vector<1x16xf32>,
        %swap3A_758 = vector.shape_cast %swap3A_757 : vector<1x16xf32> to vector<16xf32>
        %swap3A_759 = vector.shape_cast %mul3A_754 : vector<16xf32> to vector<1x16xf32>
        tpu.vector_store %arg10[%swap3A_755, %swap3A_756], %swap3A_759 {strides = array<i32>} : memref<80x128xf32, #tpu.memory_space<vmem>>, vector<1x16xf32>,
        %get3A_760 = arith.index_cast %add3A_729 : i32 to index
        %get3A_761 = arith.constant 48 : index
        %get3A_762 = tpu.vector_load %arg10[%get3A_760, %get3A_761] {strides = array<i32>} : memref<80x128xf32, #tpu.memory_space<vmem>>, vector<1x16xf32>,
        %get3A_763 = vector.shape_cast %get3A_762 : vector<1x16xf32> to vector<16xf32>
        %mul3A_764 = arith.mulf %get3A_763, %gather3A_725 : vector<16xf32>
        %swap3A_765 = arith.index_cast %add3A_729 : i32 to index
        %swap3A_766 = arith.constant 48 : index
        %swap3A_767 = tpu.vector_load %arg10[%swap3A_765, %swap3A_766] {strides = array<i32>} : memref<80x128xf32, #tpu.memory_space<vmem>>, vector<1x16xf32>,
        %swap3A_768 = vector.shape_cast %swap3A_767 : vector<1x16xf32> to vector<16xf32>
        %swap3A_769 = vector.shape_cast %mul3A_764 : vector<16xf32> to vector<1x16xf32>
        tpu.vector_store %arg10[%swap3A_765, %swap3A_766], %swap3A_769 {strides = array<i32>} : memref<80x128xf32, #tpu.memory_space<vmem>>, vector<1x16xf32>,
        %get3A_770 = arith.index_cast %add3A_729 : i32 to index
        %get3A_771 = arith.constant 64 : index
        %get3A_772 = tpu.vector_load %arg10[%get3A_770, %get3A_771] {strides = array<i32>} : memref<80x128xf32, #tpu.memory_space<vmem>>, vector<1x16xf32>,
        %get3A_773 = vector.shape_cast %get3A_772 : vector<1x16xf32> to vector<16xf32>
        %mul3A_774 = arith.mulf %get3A_773, %gather3A_725 : vector<16xf32>
        %swap3A_775 = arith.index_cast %add3A_729 : i32 to index
        %swap3A_776 = arith.constant 64 : index
        %swap3A_777 = tpu.vector_load %arg10[%swap3A_775, %swap3A_776] {strides = array<i32>} : memref<80x128xf32, #tpu.memory_space<vmem>>, vector<1x16xf32>,
        %swap3A_778 = vector.shape_cast %swap3A_777 : vector<1x16xf32> to vector<16xf32>
        %swap3A_779 = vector.shape_cast %mul3A_774 : vector<16xf32> to vector<1x16xf32>
        tpu.vector_store %arg10[%swap3A_775, %swap3A_776], %swap3A_779 {strides = array<i32>} : memref<80x128xf32, #tpu.memory_space<vmem>>, vector<1x16xf32>,
        %get3A_780 = arith.index_cast %add3A_729 : i32 to index
        %get3A_781 = arith.constant 80 : index
        %get3A_782 = tpu.vector_load %arg10[%get3A_780, %get3A_781] {strides = array<i32>} : memref<80x128xf32, #tpu.memory_space<vmem>>, vector<1x16xf32>,
        %get3A_783 = vector.shape_cast %get3A_782 : vector<1x16xf32> to vector<16xf32>
        %mul3A_784 = arith.mulf %get3A_783, %gather3A_725 : vector<16xf32>
        %swap3A_785 = arith.index_cast %add3A_729 : i32 to index
        %swap3A_786 = arith.constant 80 : index
        %swap3A_787 = tpu.vector_load %arg10[%swap3A_785, %swap3A_786] {strides = array<i32>} : memref<80x128xf32, #tpu.memory_space<vmem>>, vector<1x16xf32>,
        %swap3A_788 = vector.shape_cast %swap3A_787 : vector<1x16xf32> to vector<16xf32>
        %swap3A_789 = vector.shape_cast %mul3A_784 : vector<16xf32> to vector<1x16xf32>
        tpu.vector_store %arg10[%swap3A_785, %swap3A_786], %swap3A_789 {strides = array<i32>} : memref<80x128xf32, #tpu.memory_space<vmem>>, vector<1x16xf32>,
        %get3A_790 = arith.index_cast %add3A_729 : i32 to index
        %get3A_791 = arith.constant 96 : index
        %get3A_792 = tpu.vector_load %arg10[%get3A_790, %get3A_791] {strides = array<i32>} : memref<80x128xf32, #tpu.memory_space<vmem>>, vector<1x16xf32>,
        %get3A_793 = vector.shape_cast %get3A_792 : vector<1x16xf32> to vector<16xf32>
        %mul3A_794 = arith.mulf %get3A_793, %gather3A_725 : vector<16xf32>
        %swap3A_795 = arith.index_cast %add3A_729 : i32 to index
        %swap3A_796 = arith.constant 96 : index
        %swap3A_797 = tpu.vector_load %arg10[%swap3A_795, %swap3A_796] {strides = array<i32>} : memref<80x128xf32, #tpu.memory_space<vmem>>, vector<1x16xf32>,
        %swap3A_798 = vector.shape_cast %swap3A_797 : vector<1x16xf32> to vector<16xf32>
        %swap3A_799 = vector.shape_cast %mul3A_794 : vector<16xf32> to vector<1x16xf32>
        tpu.vector_store %arg10[%swap3A_795, %swap3A_796], %swap3A_799 {strides = array<i32>} : memref<80x128xf32, #tpu.memory_space<vmem>>, vector<1x16xf32>,
        %get3A_800 = arith.index_cast %add3A_729 : i32 to index
        %get3A_801 = arith.constant 112 : index
        %get3A_802 = tpu.vector_load %arg10[%get3A_800, %get3A_801] {strides = array<i32>} : memref<80x128xf32, #tpu.memory_space<vmem>>, vector<1x16xf32>,
        %get3A_803 = vector.shape_cast %get3A_802 : vector<1x16xf32> to vector<16xf32>
        %mul3A_804 = arith.mulf %get3A_803, %gather3A_725 : vector<16xf32>
        %swap3A_805 = arith.index_cast %add3A_729 : i32 to index
        %swap3A_806 = arith.constant 112 : index
        %swap3A_807 = tpu.vector_load %arg10[%swap3A_805, %swap3A_806] {strides = array<i32>} : memref<80x128xf32, #tpu.memory_space<vmem>>, vector<1x16xf32>,
        %swap3A_808 = vector.shape_cast %swap3A_807 : vector<1x16xf32> to vector<16xf32>
        %swap3A_809 = vector.shape_cast %mul3A_804 : vector<16xf32> to vector<1x16xf32>
        tpu.vector_store %arg10[%swap3A_805, %swap3A_806], %swap3A_809 {strides = array<i32>} : memref<80x128xf32, #tpu.memory_space<vmem>>, vector<1x16xf32>,
        %broadcast_in_dim3A_810 = arith.constant 8 : i32
        %broadcast_in_dim3A_811 = vector.broadcast %broadcast_in_dim3A_810 : i32 to vector<16x1xi32>
        %gather3A_812 = vector.shape_cast %broadcast_in_dim3A_811 : vector<16x1xi32> to vector<16xi32>
        %gather3A_813 = tpu.dynamic_gather %get3A_107[%gather3A_812] in [0] : vector<16xf32>, vector<16xi32> -> vector<16xf32>
        %mul3A_814 = arith.constant 16 : i32
        %mul3A_815 = arith.muli %scan3A_103, %mul3A_814 : i32
        %add3A_816 = arith.constant 8 : i32
        %add3A_817 = arith.addi %mul3A_815, %add3A_816 : i32
        %get3A_818 = arith.index_cast %add3A_817 : i32 to index
        %get3A_819 = arith.constant 0 : index
        %get3A_820 = tpu.vector_load %arg10[%get3A_818, %get3A_819] {strides = array<i32>} : memref<80x128xf32, #tpu.memory_space<vmem>>, vector<1x16xf32>,
        %get3A_821 = vector.shape_cast %get3A_820 : vector<1x16xf32> to vector<16xf32>
        %mul3A_822 = arith.mulf %get3A_821, %gather3A_813 : vector<16xf32>
        %swap3A_823 = arith.index_cast %add3A_817 : i32 to index
        %swap3A_824 = arith.constant 0 : index
        %swap3A_825 = tpu.vector_load %arg10[%swap3A_823, %swap3A_824] {strides = array<i32>} : memref<80x128xf32, #tpu.memory_space<vmem>>, vector<1x16xf32>,
        %swap3A_826 = vector.shape_cast %swap3A_825 : vector<1x16xf32> to vector<16xf32>
        %swap3A_827 = vector.shape_cast %mul3A_822 : vector<16xf32> to vector<1x16xf32>
        tpu.vector_store %arg10[%swap3A_823, %swap3A_824], %swap3A_827 {strides = array<i32>} : memref<80x128xf32, #tpu.memory_space<vmem>>, vector<1x16xf32>,
        %get3A_828 = arith.index_cast %add3A_817 : i32 to index
        %get3A_829 = arith.constant 16 : index
        %get3A_830 = tpu.vector_load %arg10[%get3A_828, %get3A_829] {strides = array<i32>} : memref<80x128xf32, #tpu.memory_space<vmem>>, vector<1x16xf32>,
        %get3A_831 = vector.shape_cast %get3A_830 : vector<1x16xf32> to vector<16xf32>
        %mul3A_832 = arith.mulf %get3A_831, %gather3A_813 : vector<16xf32>
        %swap3A_833 = arith.index_cast %add3A_817 : i32 to index
        %swap3A_834 = arith.constant 16 : index
        %swap3A_835 = tpu.vector_load %arg10[%swap3A_833, %swap3A_834] {strides = array<i32>} : memref<80x128xf32, #tpu.memory_space<vmem>>, vector<1x16xf32>,
        %swap3A_836 = vector.shape_cast %swap3A_835 : vector<1x16xf32> to vector<16xf32>
        %swap3A_837 = vector.shape_cast %mul3A_832 : vector<16xf32> to vector<1x16xf32>
        tpu.vector_store %arg10[%swap3A_833, %swap3A_834], %swap3A_837 {strides = array<i32>} : memref<80x128xf32, #tpu.memory_space<vmem>>, vector<1x16xf32>,
        %get3A_838 = arith.index_cast %add3A_817 : i32 to index
        %get3A_839 = arith.constant 32 : index
        %get3A_840 = tpu.vector_load %arg10[%get3A_838, %get3A_839] {strides = array<i32>} : memref<80x128xf32, #tpu.memory_space<vmem>>, vector<1x16xf32>,
        %get3A_841 = vector.shape_cast %get3A_840 : vector<1x16xf32> to vector<16xf32>
        %mul3A_842 = arith.mulf %get3A_841, %gather3A_813 : vector<16xf32>
        %swap3A_843 = arith.index_cast %add3A_817 : i32 to index
        %swap3A_844 = arith.constant 32 : index
        %swap3A_845 = tpu.vector_load %arg10[%swap3A_843, %swap3A_844] {strides = array<i32>} : memref<80x128xf32, #tpu.memory_space<vmem>>, vector<1x16xf32>,
        %swap3A_846 = vector.shape_cast %swap3A_845 : vector<1x16xf32> to vector<16xf32>
        %swap3A_847 = vector.shape_cast %mul3A_842 : vector<16xf32> to vector<1x16xf32>
        tpu.vector_store %arg10[%swap3A_843, %swap3A_844], %swap3A_847 {strides = array<i32>} : memref<80x128xf32, #tpu.memory_space<vmem>>, vector<1x16xf32>,
        %get3A_848 = arith.index_cast %add3A_817 : i32 to index
        %get3A_849 = arith.constant 48 : index
        %get3A_850 = tpu.vector_load %arg10[%get3A_848, %get3A_849] {strides = array<i32>} : memref<80x128xf32, #tpu.memory_space<vmem>>, vector<1x16xf32>,
        %get3A_851 = vector.shape_cast %get3A_850 : vector<1x16xf32> to vector<16xf32>
        %mul3A_852 = arith.mulf %get3A_851, %gather3A_813 : vector<16xf32>
        %swap3A_853 = arith.index_cast %add3A_817 : i32 to index
        %swap3A_854 = arith.constant 48 : index
        %swap3A_855 = tpu.vector_load %arg10[%swap3A_853, %swap3A_854] {strides = array<i32>} : memref<80x128xf32, #tpu.memory_space<vmem>>, vector<1x16xf32>,
        %swap3A_856 = vector.shape_cast %swap3A_855 : vector<1x16xf32> to vector<16xf32>
        %swap3A_857 = vector.shape_cast %mul3A_852 : vector<16xf32> to vector<1x16xf32>
        tpu.vector_store %arg10[%swap3A_853, %swap3A_854], %swap3A_857 {strides = array<i32>} : memref<80x128xf32, #tpu.memory_space<vmem>>, vector<1x16xf32>,
        %get3A_858 = arith.index_cast %add3A_817 : i32 to index
        %get3A_859 = arith.constant 64 : index
        %get3A_860 = tpu.vector_load %arg10[%get3A_858, %get3A_859] {strides = array<i32>} : memref<80x128xf32, #tpu.memory_space<vmem>>, vector<1x16xf32>,
        %get3A_861 = vector.shape_cast %get3A_860 : vector<1x16xf32> to vector<16xf32>
        %mul3A_862 = arith.mulf %get3A_861, %gather3A_813 : vector<16xf32>
        %swap3A_863 = arith.index_cast %add3A_817 : i32 to index
        %swap3A_864 = arith.constant 64 : index
        %swap3A_865 = tpu.vector_load %arg10[%swap3A_863, %swap3A_864] {strides = array<i32>} : memref<80x128xf32, #tpu.memory_space<vmem>>, vector<1x16xf32>,
        %swap3A_866 = vector.shape_cast %swap3A_865 : vector<1x16xf32> to vector<16xf32>
        %swap3A_867 = vector.shape_cast %mul3A_862 : vector<16xf32> to vector<1x16xf32>
        tpu.vector_store %arg10[%swap3A_863, %swap3A_864], %swap3A_867 {strides = array<i32>} : memref<80x128xf32, #tpu.memory_space<vmem>>, vector<1x16xf32>,
        %get3A_868 = arith.index_cast %add3A_817 : i32 to index
        %get3A_869 = arith.constant 80 : index
        %get3A_870 = tpu.vector_load %arg10[%get3A_868, %get3A_869] {strides = array<i32>} : memref<80x128xf32, #tpu.memory_space<vmem>>, vector<1x16xf32>,
        %get3A_871 = vector.shape_cast %get3A_870 : vector<1x16xf32> to vector<16xf32>
        %mul3A_872 = arith.mulf %get3A_871, %gather3A_813 : vector<16xf32>
        %swap3A_873 = arith.index_cast %add3A_817 : i32 to index
        %swap3A_874 = arith.constant 80 : index
        %swap3A_875 = tpu.vector_load %arg10[%swap3A_873, %swap3A_874] {strides = array<i32>} : memref<80x128xf32, #tpu.memory_space<vmem>>, vector<1x16xf32>,
        %swap3A_876 = vector.shape_cast %swap3A_875 : vector<1x16xf32> to vector<16xf32>
        %swap3A_877 = vector.shape_cast %mul3A_872 : vector<16xf32> to vector<1x16xf32>
        tpu.vector_store %arg10[%swap3A_873, %swap3A_874], %swap3A_877 {strides = array<i32>} : memref<80x128xf32, #tpu.memory_space<vmem>>, vector<1x16xf32>,
        %get3A_878 = arith.index_cast %add3A_817 : i32 to index
        %get3A_879 = arith.constant 96 : index
        %get3A_880 = tpu.vector_load %arg10[%get3A_878, %get3A_879] {strides = array<i32>} : memref<80x128xf32, #tpu.memory_space<vmem>>, vector<1x16xf32>,
        %get3A_881 = vector.shape_cast %get3A_880 : vector<1x16xf32> to vector<16xf32>
        %mul3A_882 = arith.mulf %get3A_881, %gather3A_813 : vector<16xf32>
        %swap3A_883 = arith.index_cast %add3A_817 : i32 to index
        %swap3A_884 = arith.constant 96 : index
        %swap3A_885 = tpu.vector_load %arg10[%swap3A_883, %swap3A_884] {strides = array<i32>} : memref<80x128xf32, #tpu.memory_space<vmem>>, vector<1x16xf32>,
        %swap3A_886 = vector.shape_cast %swap3A_885 : vector<1x16xf32> to vector<16xf32>
        %swap3A_887 = vector.shape_cast %mul3A_882 : vector<16xf32> to vector<1x16xf32>
        tpu.vector_store %arg10[%swap3A_883, %swap3A_884], %swap3A_887 {strides = array<i32>} : memref<80x128xf32, #tpu.memory_space<vmem>>, vector<1x16xf32>,
        %get3A_888 = arith.index_cast %add3A_817 : i32 to index
        %get3A_889 = arith.constant 112 : index
        %get3A_890 = tpu.vector_load %arg10[%get3A_888, %get3A_889] {strides = array<i32>} : memref<80x128xf32, #tpu.memory_space<vmem>>, vector<1x16xf32>,
        %get3A_891 = vector.shape_cast %get3A_890 : vector<1x16xf32> to vector<16xf32>
        %mul3A_892 = arith.mulf %get3A_891, %gather3A_813 : vector<16xf32>
        %swap3A_893 = arith.index_cast %add3A_817 : i32 to index
        %swap3A_894 = arith.constant 112 : index
        %swap3A_895 = tpu.vector_load %arg10[%swap3A_893, %swap3A_894] {strides = array<i32>} : memref<80x128xf32, #tpu.memory_space<vmem>>, vector<1x16xf32>,
        %swap3A_896 = vector.shape_cast %swap3A_895 : vector<1x16xf32> to vector<16xf32>
        %swap3A_897 = vector.shape_cast %mul3A_892 : vector<16xf32> to vector<1x16xf32>
        tpu.vector_store %arg10[%swap3A_893, %swap3A_894], %swap3A_897 {strides = array<i32>} : memref<80x128xf32, #tpu.memory_space<vmem>>, vector<1x16xf32>,
        %broadcast_in_dim3A_898 = arith.constant 9 : i32
        %broadcast_in_dim3A_899 = vector.broadcast %broadcast_in_dim3A_898 : i32 to vector<16x1xi32>
        %gather3A_900 = vector.shape_cast %broadcast_in_dim3A_899 : vector<16x1xi32> to vector<16xi32>
        %gather3A_901 = tpu.dynamic_gather %get3A_107[%gather3A_900] in [0] : vector<16xf32>, vector<16xi32> -> vector<16xf32>
        %mul3A_902 = arith.constant 16 : i32
        %mul3A_903 = arith.muli %scan3A_103, %mul3A_902 : i32
        %add3A_904 = arith.constant 9 : i32
        %add3A_905 = arith.addi %mul3A_903, %add3A_904 : i32
        %get3A_906 = arith.index_cast %add3A_905 : i32 to index
        %get3A_907 = arith.constant 0 : index
        %get3A_908 = tpu.vector_load %arg10[%get3A_906, %get3A_907] {strides = array<i32>} : memref<80x128xf32, #tpu.memory_space<vmem>>, vector<1x16xf32>,
        %get3A_909 = vector.shape_cast %get3A_908 : vector<1x16xf32> to vector<16xf32>
        %mul3A_910 = arith.mulf %get3A_909, %gather3A_901 : vector<16xf32>
        %swap3A_911 = arith.index_cast %add3A_905 : i32 to index
        %swap3A_912 = arith.constant 0 : index
        %swap3A_913 = tpu.vector_load %arg10[%swap3A_911, %swap3A_912] {strides = array<i32>} : memref<80x128xf32, #tpu.memory_space<vmem>>, vector<1x16xf32>,
        %swap3A_914 = vector.shape_cast %swap3A_913 : vector<1x16xf32> to vector<16xf32>
        %swap3A_915 = vector.shape_cast %mul3A_910 : vector<16xf32> to vector<1x16xf32>
        tpu.vector_store %arg10[%swap3A_911, %swap3A_912], %swap3A_915 {strides = array<i32>} : memref<80x128xf32, #tpu.memory_space<vmem>>, vector<1x16xf32>,
        %get3A_916 = arith.index_cast %add3A_905 : i32 to index
        %get3A_917 = arith.constant 16 : index
        %get3A_918 = tpu.vector_load %arg10[%get3A_916, %get3A_917] {strides = array<i32>} : memref<80x128xf32, #tpu.memory_space<vmem>>, vector<1x16xf32>,
        %get3A_919 = vector.shape_cast %get3A_918 : vector<1x16xf32> to vector<16xf32>
        %mul3A_920 = arith.mulf %get3A_919, %gather3A_901 : vector<16xf32>
        %swap3A_921 = arith.index_cast %add3A_905 : i32 to index
        %swap3A_922 = arith.constant 16 : index
        %swap3A_923 = tpu.vector_load %arg10[%swap3A_921, %swap3A_922] {strides = array<i32>} : memref<80x128xf32, #tpu.memory_space<vmem>>, vector<1x16xf32>,
        %swap3A_924 = vector.shape_cast %swap3A_923 : vector<1x16xf32> to vector<16xf32>
        %swap3A_925 = vector.shape_cast %mul3A_920 : vector<16xf32> to vector<1x16xf32>
        tpu.vector_store %arg10[%swap3A_921, %swap3A_922], %swap3A_925 {strides = array<i32>} : memref<80x128xf32, #tpu.memory_space<vmem>>, vector<1x16xf32>,
        %get3A_926 = arith.index_cast %add3A_905 : i32 to index
        %get3A_927 = arith.constant 32 : index
        %get3A_928 = tpu.vector_load %arg10[%get3A_926, %get3A_927] {strides = array<i32>} : memref<80x128xf32, #tpu.memory_space<vmem>>, vector<1x16xf32>,
        %get3A_929 = vector.shape_cast %get3A_928 : vector<1x16xf32> to vector<16xf32>
        %mul3A_930 = arith.mulf %get3A_929, %gather3A_901 : vector<16xf32>
        %swap3A_931 = arith.index_cast %add3A_905 : i32 to index
        %swap3A_932 = arith.constant 32 : index
        %swap3A_933 = tpu.vector_load %arg10[%swap3A_931, %swap3A_932] {strides = array<i32>} : memref<80x128xf32, #tpu.memory_space<vmem>>, vector<1x16xf32>,
        %swap3A_934 = vector.shape_cast %swap3A_933 : vector<1x16xf32> to vector<16xf32>
        %swap3A_935 = vector.shape_cast %mul3A_930 : vector<16xf32> to vector<1x16xf32>
        tpu.vector_store %arg10[%swap3A_931, %swap3A_932], %swap3A_935 {strides = array<i32>} : memref<80x128xf32, #tpu.memory_space<vmem>>, vector<1x16xf32>,
        %get3A_936 = arith.index_cast %add3A_905 : i32 to index
        %get3A_937 = arith.constant 48 : index
        %get3A_938 = tpu.vector_load %arg10[%get3A_936, %get3A_937] {strides = array<i32>} : memref<80x128xf32, #tpu.memory_space<vmem>>, vector<1x16xf32>,
        %get3A_939 = vector.shape_cast %get3A_938 : vector<1x16xf32> to vector<16xf32>
        %mul3A_940 = arith.mulf %get3A_939, %gather3A_901 : vector<16xf32>
        %swap3A_941 = arith.index_cast %add3A_905 : i32 to index
        %swap3A_942 = arith.constant 48 : index
        %swap3A_943 = tpu.vector_load %arg10[%swap3A_941, %swap3A_942] {strides = array<i32>} : memref<80x128xf32, #tpu.memory_space<vmem>>, vector<1x16xf32>,
        %swap3A_944 = vector.shape_cast %swap3A_943 : vector<1x16xf32> to vector<16xf32>
        %swap3A_945 = vector.shape_cast %mul3A_940 : vector<16xf32> to vector<1x16xf32>
        tpu.vector_store %arg10[%swap3A_941, %swap3A_942], %swap3A_945 {strides = array<i32>} : memref<80x128xf32, #tpu.memory_space<vmem>>, vector<1x16xf32>,
        %get3A_946 = arith.index_cast %add3A_905 : i32 to index
        %get3A_947 = arith.constant 64 : index
        %get3A_948 = tpu.vector_load %arg10[%get3A_946, %get3A_947] {strides = array<i32>} : memref<80x128xf32, #tpu.memory_space<vmem>>, vector<1x16xf32>,
        %get3A_949 = vector.shape_cast %get3A_948 : vector<1x16xf32> to vector<16xf32>
        %mul3A_950 = arith.mulf %get3A_949, %gather3A_901 : vector<16xf32>
        %swap3A_951 = arith.index_cast %add3A_905 : i32 to index
        %swap3A_952 = arith.constant 64 : index
        %swap3A_953 = tpu.vector_load %arg10[%swap3A_951, %swap3A_952] {strides = array<i32>} : memref<80x128xf32, #tpu.memory_space<vmem>>, vector<1x16xf32>,
        %swap3A_954 = vector.shape_cast %swap3A_953 : vector<1x16xf32> to vector<16xf32>
        %swap3A_955 = vector.shape_cast %mul3A_950 : vector<16xf32> to vector<1x16xf32>
        tpu.vector_store %arg10[%swap3A_951, %swap3A_952], %swap3A_955 {strides = array<i32>} : memref<80x128xf32, #tpu.memory_space<vmem>>, vector<1x16xf32>,
        %get3A_956 = arith.index_cast %add3A_905 : i32 to index
        %get3A_957 = arith.constant 80 : index
        %get3A_958 = tpu.vector_load %arg10[%get3A_956, %get3A_957] {strides = array<i32>} : memref<80x128xf32, #tpu.memory_space<vmem>>, vector<1x16xf32>,
        %get3A_959 = vector.shape_cast %get3A_958 : vector<1x16xf32> to vector<16xf32>
        %mul3A_960 = arith.mulf %get3A_959, %gather3A_901 : vector<16xf32>
        %swap3A_961 = arith.index_cast %add3A_905 : i32 to index
        %swap3A_962 = arith.constant 80 : index
        %swap3A_963 = tpu.vector_load %arg10[%swap3A_961, %swap3A_962] {strides = array<i32>} : memref<80x128xf32, #tpu.memory_space<vmem>>, vector<1x16xf32>,
        %swap3A_964 = vector.shape_cast %swap3A_963 : vector<1x16xf32> to vector<16xf32>
        %swap3A_965 = vector.shape_cast %mul3A_960 : vector<16xf32> to vector<1x16xf32>
        tpu.vector_store %arg10[%swap3A_961, %swap3A_962], %swap3A_965 {strides = array<i32>} : memref<80x128xf32, #tpu.memory_space<vmem>>, vector<1x16xf32>,
        %get3A_966 = arith.index_cast %add3A_905 : i32 to index
        %get3A_967 = arith.constant 96 : index
        %get3A_968 = tpu.vector_load %arg10[%get3A_966, %get3A_967] {strides = array<i32>} : memref<80x128xf32, #tpu.memory_space<vmem>>, vector<1x16xf32>,
        %get3A_969 = vector.shape_cast %get3A_968 : vector<1x16xf32> to vector<16xf32>
        %mul3A_970 = arith.mulf %get3A_969, %gather3A_901 : vector<16xf32>
        %swap3A_971 = arith.index_cast %add3A_905 : i32 to index
        %swap3A_972 = arith.constant 96 : index
        %swap3A_973 = tpu.vector_load %arg10[%swap3A_971, %swap3A_972] {strides = array<i32>} : memref<80x128xf32, #tpu.memory_space<vmem>>, vector<1x16xf32>,
        %swap3A_974 = vector.shape_cast %swap3A_973 : vector<1x16xf32> to vector<16xf32>
        %swap3A_975 = vector.shape_cast %mul3A_970 : vector<16xf32> to vector<1x16xf32>
        tpu.vector_store %arg10[%swap3A_971, %swap3A_972], %swap3A_975 {strides = array<i32>} : memref<80x128xf32, #tpu.memory_space<vmem>>, vector<1x16xf32>,
        %get3A_976 = arith.index_cast %add3A_905 : i32 to index
        %get3A_977 = arith.constant 112 : index
        %get3A_978 = tpu.vector_load %arg10[%get3A_976, %get3A_977] {strides = array<i32>} : memref<80x128xf32, #tpu.memory_space<vmem>>, vector<1x16xf32>,
        %get3A_979 = vector.shape_cast %get3A_978 : vector<1x16xf32> to vector<16xf32>
        %mul3A_980 = arith.mulf %get3A_979, %gather3A_901 : vector<16xf32>
        %swap3A_981 = arith.index_cast %add3A_905 : i32 to index
        %swap3A_982 = arith.constant 112 : index
        %swap3A_983 = tpu.vector_load %arg10[%swap3A_981, %swap3A_982] {strides = array<i32>} : memref<80x128xf32, #tpu.memory_space<vmem>>, vector<1x16xf32>,
        %swap3A_984 = vector.shape_cast %swap3A_983 : vector<1x16xf32> to vector<16xf32>
        %swap3A_985 = vector.shape_cast %mul3A_980 : vector<16xf32> to vector<1x16xf32>
        tpu.vector_store %arg10[%swap3A_981, %swap3A_982], %swap3A_985 {strides = array<i32>} : memref<80x128xf32, #tpu.memory_space<vmem>>, vector<1x16xf32>,
        %broadcast_in_dim3A_986 = arith.constant 10 : i32
        %broadcast_in_dim3A_987 = vector.broadcast %broadcast_in_dim3A_986 : i32 to vector<16x1xi32>
        %gather3A_988 = vector.shape_cast %broadcast_in_dim3A_987 : vector<16x1xi32> to vector<16xi32>
        %gather3A_989 = tpu.dynamic_gather %get3A_107[%gather3A_988] in [0] : vector<16xf32>, vector<16xi32> -> vector<16xf32>
        %mul3A_990 = arith.constant 16 : i32
        %mul3A_991 = arith.muli %scan3A_103, %mul3A_990 : i32
        %add3A_992 = arith.constant 10 : i32
        %add3A_993 = arith.addi %mul3A_991, %add3A_992 : i32
        %get3A_994 = arith.index_cast %add3A_993 : i32 to index
        %get3A_995 = arith.constant 0 : index
        %get3A_996 = tpu.vector_load %arg10[%get3A_994, %get3A_995] {strides = array<i32>} : memref<80x128xf32, #tpu.memory_space<vmem>>, vector<1x16xf32>,
        %get3A_997 = vector.shape_cast %get3A_996 : vector<1x16xf32> to vector<16xf32>
        %mul3A_998 = arith.mulf %get3A_997, %gather3A_989 : vector<16xf32>
        %swap3A_999 = arith.index_cast %add3A_993 : i32 to index
        %swap3A_1000 = arith.constant 0 : index
        %swap3A_1001 = tpu.vector_load %arg10[%swap3A_999, %swap3A_1000] {strides = array<i32>} : memref<80x128xf32, #tpu.memory_space<vmem>>, vector<1x16xf32>,
        %swap3A_1002 = vector.shape_cast %swap3A_1001 : vector<1x16xf32> to vector<16xf32>
        %swap3A_1003 = vector.shape_cast %mul3A_998 : vector<16xf32> to vector<1x16xf32>
        tpu.vector_store %arg10[%swap3A_999, %swap3A_1000], %swap3A_1003 {strides = array<i32>} : memref<80x128xf32, #tpu.memory_space<vmem>>, vector<1x16xf32>,
        %get3A_1004 = arith.index_cast %add3A_993 : i32 to index
        %get3A_1005 = arith.constant 16 : index
        %get3A_1006 = tpu.vector_load %arg10[%get3A_1004, %get3A_1005] {strides = array<i32>} : memref<80x128xf32, #tpu.memory_space<vmem>>, vector<1x16xf32>,
        %get3A_1007 = vector.shape_cast %get3A_1006 : vector<1x16xf32> to vector<16xf32>
        %mul3A_1008 = arith.mulf %get3A_1007, %gather3A_989 : vector<16xf32>
        %swap3A_1009 = arith.index_cast %add3A_993 : i32 to index
        %swap3A_1010 = arith.constant 16 : index
        %swap3A_1011 = tpu.vector_load %arg10[%swap3A_1009, %swap3A_1010] {strides = array<i32>} : memref<80x128xf32, #tpu.memory_space<vmem>>, vector<1x16xf32>,
        %swap3A_1012 = vector.shape_cast %swap3A_1011 : vector<1x16xf32> to vector<16xf32>
        %swap3A_1013 = vector.shape_cast %mul3A_1008 : vector<16xf32> to vector<1x16xf32>
        tpu.vector_store %arg10[%swap3A_1009, %swap3A_1010], %swap3A_1013 {strides = array<i32>} : memref<80x128xf32, #tpu.memory_space<vmem>>, vector<1x16xf32>,
        %get3A_1014 = arith.index_cast %add3A_993 : i32 to index
        %get3A_1015 = arith.constant 32 : index
        %get3A_1016 = tpu.vector_load %arg10[%get3A_1014, %get3A_1015] {strides = array<i32>} : memref<80x128xf32, #tpu.memory_space<vmem>>, vector<1x16xf32>,
        %get3A_1017 = vector.shape_cast %get3A_1016 : vector<1x16xf32> to vector<16xf32>
        %mul3A_1018 = arith.mulf %get3A_1017, %gather3A_989 : vector<16xf32>
        %swap3A_1019 = arith.index_cast %add3A_993 : i32 to index
        %swap3A_1020 = arith.constant 32 : index
        %swap3A_1021 = tpu.vector_load %arg10[%swap3A_1019, %swap3A_1020] {strides = array<i32>} : memref<80x128xf32, #tpu.memory_space<vmem>>, vector<1x16xf32>,
        %swap3A_1022 = vector.shape_cast %swap3A_1021 : vector<1x16xf32> to vector<16xf32>
        %swap3A_1023 = vector.shape_cast %mul3A_1018 : vector<16xf32> to vector<1x16xf32>
        tpu.vector_store %arg10[%swap3A_1019, %swap3A_1020], %swap3A_1023 {strides = array<i32>} : memref<80x128xf32, #tpu.memory_space<vmem>>, vector<1x16xf32>,
        %get3A_1024 = arith.index_cast %add3A_993 : i32 to index
        %get3A_1025 = arith.constant 48 : index
        %get3A_1026 = tpu.vector_load %arg10[%get3A_1024, %get3A_1025] {strides = array<i32>} : memref<80x128xf32, #tpu.memory_space<vmem>>, vector<1x16xf32>,
        %get3A_1027 = vector.shape_cast %get3A_1026 : vector<1x16xf32> to vector<16xf32>
        %mul3A_1028 = arith.mulf %get3A_1027, %gather3A_989 : vector<16xf32>
        %swap3A_1029 = arith.index_cast %add3A_993 : i32 to index
        %swap3A_1030 = arith.constant 48 : index
        %swap3A_1031 = tpu.vector_load %arg10[%swap3A_1029, %swap3A_1030] {strides = array<i32>} : memref<80x128xf32, #tpu.memory_space<vmem>>, vector<1x16xf32>,
        %swap3A_1032 = vector.shape_cast %swap3A_1031 : vector<1x16xf32> to vector<16xf32>
        %swap3A_1033 = vector.shape_cast %mul3A_1028 : vector<16xf32> to vector<1x16xf32>
        tpu.vector_store %arg10[%swap3A_1029, %swap3A_1030], %swap3A_1033 {strides = array<i32>} : memref<80x128xf32, #tpu.memory_space<vmem>>, vector<1x16xf32>,
        %get3A_1034 = arith.index_cast %add3A_993 : i32 to index
        %get3A_1035 = arith.constant 64 : index
        %get3A_1036 = tpu.vector_load %arg10[%get3A_1034, %get3A_1035] {strides = array<i32>} : memref<80x128xf32, #tpu.memory_space<vmem>>, vector<1x16xf32>,
        %get3A_1037 = vector.shape_cast %get3A_1036 : vector<1x16xf32> to vector<16xf32>
        %mul3A_1038 = arith.mulf %get3A_1037, %gather3A_989 : vector<16xf32>
        %swap3A_1039 = arith.index_cast %add3A_993 : i32 to index
        %swap3A_1040 = arith.constant 64 : index
        %swap3A_1041 = tpu.vector_load %arg10[%swap3A_1039, %swap3A_1040] {strides = array<i32>} : memref<80x128xf32, #tpu.memory_space<vmem>>, vector<1x16xf32>,
        %swap3A_1042 = vector.shape_cast %swap3A_1041 : vector<1x16xf32> to vector<16xf32>
        %swap3A_1043 = vector.shape_cast %mul3A_1038 : vector<16xf32> to vector<1x16xf32>
        tpu.vector_store %arg10[%swap3A_1039, %swap3A_1040], %swap3A_1043 {strides = array<i32>} : memref<80x128xf32, #tpu.memory_space<vmem>>, vector<1x16xf32>,
        %get3A_1044 = arith.index_cast %add3A_993 : i32 to index
        %get3A_1045 = arith.constant 80 : index
        %get3A_1046 = tpu.vector_load %arg10[%get3A_1044, %get3A_1045] {strides = array<i32>} : memref<80x128xf32, #tpu.memory_space<vmem>>, vector<1x16xf32>,
        %get3A_1047 = vector.shape_cast %get3A_1046 : vector<1x16xf32> to vector<16xf32>
        %mul3A_1048 = arith.mulf %get3A_1047, %gather3A_989 : vector<16xf32>
        %swap3A_1049 = arith.index_cast %add3A_993 : i32 to index
        %swap3A_1050 = arith.constant 80 : index
        %swap3A_1051 = tpu.vector_load %arg10[%swap3A_1049, %swap3A_1050] {strides = array<i32>} : memref<80x128xf32, #tpu.memory_space<vmem>>, vector<1x16xf32>,
        %swap3A_1052 = vector.shape_cast %swap3A_1051 : vector<1x16xf32> to vector<16xf32>
        %swap3A_1053 = vector.shape_cast %mul3A_1048 : vector<16xf32> to vector<1x16xf32>
        tpu.vector_store %arg10[%swap3A_1049, %swap3A_1050], %swap3A_1053 {strides = array<i32>} : memref<80x128xf32, #tpu.memory_space<vmem>>, vector<1x16xf32>,
        %get3A_1054 = arith.index_cast %add3A_993 : i32 to index
        %get3A_1055 = arith.constant 96 : index
        %get3A_1056 = tpu.vector_load %arg10[%get3A_1054, %get3A_1055] {strides = array<i32>} : memref<80x128xf32, #tpu.memory_space<vmem>>, vector<1x16xf32>,
        %get3A_1057 = vector.shape_cast %get3A_1056 : vector<1x16xf32> to vector<16xf32>
        %mul3A_1058 = arith.mulf %get3A_1057, %gather3A_989 : vector<16xf32>
        %swap3A_1059 = arith.index_cast %add3A_993 : i32 to index
        %swap3A_1060 = arith.constant 96 : index
        %swap3A_1061 = tpu.vector_load %arg10[%swap3A_1059, %swap3A_1060] {strides = array<i32>} : memref<80x128xf32, #tpu.memory_space<vmem>>, vector<1x16xf32>,
        %swap3A_1062 = vector.shape_cast %swap3A_1061 : vector<1x16xf32> to vector<16xf32>
        %swap3A_1063 = vector.shape_cast %mul3A_1058 : vector<16xf32> to vector<1x16xf32>
        tpu.vector_store %arg10[%swap3A_1059, %swap3A_1060], %swap3A_1063 {strides = array<i32>} : memref<80x128xf32, #tpu.memory_space<vmem>>, vector<1x16xf32>,
        %get3A_1064 = arith.index_cast %add3A_993 : i32 to index
        %get3A_1065 = arith.constant 112 : index
        %get3A_1066 = tpu.vector_load %arg10[%get3A_1064, %get3A_1065] {strides = array<i32>} : memref<80x128xf32, #tpu.memory_space<vmem>>, vector<1x16xf32>,
        %get3A_1067 = vector.shape_cast %get3A_1066 : vector<1x16xf32> to vector<16xf32>
        %mul3A_1068 = arith.mulf %get3A_1067, %gather3A_989 : vector<16xf32>
        %swap3A_1069 = arith.index_cast %add3A_993 : i32 to index
        %swap3A_1070 = arith.constant 112 : index
        %swap3A_1071 = tpu.vector_load %arg10[%swap3A_1069, %swap3A_1070] {strides = array<i32>} : memref<80x128xf32, #tpu.memory_space<vmem>>, vector<1x16xf32>,
        %swap3A_1072 = vector.shape_cast %swap3A_1071 : vector<1x16xf32> to vector<16xf32>
        %swap3A_1073 = vector.shape_cast %mul3A_1068 : vector<16xf32> to vector<1x16xf32>
        tpu.vector_store %arg10[%swap3A_1069, %swap3A_1070], %swap3A_1073 {strides = array<i32>} : memref<80x128xf32, #tpu.memory_space<vmem>>, vector<1x16xf32>,
        %broadcast_in_dim3A_1074 = arith.constant 11 : i32
        %broadcast_in_dim3A_1075 = vector.broadcast %broadcast_in_dim3A_1074 : i32 to vector<16x1xi32>
        %gather3A_1076 = vector.shape_cast %broadcast_in_dim3A_1075 : vector<16x1xi32> to vector<16xi32>
        %gather3A_1077 = tpu.dynamic_gather %get3A_107[%gather3A_1076] in [0] : vector<16xf32>, vector<16xi32> -> vector<16xf32>
        %mul3A_1078 = arith.constant 16 : i32
        %mul3A_1079 = arith.muli %scan3A_103, %mul3A_1078 : i32
        %add3A_1080 = arith.constant 11 : i32
        %add3A_1081 = arith.addi %mul3A_1079, %add3A_1080 : i32
        %get3A_1082 = arith.index_cast %add3A_1081 : i32 to index
        %get3A_1083 = arith.constant 0 : index
        %get3A_1084 = tpu.vector_load %arg10[%get3A_1082, %get3A_1083] {strides = array<i32>} : memref<80x128xf32, #tpu.memory_space<vmem>>, vector<1x16xf32>,
        %get3A_1085 = vector.shape_cast %get3A_1084 : vector<1x16xf32> to vector<16xf32>
        %mul3A_1086 = arith.mulf %get3A_1085, %gather3A_1077 : vector<16xf32>
        %swap3A_1087 = arith.index_cast %add3A_1081 : i32 to index
        %swap3A_1088 = arith.constant 0 : index
        %swap3A_1089 = tpu.vector_load %arg10[%swap3A_1087, %swap3A_1088] {strides = array<i32>} : memref<80x128xf32, #tpu.memory_space<vmem>>, vector<1x16xf32>,
        %swap3A_1090 = vector.shape_cast %swap3A_1089 : vector<1x16xf32> to vector<16xf32>
        %swap3A_1091 = vector.shape_cast %mul3A_1086 : vector<16xf32> to vector<1x16xf32>
        tpu.vector_store %arg10[%swap3A_1087, %swap3A_1088], %swap3A_1091 {strides = array<i32>} : memref<80x128xf32, #tpu.memory_space<vmem>>, vector<1x16xf32>,
        %get3A_1092 = arith.index_cast %add3A_1081 : i32 to index
        %get3A_1093 = arith.constant 16 : index
        %get3A_1094 = tpu.vector_load %arg10[%get3A_1092, %get3A_1093] {strides = array<i32>} : memref<80x128xf32, #tpu.memory_space<vmem>>, vector<1x16xf32>,
        %get3A_1095 = vector.shape_cast %get3A_1094 : vector<1x16xf32> to vector<16xf32>
        %mul3A_1096 = arith.mulf %get3A_1095, %gather3A_1077 : vector<16xf32>
        %swap3A_1097 = arith.index_cast %add3A_1081 : i32 to index
        %swap3A_1098 = arith.constant 16 : index
        %swap3A_1099 = tpu.vector_load %arg10[%swap3A_1097, %swap3A_1098] {strides = array<i32>} : memref<80x128xf32, #tpu.memory_space<vmem>>, vector<1x16xf32>,
        %swap3A_1100 = vector.shape_cast %swap3A_1099 : vector<1x16xf32> to vector<16xf32>
        %swap3A_1101 = vector.shape_cast %mul3A_1096 : vector<16xf32> to vector<1x16xf32>
        tpu.vector_store %arg10[%swap3A_1097, %swap3A_1098], %swap3A_1101 {strides = array<i32>} : memref<80x128xf32, #tpu.memory_space<vmem>>, vector<1x16xf32>,
        %get3A_1102 = arith.index_cast %add3A_1081 : i32 to index
        %get3A_1103 = arith.constant 32 : index
        %get3A_1104 = tpu.vector_load %arg10[%get3A_1102, %get3A_1103] {strides = array<i32>} : memref<80x128xf32, #tpu.memory_space<vmem>>, vector<1x16xf32>,
        %get3A_1105 = vector.shape_cast %get3A_1104 : vector<1x16xf32> to vector<16xf32>
        %mul3A_1106 = arith.mulf %get3A_1105, %gather3A_1077 : vector<16xf32>
        %swap3A_1107 = arith.index_cast %add3A_1081 : i32 to index
        %swap3A_1108 = arith.constant 32 : index
        %swap3A_1109 = tpu.vector_load %arg10[%swap3A_1107, %swap3A_1108] {strides = array<i32>} : memref<80x128xf32, #tpu.memory_space<vmem>>, vector<1x16xf32>,
        %swap3A_1110 = vector.shape_cast %swap3A_1109 : vector<1x16xf32> to vector<16xf32>
        %swap3A_1111 = vector.shape_cast %mul3A_1106 : vector<16xf32> to vector<1x16xf32>
        tpu.vector_store %arg10[%swap3A_1107, %swap3A_1108], %swap3A_1111 {strides = array<i32>} : memref<80x128xf32, #tpu.memory_space<vmem>>, vector<1x16xf32>,
        %get3A_1112 = arith.index_cast %add3A_1081 : i32 to index
        %get3A_1113 = arith.constant 48 : index
        %get3A_1114 = tpu.vector_load %arg10[%get3A_1112, %get3A_1113] {strides = array<i32>} : memref<80x128xf32, #tpu.memory_space<vmem>>, vector<1x16xf32>,
        %get3A_1115 = vector.shape_cast %get3A_1114 : vector<1x16xf32> to vector<16xf32>
        %mul3A_1116 = arith.mulf %get3A_1115, %gather3A_1077 : vector<16xf32>
        %swap3A_1117 = arith.index_cast %add3A_1081 : i32 to index
        %swap3A_1118 = arith.constant 48 : index
        %swap3A_1119 = tpu.vector_load %arg10[%swap3A_1117, %swap3A_1118] {strides = array<i32>} : memref<80x128xf32, #tpu.memory_space<vmem>>, vector<1x16xf32>,
        %swap3A_1120 = vector.shape_cast %swap3A_1119 : vector<1x16xf32> to vector<16xf32>
        %swap3A_1121 = vector.shape_cast %mul3A_1116 : vector<16xf32> to vector<1x16xf32>
        tpu.vector_store %arg10[%swap3A_1117, %swap3A_1118], %swap3A_1121 {strides = array<i32>} : memref<80x128xf32, #tpu.memory_space<vmem>>, vector<1x16xf32>,
        %get3A_1122 = arith.index_cast %add3A_1081 : i32 to index
        %get3A_1123 = arith.constant 64 : index
        %get3A_1124 = tpu.vector_load %arg10[%get3A_1122, %get3A_1123] {strides = array<i32>} : memref<80x128xf32, #tpu.memory_space<vmem>>, vector<1x16xf32>,
        %get3A_1125 = vector.shape_cast %get3A_1124 : vector<1x16xf32> to vector<16xf32>
        %mul3A_1126 = arith.mulf %get3A_1125, %gather3A_1077 : vector<16xf32>
        %swap3A_1127 = arith.index_cast %add3A_1081 : i32 to index
        %swap3A_1128 = arith.constant 64 : index
        %swap3A_1129 = tpu.vector_load %arg10[%swap3A_1127, %swap3A_1128] {strides = array<i32>} : memref<80x128xf32, #tpu.memory_space<vmem>>, vector<1x16xf32>,
        %swap3A_1130 = vector.shape_cast %swap3A_1129 : vector<1x16xf32> to vector<16xf32>
        %swap3A_1131 = vector.shape_cast %mul3A_1126 : vector<16xf32> to vector<1x16xf32>
        tpu.vector_store %arg10[%swap3A_1127, %swap3A_1128], %swap3A_1131 {strides = array<i32>} : memref<80x128xf32, #tpu.memory_space<vmem>>, vector<1x16xf32>,
        %get3A_1132 = arith.index_cast %add3A_1081 : i32 to index
        %get3A_1133 = arith.constant 80 : index
        %get3A_1134 = tpu.vector_load %arg10[%get3A_1132, %get3A_1133] {strides = array<i32>} : memref<80x128xf32, #tpu.memory_space<vmem>>, vector<1x16xf32>,
        %get3A_1135 = vector.shape_cast %get3A_1134 : vector<1x16xf32> to vector<16xf32>
        %mul3A_1136 = arith.mulf %get3A_1135, %gather3A_1077 : vector<16xf32>
        %swap3A_1137 = arith.index_cast %add3A_1081 : i32 to index
        %swap3A_1138 = arith.constant 80 : index
        %swap3A_1139 = tpu.vector_load %arg10[%swap3A_1137, %swap3A_1138] {strides = array<i32>} : memref<80x128xf32, #tpu.memory_space<vmem>>, vector<1x16xf32>,
        %swap3A_1140 = vector.shape_cast %swap3A_1139 : vector<1x16xf32> to vector<16xf32>
        %swap3A_1141 = vector.shape_cast %mul3A_1136 : vector<16xf32> to vector<1x16xf32>
        tpu.vector_store %arg10[%swap3A_1137, %swap3A_1138], %swap3A_1141 {strides = array<i32>} : memref<80x128xf32, #tpu.memory_space<vmem>>, vector<1x16xf32>,
        %get3A_1142 = arith.index_cast %add3A_1081 : i32 to index
        %get3A_1143 = arith.constant 96 : index
        %get3A_1144 = tpu.vector_load %arg10[%get3A_1142, %get3A_1143] {strides = array<i32>} : memref<80x128xf32, #tpu.memory_space<vmem>>, vector<1x16xf32>,
        %get3A_1145 = vector.shape_cast %get3A_1144 : vector<1x16xf32> to vector<16xf32>
        %mul3A_1146 = arith.mulf %get3A_1145, %gather3A_1077 : vector<16xf32>
        %swap3A_1147 = arith.index_cast %add3A_1081 : i32 to index
        %swap3A_1148 = arith.constant 96 : index
        %swap3A_1149 = tpu.vector_load %arg10[%swap3A_1147, %swap3A_1148] {strides = array<i32>} : memref<80x128xf32, #tpu.memory_space<vmem>>, vector<1x16xf32>,
        %swap3A_1150 = vector.shape_cast %swap3A_1149 : vector<1x16xf32> to vector<16xf32>
        %swap3A_1151 = vector.shape_cast %mul3A_1146 : vector<16xf32> to vector<1x16xf32>
        tpu.vector_store %arg10[%swap3A_1147, %swap3A_1148], %swap3A_1151 {strides = array<i32>} : memref<80x128xf32, #tpu.memory_space<vmem>>, vector<1x16xf32>,
        %get3A_1152 = arith.index_cast %add3A_1081 : i32 to index
        %get3A_1153 = arith.constant 112 : index
        %get3A_1154 = tpu.vector_load %arg10[%get3A_1152, %get3A_1153] {strides = array<i32>} : memref<80x128xf32, #tpu.memory_space<vmem>>, vector<1x16xf32>,
        %get3A_1155 = vector.shape_cast %get3A_1154 : vector<1x16xf32> to vector<16xf32>
        %mul3A_1156 = arith.mulf %get3A_1155, %gather3A_1077 : vector<16xf32>
        %swap3A_1157 = arith.index_cast %add3A_1081 : i32 to index
        %swap3A_1158 = arith.constant 112 : index
        %swap3A_1159 = tpu.vector_load %arg10[%swap3A_1157, %swap3A_1158] {strides = array<i32>} : memref<80x128xf32, #tpu.memory_space<vmem>>, vector<1x16xf32>,
        %swap3A_1160 = vector.shape_cast %swap3A_1159 : vector<1x16xf32> to vector<16xf32>
        %swap3A_1161 = vector.shape_cast %mul3A_1156 : vector<16xf32> to vector<1x16xf32>
        tpu.vector_store %arg10[%swap3A_1157, %swap3A_1158], %swap3A_1161 {strides = array<i32>} : memref<80x128xf32, #tpu.memory_space<vmem>>, vector<1x16xf32>,
        %broadcast_in_dim3A_1162 = arith.constant 12 : i32
        %broadcast_in_dim3A_1163 = vector.broadcast %broadcast_in_dim3A_1162 : i32 to vector<16x1xi32>
        %gather3A_1164 = vector.shape_cast %broadcast_in_dim3A_1163 : vector<16x1xi32> to vector<16xi32>
        %gather3A_1165 = tpu.dynamic_gather %get3A_107[%gather3A_1164] in [0] : vector<16xf32>, vector<16xi32> -> vector<16xf32>
        %mul3A_1166 = arith.constant 16 : i32
        %mul3A_1167 = arith.muli %scan3A_103, %mul3A_1166 : i32
        %add3A_1168 = arith.constant 12 : i32
        %add3A_1169 = arith.addi %mul3A_1167, %add3A_1168 : i32
        %get3A_1170 = arith.index_cast %add3A_1169 : i32 to index
        %get3A_1171 = arith.constant 0 : index
        %get3A_1172 = tpu.vector_load %arg10[%get3A_1170, %get3A_1171] {strides = array<i32>} : memref<80x128xf32, #tpu.memory_space<vmem>>, vector<1x16xf32>,
        %get3A_1173 = vector.shape_cast %get3A_1172 : vector<1x16xf32> to vector<16xf32>
        %mul3A_1174 = arith.mulf %get3A_1173, %gather3A_1165 : vector<16xf32>
        %swap3A_1175 = arith.index_cast %add3A_1169 : i32 to index
        %swap3A_1176 = arith.constant 0 : index
        %swap3A_1177 = tpu.vector_load %arg10[%swap3A_1175, %swap3A_1176] {strides = array<i32>} : memref<80x128xf32, #tpu.memory_space<vmem>>, vector<1x16xf32>,
        %swap3A_1178 = vector.shape_cast %swap3A_1177 : vector<1x16xf32> to vector<16xf32>
        %swap3A_1179 = vector.shape_cast %mul3A_1174 : vector<16xf32> to vector<1x16xf32>
        tpu.vector_store %arg10[%swap3A_1175, %swap3A_1176], %swap3A_1179 {strides = array<i32>} : memref<80x128xf32, #tpu.memory_space<vmem>>, vector<1x16xf32>,
        %get3A_1180 = arith.index_cast %add3A_1169 : i32 to index
        %get3A_1181 = arith.constant 16 : index
        %get3A_1182 = tpu.vector_load %arg10[%get3A_1180, %get3A_1181] {strides = array<i32>} : memref<80x128xf32, #tpu.memory_space<vmem>>, vector<1x16xf32>,
        %get3A_1183 = vector.shape_cast %get3A_1182 : vector<1x16xf32> to vector<16xf32>
        %mul3A_1184 = arith.mulf %get3A_1183, %gather3A_1165 : vector<16xf32>
        %swap3A_1185 = arith.index_cast %add3A_1169 : i32 to index
        %swap3A_1186 = arith.constant 16 : index
        %swap3A_1187 = tpu.vector_load %arg10[%swap3A_1185, %swap3A_1186] {strides = array<i32>} : memref<80x128xf32, #tpu.memory_space<vmem>>, vector<1x16xf32>,
        %swap3A_1188 = vector.shape_cast %swap3A_1187 : vector<1x16xf32> to vector<16xf32>
        %swap3A_1189 = vector.shape_cast %mul3A_1184 : vector<16xf32> to vector<1x16xf32>
        tpu.vector_store %arg10[%swap3A_1185, %swap3A_1186], %swap3A_1189 {strides = array<i32>} : memref<80x128xf32, #tpu.memory_space<vmem>>, vector<1x16xf32>,
        %get3A_1190 = arith.index_cast %add3A_1169 : i32 to index
        %get3A_1191 = arith.constant 32 : index
        %get3A_1192 = tpu.vector_load %arg10[%get3A_1190, %get3A_1191] {strides = array<i32>} : memref<80x128xf32, #tpu.memory_space<vmem>>, vector<1x16xf32>,
        %get3A_1193 = vector.shape_cast %get3A_1192 : vector<1x16xf32> to vector<16xf32>
        %mul3A_1194 = arith.mulf %get3A_1193, %gather3A_1165 : vector<16xf32>
        %swap3A_1195 = arith.index_cast %add3A_1169 : i32 to index
        %swap3A_1196 = arith.constant 32 : index
        %swap3A_1197 = tpu.vector_load %arg10[%swap3A_1195, %swap3A_1196] {strides = array<i32>} : memref<80x128xf32, #tpu.memory_space<vmem>>, vector<1x16xf32>,
        %swap3A_1198 = vector.shape_cast %swap3A_1197 : vector<1x16xf32> to vector<16xf32>
        %swap3A_1199 = vector.shape_cast %mul3A_1194 : vector<16xf32> to vector<1x16xf32>
        tpu.vector_store %arg10[%swap3A_1195, %swap3A_1196], %swap3A_1199 {strides = array<i32>} : memref<80x128xf32, #tpu.memory_space<vmem>>, vector<1x16xf32>,
        %get3A_1200 = arith.index_cast %add3A_1169 : i32 to index
        %get3A_1201 = arith.constant 48 : index
        %get3A_1202 = tpu.vector_load %arg10[%get3A_1200, %get3A_1201] {strides = array<i32>} : memref<80x128xf32, #tpu.memory_space<vmem>>, vector<1x16xf32>,
        %get3A_1203 = vector.shape_cast %get3A_1202 : vector<1x16xf32> to vector<16xf32>
        %mul3A_1204 = arith.mulf %get3A_1203, %gather3A_1165 : vector<16xf32>
        %swap3A_1205 = arith.index_cast %add3A_1169 : i32 to index
        %swap3A_1206 = arith.constant 48 : index
        %swap3A_1207 = tpu.vector_load %arg10[%swap3A_1205, %swap3A_1206] {strides = array<i32>} : memref<80x128xf32, #tpu.memory_space<vmem>>, vector<1x16xf32>,
        %swap3A_1208 = vector.shape_cast %swap3A_1207 : vector<1x16xf32> to vector<16xf32>
        %swap3A_1209 = vector.shape_cast %mul3A_1204 : vector<16xf32> to vector<1x16xf32>
        tpu.vector_store %arg10[%swap3A_1205, %swap3A_1206], %swap3A_1209 {strides = array<i32>} : memref<80x128xf32, #tpu.memory_space<vmem>>, vector<1x16xf32>,
        %get3A_1210 = arith.index_cast %add3A_1169 : i32 to index
        %get3A_1211 = arith.constant 64 : index
        %get3A_1212 = tpu.vector_load %arg10[%get3A_1210, %get3A_1211] {strides = array<i32>} : memref<80x128xf32, #tpu.memory_space<vmem>>, vector<1x16xf32>,
        %get3A_1213 = vector.shape_cast %get3A_1212 : vector<1x16xf32> to vector<16xf32>
        %mul3A_1214 = arith.mulf %get3A_1213, %gather3A_1165 : vector<16xf32>
        %swap3A_1215 = arith.index_cast %add3A_1169 : i32 to index
        %swap3A_1216 = arith.constant 64 : index
        %swap3A_1217 = tpu.vector_load %arg10[%swap3A_1215, %swap3A_1216] {strides = array<i32>} : memref<80x128xf32, #tpu.memory_space<vmem>>, vector<1x16xf32>,
        %swap3A_1218 = vector.shape_cast %swap3A_1217 : vector<1x16xf32> to vector<16xf32>
        %swap3A_1219 = vector.shape_cast %mul3A_1214 : vector<16xf32> to vector<1x16xf32>
        tpu.vector_store %arg10[%swap3A_1215, %swap3A_1216], %swap3A_1219 {strides = array<i32>} : memref<80x128xf32, #tpu.memory_space<vmem>>, vector<1x16xf32>,
        %get3A_1220 = arith.index_cast %add3A_1169 : i32 to index
        %get3A_1221 = arith.constant 80 : index
        %get3A_1222 = tpu.vector_load %arg10[%get3A_1220, %get3A_1221] {strides = array<i32>} : memref<80x128xf32, #tpu.memory_space<vmem>>, vector<1x16xf32>,
        %get3A_1223 = vector.shape_cast %get3A_1222 : vector<1x16xf32> to vector<16xf32>
        %mul3A_1224 = arith.mulf %get3A_1223, %gather3A_1165 : vector<16xf32>
        %swap3A_1225 = arith.index_cast %add3A_1169 : i32 to index
        %swap3A_1226 = arith.constant 80 : index
        %swap3A_1227 = tpu.vector_load %arg10[%swap3A_1225, %swap3A_1226] {strides = array<i32>} : memref<80x128xf32, #tpu.memory_space<vmem>>, vector<1x16xf32>,
        %swap3A_1228 = vector.shape_cast %swap3A_1227 : vector<1x16xf32> to vector<16xf32>
        %swap3A_1229 = vector.shape_cast %mul3A_1224 : vector<16xf32> to vector<1x16xf32>
        tpu.vector_store %arg10[%swap3A_1225, %swap3A_1226], %swap3A_1229 {strides = array<i32>} : memref<80x128xf32, #tpu.memory_space<vmem>>, vector<1x16xf32>,
        %get3A_1230 = arith.index_cast %add3A_1169 : i32 to index
        %get3A_1231 = arith.constant 96 : index
        %get3A_1232 = tpu.vector_load %arg10[%get3A_1230, %get3A_1231] {strides = array<i32>} : memref<80x128xf32, #tpu.memory_space<vmem>>, vector<1x16xf32>,
        %get3A_1233 = vector.shape_cast %get3A_1232 : vector<1x16xf32> to vector<16xf32>
        %mul3A_1234 = arith.mulf %get3A_1233, %gather3A_1165 : vector<16xf32>
        %swap3A_1235 = arith.index_cast %add3A_1169 : i32 to index
        %swap3A_1236 = arith.constant 96 : index
        %swap3A_1237 = tpu.vector_load %arg10[%swap3A_1235, %swap3A_1236] {strides = array<i32>} : memref<80x128xf32, #tpu.memory_space<vmem>>, vector<1x16xf32>,
        %swap3A_1238 = vector.shape_cast %swap3A_1237 : vector<1x16xf32> to vector<16xf32>
        %swap3A_1239 = vector.shape_cast %mul3A_1234 : vector<16xf32> to vector<1x16xf32>
        tpu.vector_store %arg10[%swap3A_1235, %swap3A_1236], %swap3A_1239 {strides = array<i32>} : memref<80x128xf32, #tpu.memory_space<vmem>>, vector<1x16xf32>,
        %get3A_1240 = arith.index_cast %add3A_1169 : i32 to index
        %get3A_1241 = arith.constant 112 : index
        %get3A_1242 = tpu.vector_load %arg10[%get3A_1240, %get3A_1241] {strides = array<i32>} : memref<80x128xf32, #tpu.memory_space<vmem>>, vector<1x16xf32>,
        %get3A_1243 = vector.shape_cast %get3A_1242 : vector<1x16xf32> to vector<16xf32>
        %mul3A_1244 = arith.mulf %get3A_1243, %gather3A_1165 : vector<16xf32>
        %swap3A_1245 = arith.index_cast %add3A_1169 : i32 to index
        %swap3A_1246 = arith.constant 112 : index
        %swap3A_1247 = tpu.vector_load %arg10[%swap3A_1245, %swap3A_1246] {strides = array<i32>} : memref<80x128xf32, #tpu.memory_space<vmem>>, vector<1x16xf32>,
        %swap3A_1248 = vector.shape_cast %swap3A_1247 : vector<1x16xf32> to vector<16xf32>
        %swap3A_1249 = vector.shape_cast %mul3A_1244 : vector<16xf32> to vector<1x16xf32>
        tpu.vector_store %arg10[%swap3A_1245, %swap3A_1246], %swap3A_1249 {strides = array<i32>} : memref<80x128xf32, #tpu.memory_space<vmem>>, vector<1x16xf32>,
        %broadcast_in_dim3A_1250 = arith.constant 13 : i32
        %broadcast_in_dim3A_1251 = vector.broadcast %broadcast_in_dim3A_1250 : i32 to vector<16x1xi32>
        %gather3A_1252 = vector.shape_cast %broadcast_in_dim3A_1251 : vector<16x1xi32> to vector<16xi32>
        %gather3A_1253 = tpu.dynamic_gather %get3A_107[%gather3A_1252] in [0] : vector<16xf32>, vector<16xi32> -> vector<16xf32>
        %mul3A_1254 = arith.constant 16 : i32
        %mul3A_1255 = arith.muli %scan3A_103, %mul3A_1254 : i32
        %add3A_1256 = arith.constant 13 : i32
        %add3A_1257 = arith.addi %mul3A_1255, %add3A_1256 : i32
        %get3A_1258 = arith.index_cast %add3A_1257 : i32 to index
        %get3A_1259 = arith.constant 0 : index
        %get3A_1260 = tpu.vector_load %arg10[%get3A_1258, %get3A_1259] {strides = array<i32>} : memref<80x128xf32, #tpu.memory_space<vmem>>, vector<1x16xf32>,
        %get3A_1261 = vector.shape_cast %get3A_1260 : vector<1x16xf32> to vector<16xf32>
        %mul3A_1262 = arith.mulf %get3A_1261, %gather3A_1253 : vector<16xf32>
        %swap3A_1263 = arith.index_cast %add3A_1257 : i32 to index
        %swap3A_1264 = arith.constant 0 : index
        %swap3A_1265 = tpu.vector_load %arg10[%swap3A_1263, %swap3A_1264] {strides = array<i32>} : memref<80x128xf32, #tpu.memory_space<vmem>>, vector<1x16xf32>,
        %swap3A_1266 = vector.shape_cast %swap3A_1265 : vector<1x16xf32> to vector<16xf32>
        %swap3A_1267 = vector.shape_cast %mul3A_1262 : vector<16xf32> to vector<1x16xf32>
        tpu.vector_store %arg10[%swap3A_1263, %swap3A_1264], %swap3A_1267 {strides = array<i32>} : memref<80x128xf32, #tpu.memory_space<vmem>>, vector<1x16xf32>,
        %get3A_1268 = arith.index_cast %add3A_1257 : i32 to index
        %get3A_1269 = arith.constant 16 : index
        %get3A_1270 = tpu.vector_load %arg10[%get3A_1268, %get3A_1269] {strides = array<i32>} : memref<80x128xf32, #tpu.memory_space<vmem>>, vector<1x16xf32>,
        %get3A_1271 = vector.shape_cast %get3A_1270 : vector<1x16xf32> to vector<16xf32>
        %mul3A_1272 = arith.mulf %get3A_1271, %gather3A_1253 : vector<16xf32>
        %swap3A_1273 = arith.index_cast %add3A_1257 : i32 to index
        %swap3A_1274 = arith.constant 16 : index
        %swap3A_1275 = tpu.vector_load %arg10[%swap3A_1273, %swap3A_1274] {strides = array<i32>} : memref<80x128xf32, #tpu.memory_space<vmem>>, vector<1x16xf32>,
        %swap3A_1276 = vector.shape_cast %swap3A_1275 : vector<1x16xf32> to vector<16xf32>
        %swap3A_1277 = vector.shape_cast %mul3A_1272 : vector<16xf32> to vector<1x16xf32>
        tpu.vector_store %arg10[%swap3A_1273, %swap3A_1274], %swap3A_1277 {strides = array<i32>} : memref<80x128xf32, #tpu.memory_space<vmem>>, vector<1x16xf32>,
        %get3A_1278 = arith.index_cast %add3A_1257 : i32 to index
        %get3A_1279 = arith.constant 32 : index
        %get3A_1280 = tpu.vector_load %arg10[%get3A_1278, %get3A_1279] {strides = array<i32>} : memref<80x128xf32, #tpu.memory_space<vmem>>, vector<1x16xf32>,
        %get3A_1281 = vector.shape_cast %get3A_1280 : vector<1x16xf32> to vector<16xf32>
        %mul3A_1282 = arith.mulf %get3A_1281, %gather3A_1253 : vector<16xf32>
        %swap3A_1283 = arith.index_cast %add3A_1257 : i32 to index
        %swap3A_1284 = arith.constant 32 : index
        %swap3A_1285 = tpu.vector_load %arg10[%swap3A_1283, %swap3A_1284] {strides = array<i32>} : memref<80x128xf32, #tpu.memory_space<vmem>>, vector<1x16xf32>,
        %swap3A_1286 = vector.shape_cast %swap3A_1285 : vector<1x16xf32> to vector<16xf32>
        %swap3A_1287 = vector.shape_cast %mul3A_1282 : vector<16xf32> to vector<1x16xf32>
        tpu.vector_store %arg10[%swap3A_1283, %swap3A_1284], %swap3A_1287 {strides = array<i32>} : memref<80x128xf32, #tpu.memory_space<vmem>>, vector<1x16xf32>,
        %get3A_1288 = arith.index_cast %add3A_1257 : i32 to index
        %get3A_1289 = arith.constant 48 : index
        %get3A_1290 = tpu.vector_load %arg10[%get3A_1288, %get3A_1289] {strides = array<i32>} : memref<80x128xf32, #tpu.memory_space<vmem>>, vector<1x16xf32>,
        %get3A_1291 = vector.shape_cast %get3A_1290 : vector<1x16xf32> to vector<16xf32>
        %mul3A_1292 = arith.mulf %get3A_1291, %gather3A_1253 : vector<16xf32>
        %swap3A_1293 = arith.index_cast %add3A_1257 : i32 to index
        %swap3A_1294 = arith.constant 48 : index
        %swap3A_1295 = tpu.vector_load %arg10[%swap3A_1293, %swap3A_1294] {strides = array<i32>} : memref<80x128xf32, #tpu.memory_space<vmem>>, vector<1x16xf32>,
        %swap3A_1296 = vector.shape_cast %swap3A_1295 : vector<1x16xf32> to vector<16xf32>
        %swap3A_1297 = vector.shape_cast %mul3A_1292 : vector<16xf32> to vector<1x16xf32>
        tpu.vector_store %arg10[%swap3A_1293, %swap3A_1294], %swap3A_1297 {strides = array<i32>} : memref<80x128xf32, #tpu.memory_space<vmem>>, vector<1x16xf32>,
        %get3A_1298 = arith.index_cast %add3A_1257 : i32 to index
        %get3A_1299 = arith.constant 64 : index
        %get3A_1300 = tpu.vector_load %arg10[%get3A_1298, %get3A_1299] {strides = array<i32>} : memref<80x128xf32, #tpu.memory_space<vmem>>, vector<1x16xf32>,
        %get3A_1301 = vector.shape_cast %get3A_1300 : vector<1x16xf32> to vector<16xf32>
        %mul3A_1302 = arith.mulf %get3A_1301, %gather3A_1253 : vector<16xf32>
        %swap3A_1303 = arith.index_cast %add3A_1257 : i32 to index
        %swap3A_1304 = arith.constant 64 : index
        %swap3A_1305 = tpu.vector_load %arg10[%swap3A_1303, %swap3A_1304] {strides = array<i32>} : memref<80x128xf32, #tpu.memory_space<vmem>>, vector<1x16xf32>,
        %swap3A_1306 = vector.shape_cast %swap3A_1305 : vector<1x16xf32> to vector<16xf32>
        %swap3A_1307 = vector.shape_cast %mul3A_1302 : vector<16xf32> to vector<1x16xf32>
        tpu.vector_store %arg10[%swap3A_1303, %swap3A_1304], %swap3A_1307 {strides = array<i32>} : memref<80x128xf32, #tpu.memory_space<vmem>>, vector<1x16xf32>,
        %get3A_1308 = arith.index_cast %add3A_1257 : i32 to index
        %get3A_1309 = arith.constant 80 : index
        %get3A_1310 = tpu.vector_load %arg10[%get3A_1308, %get3A_1309] {strides = array<i32>} : memref<80x128xf32, #tpu.memory_space<vmem>>, vector<1x16xf32>,
        %get3A_1311 = vector.shape_cast %get3A_1310 : vector<1x16xf32> to vector<16xf32>
        %mul3A_1312 = arith.mulf %get3A_1311, %gather3A_1253 : vector<16xf32>
        %swap3A_1313 = arith.index_cast %add3A_1257 : i32 to index
        %swap3A_1314 = arith.constant 80 : index
        %swap3A_1315 = tpu.vector_load %arg10[%swap3A_1313, %swap3A_1314] {strides = array<i32>} : memref<80x128xf32, #tpu.memory_space<vmem>>, vector<1x16xf32>,
        %swap3A_1316 = vector.shape_cast %swap3A_1315 : vector<1x16xf32> to vector<16xf32>
        %swap3A_1317 = vector.shape_cast %mul3A_1312 : vector<16xf32> to vector<1x16xf32>
        tpu.vector_store %arg10[%swap3A_1313, %swap3A_1314], %swap3A_1317 {strides = array<i32>} : memref<80x128xf32, #tpu.memory_space<vmem>>, vector<1x16xf32>,
        %get3A_1318 = arith.index_cast %add3A_1257 : i32 to index
        %get3A_1319 = arith.constant 96 : index
        %get3A_1320 = tpu.vector_load %arg10[%get3A_1318, %get3A_1319] {strides = array<i32>} : memref<80x128xf32, #tpu.memory_space<vmem>>, vector<1x16xf32>,
        %get3A_1321 = vector.shape_cast %get3A_1320 : vector<1x16xf32> to vector<16xf32>
        %mul3A_1322 = arith.mulf %get3A_1321, %gather3A_1253 : vector<16xf32>
        %swap3A_1323 = arith.index_cast %add3A_1257 : i32 to index
        %swap3A_1324 = arith.constant 96 : index
        %swap3A_1325 = tpu.vector_load %arg10[%swap3A_1323, %swap3A_1324] {strides = array<i32>} : memref<80x128xf32, #tpu.memory_space<vmem>>, vector<1x16xf32>,
        %swap3A_1326 = vector.shape_cast %swap3A_1325 : vector<1x16xf32> to vector<16xf32>
        %swap3A_1327 = vector.shape_cast %mul3A_1322 : vector<16xf32> to vector<1x16xf32>
        tpu.vector_store %arg10[%swap3A_1323, %swap3A_1324], %swap3A_1327 {strides = array<i32>} : memref<80x128xf32, #tpu.memory_space<vmem>>, vector<1x16xf32>,
        %get3A_1328 = arith.index_cast %add3A_1257 : i32 to index
        %get3A_1329 = arith.constant 112 : index
        %get3A_1330 = tpu.vector_load %arg10[%get3A_1328, %get3A_1329] {strides = array<i32>} : memref<80x128xf32, #tpu.memory_space<vmem>>, vector<1x16xf32>,
        %get3A_1331 = vector.shape_cast %get3A_1330 : vector<1x16xf32> to vector<16xf32>
        %mul3A_1332 = arith.mulf %get3A_1331, %gather3A_1253 : vector<16xf32>
        %swap3A_1333 = arith.index_cast %add3A_1257 : i32 to index
        %swap3A_1334 = arith.constant 112 : index
        %swap3A_1335 = tpu.vector_load %arg10[%swap3A_1333, %swap3A_1334] {strides = array<i32>} : memref<80x128xf32, #tpu.memory_space<vmem>>, vector<1x16xf32>,
        %swap3A_1336 = vector.shape_cast %swap3A_1335 : vector<1x16xf32> to vector<16xf32>
        %swap3A_1337 = vector.shape_cast %mul3A_1332 : vector<16xf32> to vector<1x16xf32>
        tpu.vector_store %arg10[%swap3A_1333, %swap3A_1334], %swap3A_1337 {strides = array<i32>} : memref<80x128xf32, #tpu.memory_space<vmem>>, vector<1x16xf32>,
        %broadcast_in_dim3A_1338 = arith.constant 14 : i32
        %broadcast_in_dim3A_1339 = vector.broadcast %broadcast_in_dim3A_1338 : i32 to vector<16x1xi32>
        %gather3A_1340 = vector.shape_cast %broadcast_in_dim3A_1339 : vector<16x1xi32> to vector<16xi32>
        %gather3A_1341 = tpu.dynamic_gather %get3A_107[%gather3A_1340] in [0] : vector<16xf32>, vector<16xi32> -> vector<16xf32>
        %mul3A_1342 = arith.constant 16 : i32
        %mul3A_1343 = arith.muli %scan3A_103, %mul3A_1342 : i32
        %add3A_1344 = arith.constant 14 : i32
        %add3A_1345 = arith.addi %mul3A_1343, %add3A_1344 : i32
        %get3A_1346 = arith.index_cast %add3A_1345 : i32 to index
        %get3A_1347 = arith.constant 0 : index
        %get3A_1348 = tpu.vector_load %arg10[%get3A_1346, %get3A_1347] {strides = array<i32>} : memref<80x128xf32, #tpu.memory_space<vmem>>, vector<1x16xf32>,
        %get3A_1349 = vector.shape_cast %get3A_1348 : vector<1x16xf32> to vector<16xf32>
        %mul3A_1350 = arith.mulf %get3A_1349, %gather3A_1341 : vector<16xf32>
        %swap3A_1351 = arith.index_cast %add3A_1345 : i32 to index
        %swap3A_1352 = arith.constant 0 : index
        %swap3A_1353 = tpu.vector_load %arg10[%swap3A_1351, %swap3A_1352] {strides = array<i32>} : memref<80x128xf32, #tpu.memory_space<vmem>>, vector<1x16xf32>,
        %swap3A_1354 = vector.shape_cast %swap3A_1353 : vector<1x16xf32> to vector<16xf32>
        %swap3A_1355 = vector.shape_cast %mul3A_1350 : vector<16xf32> to vector<1x16xf32>
        tpu.vector_store %arg10[%swap3A_1351, %swap3A_1352], %swap3A_1355 {strides = array<i32>} : memref<80x128xf32, #tpu.memory_space<vmem>>, vector<1x16xf32>,
        %get3A_1356 = arith.index_cast %add3A_1345 : i32 to index
        %get3A_1357 = arith.constant 16 : index
        %get3A_1358 = tpu.vector_load %arg10[%get3A_1356, %get3A_1357] {strides = array<i32>} : memref<80x128xf32, #tpu.memory_space<vmem>>, vector<1x16xf32>,
        %get3A_1359 = vector.shape_cast %get3A_1358 : vector<1x16xf32> to vector<16xf32>
        %mul3A_1360 = arith.mulf %get3A_1359, %gather3A_1341 : vector<16xf32>
        %swap3A_1361 = arith.index_cast %add3A_1345 : i32 to index
        %swap3A_1362 = arith.constant 16 : index
        %swap3A_1363 = tpu.vector_load %arg10[%swap3A_1361, %swap3A_1362] {strides = array<i32>} : memref<80x128xf32, #tpu.memory_space<vmem>>, vector<1x16xf32>,
        %swap3A_1364 = vector.shape_cast %swap3A_1363 : vector<1x16xf32> to vector<16xf32>
        %swap3A_1365 = vector.shape_cast %mul3A_1360 : vector<16xf32> to vector<1x16xf32>
        tpu.vector_store %arg10[%swap3A_1361, %swap3A_1362], %swap3A_1365 {strides = array<i32>} : memref<80x128xf32, #tpu.memory_space<vmem>>, vector<1x16xf32>,
        %get3A_1366 = arith.index_cast %add3A_1345 : i32 to index
        %get3A_1367 = arith.constant 32 : index
        %get3A_1368 = tpu.vector_load %arg10[%get3A_1366, %get3A_1367] {strides = array<i32>} : memref<80x128xf32, #tpu.memory_space<vmem>>, vector<1x16xf32>,
        %get3A_1369 = vector.shape_cast %get3A_1368 : vector<1x16xf32> to vector<16xf32>
        %mul3A_1370 = arith.mulf %get3A_1369, %gather3A_1341 : vector<16xf32>
        %swap3A_1371 = arith.index_cast %add3A_1345 : i32 to index
        %swap3A_1372 = arith.constant 32 : index
        %swap3A_1373 = tpu.vector_load %arg10[%swap3A_1371, %swap3A_1372] {strides = array<i32>} : memref<80x128xf32, #tpu.memory_space<vmem>>, vector<1x16xf32>,
        %swap3A_1374 = vector.shape_cast %swap3A_1373 : vector<1x16xf32> to vector<16xf32>
        %swap3A_1375 = vector.shape_cast %mul3A_1370 : vector<16xf32> to vector<1x16xf32>
        tpu.vector_store %arg10[%swap3A_1371, %swap3A_1372], %swap3A_1375 {strides = array<i32>} : memref<80x128xf32, #tpu.memory_space<vmem>>, vector<1x16xf32>,
        %get3A_1376 = arith.index_cast %add3A_1345 : i32 to index
        %get3A_1377 = arith.constant 48 : index
        %get3A_1378 = tpu.vector_load %arg10[%get3A_1376, %get3A_1377] {strides = array<i32>} : memref<80x128xf32, #tpu.memory_space<vmem>>, vector<1x16xf32>,
        %get3A_1379 = vector.shape_cast %get3A_1378 : vector<1x16xf32> to vector<16xf32>
        %mul3A_1380 = arith.mulf %get3A_1379, %gather3A_1341 : vector<16xf32>
        %swap3A_1381 = arith.index_cast %add3A_1345 : i32 to index
        %swap3A_1382 = arith.constant 48 : index
        %swap3A_1383 = tpu.vector_load %arg10[%swap3A_1381, %swap3A_1382] {strides = array<i32>} : memref<80x128xf32, #tpu.memory_space<vmem>>, vector<1x16xf32>,
        %swap3A_1384 = vector.shape_cast %swap3A_1383 : vector<1x16xf32> to vector<16xf32>
        %swap3A_1385 = vector.shape_cast %mul3A_1380 : vector<16xf32> to vector<1x16xf32>
        tpu.vector_store %arg10[%swap3A_1381, %swap3A_1382], %swap3A_1385 {strides = array<i32>} : memref<80x128xf32, #tpu.memory_space<vmem>>, vector<1x16xf32>,
        %get3A_1386 = arith.index_cast %add3A_1345 : i32 to index
        %get3A_1387 = arith.constant 64 : index
        %get3A_1388 = tpu.vector_load %arg10[%get3A_1386, %get3A_1387] {strides = array<i32>} : memref<80x128xf32, #tpu.memory_space<vmem>>, vector<1x16xf32>,
        %get3A_1389 = vector.shape_cast %get3A_1388 : vector<1x16xf32> to vector<16xf32>
        %mul3A_1390 = arith.mulf %get3A_1389, %gather3A_1341 : vector<16xf32>
        %swap3A_1391 = arith.index_cast %add3A_1345 : i32 to index
        %swap3A_1392 = arith.constant 64 : index
        %swap3A_1393 = tpu.vector_load %arg10[%swap3A_1391, %swap3A_1392] {strides = array<i32>} : memref<80x128xf32, #tpu.memory_space<vmem>>, vector<1x16xf32>,
        %swap3A_1394 = vector.shape_cast %swap3A_1393 : vector<1x16xf32> to vector<16xf32>
        %swap3A_1395 = vector.shape_cast %mul3A_1390 : vector<16xf32> to vector<1x16xf32>
        tpu.vector_store %arg10[%swap3A_1391, %swap3A_1392], %swap3A_1395 {strides = array<i32>} : memref<80x128xf32, #tpu.memory_space<vmem>>, vector<1x16xf32>,
        %get3A_1396 = arith.index_cast %add3A_1345 : i32 to index
        %get3A_1397 = arith.constant 80 : index
        %get3A_1398 = tpu.vector_load %arg10[%get3A_1396, %get3A_1397] {strides = array<i32>} : memref<80x128xf32, #tpu.memory_space<vmem>>, vector<1x16xf32>,
        %get3A_1399 = vector.shape_cast %get3A_1398 : vector<1x16xf32> to vector<16xf32>
        %mul3A_1400 = arith.mulf %get3A_1399, %gather3A_1341 : vector<16xf32>
        %swap3A_1401 = arith.index_cast %add3A_1345 : i32 to index
        %swap3A_1402 = arith.constant 80 : index
        %swap3A_1403 = tpu.vector_load %arg10[%swap3A_1401, %swap3A_1402] {strides = array<i32>} : memref<80x128xf32, #tpu.memory_space<vmem>>, vector<1x16xf32>,
        %swap3A_1404 = vector.shape_cast %swap3A_1403 : vector<1x16xf32> to vector<16xf32>
        %swap3A_1405 = vector.shape_cast %mul3A_1400 : vector<16xf32> to vector<1x16xf32>
        tpu.vector_store %arg10[%swap3A_1401, %swap3A_1402], %swap3A_1405 {strides = array<i32>} : memref<80x128xf32, #tpu.memory_space<vmem>>, vector<1x16xf32>,
        %get3A_1406 = arith.index_cast %add3A_1345 : i32 to index
        %get3A_1407 = arith.constant 96 : index
        %get3A_1408 = tpu.vector_load %arg10[%get3A_1406, %get3A_1407] {strides = array<i32>} : memref<80x128xf32, #tpu.memory_space<vmem>>, vector<1x16xf32>,
        %get3A_1409 = vector.shape_cast %get3A_1408 : vector<1x16xf32> to vector<16xf32>
        %mul3A_1410 = arith.mulf %get3A_1409, %gather3A_1341 : vector<16xf32>
        %swap3A_1411 = arith.index_cast %add3A_1345 : i32 to index
        %swap3A_1412 = arith.constant 96 : index
        %swap3A_1413 = tpu.vector_load %arg10[%swap3A_1411, %swap3A_1412] {strides = array<i32>} : memref<80x128xf32, #tpu.memory_space<vmem>>, vector<1x16xf32>,
        %swap3A_1414 = vector.shape_cast %swap3A_1413 : vector<1x16xf32> to vector<16xf32>
        %swap3A_1415 = vector.shape_cast %mul3A_1410 : vector<16xf32> to vector<1x16xf32>
        tpu.vector_store %arg10[%swap3A_1411, %swap3A_1412], %swap3A_1415 {strides = array<i32>} : memref<80x128xf32, #tpu.memory_space<vmem>>, vector<1x16xf32>,
        %get3A_1416 = arith.index_cast %add3A_1345 : i32 to index
        %get3A_1417 = arith.constant 112 : index
        %get3A_1418 = tpu.vector_load %arg10[%get3A_1416, %get3A_1417] {strides = array<i32>} : memref<80x128xf32, #tpu.memory_space<vmem>>, vector<1x16xf32>,
        %get3A_1419 = vector.shape_cast %get3A_1418 : vector<1x16xf32> to vector<16xf32>
        %mul3A_1420 = arith.mulf %get3A_1419, %gather3A_1341 : vector<16xf32>
        %swap3A_1421 = arith.index_cast %add3A_1345 : i32 to index
        %swap3A_1422 = arith.constant 112 : index
        %swap3A_1423 = tpu.vector_load %arg10[%swap3A_1421, %swap3A_1422] {strides = array<i32>} : memref<80x128xf32, #tpu.memory_space<vmem>>, vector<1x16xf32>,
        %swap3A_1424 = vector.shape_cast %swap3A_1423 : vector<1x16xf32> to vector<16xf32>
        %swap3A_1425 = vector.shape_cast %mul3A_1420 : vector<16xf32> to vector<1x16xf32>
        tpu.vector_store %arg10[%swap3A_1421, %swap3A_1422], %swap3A_1425 {strides = array<i32>} : memref<80x128xf32, #tpu.memory_space<vmem>>, vector<1x16xf32>,
        %broadcast_in_dim3A_1426 = arith.constant 15 : i32
        %broadcast_in_dim3A_1427 = vector.broadcast %broadcast_in_dim3A_1426 : i32 to vector<16x1xi32>
        %gather3A_1428 = vector.shape_cast %broadcast_in_dim3A_1427 : vector<16x1xi32> to vector<16xi32>
        %gather3A_1429 = tpu.dynamic_gather %get3A_107[%gather3A_1428] in [0] : vector<16xf32>, vector<16xi32> -> vector<16xf32>
        %mul3A_1430 = arith.constant 16 : i32
        %mul3A_1431 = arith.muli %scan3A_103, %mul3A_1430 : i32
        %add3A_1432 = arith.constant 15 : i32
        %add3A_1433 = arith.addi %mul3A_1431, %add3A_1432 : i32
        %get3A_1434 = arith.index_cast %add3A_1433 : i32 to index
        %get3A_1435 = arith.constant 0 : index
        %get3A_1436 = tpu.vector_load %arg10[%get3A_1434, %get3A_1435] {strides = array<i32>} : memref<80x128xf32, #tpu.memory_space<vmem>>, vector<1x16xf32>,
        %get3A_1437 = vector.shape_cast %get3A_1436 : vector<1x16xf32> to vector<16xf32>
        %mul3A_1438 = arith.mulf %get3A_1437, %gather3A_1429 : vector<16xf32>
        %swap3A_1439 = arith.index_cast %add3A_1433 : i32 to index
        %swap3A_1440 = arith.constant 0 : index
        %swap3A_1441 = tpu.vector_load %arg10[%swap3A_1439, %swap3A_1440] {strides = array<i32>} : memref<80x128xf32, #tpu.memory_space<vmem>>, vector<1x16xf32>,
        %swap3A_1442 = vector.shape_cast %swap3A_1441 : vector<1x16xf32> to vector<16xf32>
        %swap3A_1443 = vector.shape_cast %mul3A_1438 : vector<16xf32> to vector<1x16xf32>
        tpu.vector_store %arg10[%swap3A_1439, %swap3A_1440], %swap3A_1443 {strides = array<i32>} : memref<80x128xf32, #tpu.memory_space<vmem>>, vector<1x16xf32>,
        %get3A_1444 = arith.index_cast %add3A_1433 : i32 to index
        %get3A_1445 = arith.constant 16 : index
        %get3A_1446 = tpu.vector_load %arg10[%get3A_1444, %get3A_1445] {strides = array<i32>} : memref<80x128xf32, #tpu.memory_space<vmem>>, vector<1x16xf32>,
        %get3A_1447 = vector.shape_cast %get3A_1446 : vector<1x16xf32> to vector<16xf32>
        %mul3A_1448 = arith.mulf %get3A_1447, %gather3A_1429 : vector<16xf32>
        %swap3A_1449 = arith.index_cast %add3A_1433 : i32 to index
        %swap3A_1450 = arith.constant 16 : index
        %swap3A_1451 = tpu.vector_load %arg10[%swap3A_1449, %swap3A_1450] {strides = array<i32>} : memref<80x128xf32, #tpu.memory_space<vmem>>, vector<1x16xf32>,
        %swap3A_1452 = vector.shape_cast %swap3A_1451 : vector<1x16xf32> to vector<16xf32>
        %swap3A_1453 = vector.shape_cast %mul3A_1448 : vector<16xf32> to vector<1x16xf32>
        tpu.vector_store %arg10[%swap3A_1449, %swap3A_1450], %swap3A_1453 {strides = array<i32>} : memref<80x128xf32, #tpu.memory_space<vmem>>, vector<1x16xf32>,
        %get3A_1454 = arith.index_cast %add3A_1433 : i32 to index
        %get3A_1455 = arith.constant 32 : index
        %get3A_1456 = tpu.vector_load %arg10[%get3A_1454, %get3A_1455] {strides = array<i32>} : memref<80x128xf32, #tpu.memory_space<vmem>>, vector<1x16xf32>,
        %get3A_1457 = vector.shape_cast %get3A_1456 : vector<1x16xf32> to vector<16xf32>
        %mul3A_1458 = arith.mulf %get3A_1457, %gather3A_1429 : vector<16xf32>
        %swap3A_1459 = arith.index_cast %add3A_1433 : i32 to index
        %swap3A_1460 = arith.constant 32 : index
        %swap3A_1461 = tpu.vector_load %arg10[%swap3A_1459, %swap3A_1460] {strides = array<i32>} : memref<80x128xf32, #tpu.memory_space<vmem>>, vector<1x16xf32>,
        %swap3A_1462 = vector.shape_cast %swap3A_1461 : vector<1x16xf32> to vector<16xf32>
        %swap3A_1463 = vector.shape_cast %mul3A_1458 : vector<16xf32> to vector<1x16xf32>
        tpu.vector_store %arg10[%swap3A_1459, %swap3A_1460], %swap3A_1463 {strides = array<i32>} : memref<80x128xf32, #tpu.memory_space<vmem>>, vector<1x16xf32>,
        %get3A_1464 = arith.index_cast %add3A_1433 : i32 to index
        %get3A_1465 = arith.constant 48 : index
        %get3A_1466 = tpu.vector_load %arg10[%get3A_1464, %get3A_1465] {strides = array<i32>} : memref<80x128xf32, #tpu.memory_space<vmem>>, vector<1x16xf32>,
        %get3A_1467 = vector.shape_cast %get3A_1466 : vector<1x16xf32> to vector<16xf32>
        %mul3A_1468 = arith.mulf %get3A_1467, %gather3A_1429 : vector<16xf32>
        %swap3A_1469 = arith.index_cast %add3A_1433 : i32 to index
        %swap3A_1470 = arith.constant 48 : index
        %swap3A_1471 = tpu.vector_load %arg10[%swap3A_1469, %swap3A_1470] {strides = array<i32>} : memref<80x128xf32, #tpu.memory_space<vmem>>, vector<1x16xf32>,
        %swap3A_1472 = vector.shape_cast %swap3A_1471 : vector<1x16xf32> to vector<16xf32>
        %swap3A_1473 = vector.shape_cast %mul3A_1468 : vector<16xf32> to vector<1x16xf32>
        tpu.vector_store %arg10[%swap3A_1469, %swap3A_1470], %swap3A_1473 {strides = array<i32>} : memref<80x128xf32, #tpu.memory_space<vmem>>, vector<1x16xf32>,
        %get3A_1474 = arith.index_cast %add3A_1433 : i32 to index
        %get3A_1475 = arith.constant 64 : index
        %get3A_1476 = tpu.vector_load %arg10[%get3A_1474, %get3A_1475] {strides = array<i32>} : memref<80x128xf32, #tpu.memory_space<vmem>>, vector<1x16xf32>,
        %get3A_1477 = vector.shape_cast %get3A_1476 : vector<1x16xf32> to vector<16xf32>
        %mul3A_1478 = arith.mulf %get3A_1477, %gather3A_1429 : vector<16xf32>
        %swap3A_1479 = arith.index_cast %add3A_1433 : i32 to index
        %swap3A_1480 = arith.constant 64 : index
        %swap3A_1481 = tpu.vector_load %arg10[%swap3A_1479, %swap3A_1480] {strides = array<i32>} : memref<80x128xf32, #tpu.memory_space<vmem>>, vector<1x16xf32>,
        %swap3A_1482 = vector.shape_cast %swap3A_1481 : vector<1x16xf32> to vector<16xf32>
        %swap3A_1483 = vector.shape_cast %mul3A_1478 : vector<16xf32> to vector<1x16xf32>
        tpu.vector_store %arg10[%swap3A_1479, %swap3A_1480], %swap3A_1483 {strides = array<i32>} : memref<80x128xf32, #tpu.memory_space<vmem>>, vector<1x16xf32>,
        %get3A_1484 = arith.index_cast %add3A_1433 : i32 to index
        %get3A_1485 = arith.constant 80 : index
        %get3A_1486 = tpu.vector_load %arg10[%get3A_1484, %get3A_1485] {strides = array<i32>} : memref<80x128xf32, #tpu.memory_space<vmem>>, vector<1x16xf32>,
        %get3A_1487 = vector.shape_cast %get3A_1486 : vector<1x16xf32> to vector<16xf32>
        %mul3A_1488 = arith.mulf %get3A_1487, %gather3A_1429 : vector<16xf32>
        %swap3A_1489 = arith.index_cast %add3A_1433 : i32 to index
        %swap3A_1490 = arith.constant 80 : index
        %swap3A_1491 = tpu.vector_load %arg10[%swap3A_1489, %swap3A_1490] {strides = array<i32>} : memref<80x128xf32, #tpu.memory_space<vmem>>, vector<1x16xf32>,
        %swap3A_1492 = vector.shape_cast %swap3A_1491 : vector<1x16xf32> to vector<16xf32>
        %swap3A_1493 = vector.shape_cast %mul3A_1488 : vector<16xf32> to vector<1x16xf32>
        tpu.vector_store %arg10[%swap3A_1489, %swap3A_1490], %swap3A_1493 {strides = array<i32>} : memref<80x128xf32, #tpu.memory_space<vmem>>, vector<1x16xf32>,
        %get3A_1494 = arith.index_cast %add3A_1433 : i32 to index
        %get3A_1495 = arith.constant 96 : index
        %get3A_1496 = tpu.vector_load %arg10[%get3A_1494, %get3A_1495] {strides = array<i32>} : memref<80x128xf32, #tpu.memory_space<vmem>>, vector<1x16xf32>,
        %get3A_1497 = vector.shape_cast %get3A_1496 : vector<1x16xf32> to vector<16xf32>
        %mul3A_1498 = arith.mulf %get3A_1497, %gather3A_1429 : vector<16xf32>
        %swap3A_1499 = arith.index_cast %add3A_1433 : i32 to index
        %swap3A_1500 = arith.constant 96 : index
        %swap3A_1501 = tpu.vector_load %arg10[%swap3A_1499, %swap3A_1500] {strides = array<i32>} : memref<80x128xf32, #tpu.memory_space<vmem>>, vector<1x16xf32>,
        %swap3A_1502 = vector.shape_cast %swap3A_1501 : vector<1x16xf32> to vector<16xf32>
        %swap3A_1503 = vector.shape_cast %mul3A_1498 : vector<16xf32> to vector<1x16xf32>
        tpu.vector_store %arg10[%swap3A_1499, %swap3A_1500], %swap3A_1503 {strides = array<i32>} : memref<80x128xf32, #tpu.memory_space<vmem>>, vector<1x16xf32>,
        %get3A_1504 = arith.index_cast %add3A_1433 : i32 to index
        %get3A_1505 = arith.constant 112 : index
        %get3A_1506 = tpu.vector_load %arg10[%get3A_1504, %get3A_1505] {strides = array<i32>} : memref<80x128xf32, #tpu.memory_space<vmem>>, vector<1x16xf32>,
        %get3A_1507 = vector.shape_cast %get3A_1506 : vector<1x16xf32> to vector<16xf32>
        %mul3A_1508 = arith.mulf %get3A_1507, %gather3A_1429 : vector<16xf32>
        %swap3A_1509 = arith.index_cast %add3A_1433 : i32 to index
        %swap3A_1510 = arith.constant 112 : index
        %swap3A_1511 = tpu.vector_load %arg10[%swap3A_1509, %swap3A_1510] {strides = array<i32>} : memref<80x128xf32, #tpu.memory_space<vmem>>, vector<1x16xf32>,
        %swap3A_1512 = vector.shape_cast %swap3A_1511 : vector<1x16xf32> to vector<16xf32>
        %swap3A_1513 = vector.shape_cast %mul3A_1508 : vector<16xf32> to vector<1x16xf32>
        tpu.vector_store %arg10[%swap3A_1509, %swap3A_1510], %swap3A_1513 {strides = array<i32>} : memref<80x128xf32, #tpu.memory_space<vmem>>, vector<1x16xf32>,
      }
      %scan3A_102 = arith.constant 5 : i32
      "tpu.region"() ({
        %run_scoped3A = tpu.sem_alloc : memref<!tpu.dma_semaphore, #tpu.memory_space<semaphore_mem>>
        %dma_start3A_103 = arith.constant 0 : i32
        %dma_start3A_104 = arith.constant 0 : i32
        %dma_start3A_105 = tpu.memref_slice %arg11[%dma_start3A_103, %dma_start3A_104] : memref<10000x128xf32, #tpu.memory_space<vmem_shared>> -> memref<10000x128xf32, #tpu.memory_space<vmem_shared>>
        tpu.enqueue_indirect_dma source(%arg10 : memref<80x128xf32, #tpu.memory_space<vmem>>) target(%dma_start3A_105 : memref<10000x128xf32, #tpu.memory_space<vmem_shared>>) offsets(%arg8 : memref<80xi32, #tpu.memory_space<vmem>>) semaphore(%run_scoped3A : memref<!tpu.dma_semaphore, #tpu.memory_space<semaphore_mem>>) {add = true}
        %dma_wait3A_106 = arith.constant 0 : i32
        %dma_wait3A_107 = arith.constant 0 : i32
        %dma_wait3A_108 = tpu.memref_slice %arg11[%dma_wait3A_106, %dma_wait3A_107] : memref<10000x128xf32, #tpu.memory_space<vmem_shared>> -> memref<10000x128xf32, #tpu.memory_space<vmem_shared>>
        tpu.wait_indirect_dma semaphore(%run_scoped3A : memref<!tpu.dma_semaphore, #tpu.memory_space<semaphore_mem>>) src(%arg10 : memref<80x128xf32, #tpu.memory_space<vmem>>) dst(%dma_wait3A_108 : memref<10000x128xf32, #tpu.memory_space<vmem_shared>>)
        tpu.yield
      }) : () -> ()
    }
    %scan3A_50 = arith.constant 125 : i32
    %barrier3A_51 = arith.constant 0 : index
    tpu.barrier barrier_id(%barrier3A_51)
    %add3A_52 = arith.constant 0 : i32
    %add3A_53 = arith.addi %multiple_of3A, %add3A_52 : i32
    %add3A_54 = arith.constant 0 : i32
    %add3A_55 = arith.addi %multiple_of3A, %add3A_54 : i32
    "tpu.region"() ({
      %run_scoped3A = tpu.sem_alloc : memref<!tpu.dma_semaphore, #tpu.memory_space<semaphore_mem>>
      %dma_start3A = arith.constant 0 : i32
      %dma_start3A_89 = tpu.memref_slice %arg6[%arg0, %add3A_55, %dma_start3A] : memref<2x10000x128xf32, #tpu.memory_space<hbm>> -> memref<1x80x128xf32, #tpu.memory_space<hbm>>
      %dma_start3A_90 = tpu.memref_squeeze %dma_start3A_89 : memref<1x80x128xf32, #tpu.memory_space<hbm>> -> memref<80x128xf32, #tpu.memory_space<hbm>>
      %dma_start3A_91 = arith.constant 0 : i32
      %dma_start3A_92 = tpu.memref_slice %arg11[%add3A_53, %dma_start3A_91] : memref<10000x128xf32, #tpu.memory_space<vmem_shared>> -> memref<80x128xf32, #tpu.memory_space<vmem_shared>>
      tpu.enqueue_dma source(%dma_start3A_92 : memref<80x128xf32, #tpu.memory_space<vmem_shared>>) target(%dma_start3A_90 : memref<80x128xf32, #tpu.memory_space<hbm>>) target_semaphore(%run_scoped3A : memref<!tpu.dma_semaphore, #tpu.memory_space<semaphore_mem>>)
      %dma_wait3A = arith.constant 0 : i32
      %dma_wait3A_93 = tpu.memref_slice %arg6[%arg0, %add3A_55, %dma_wait3A] : memref<2x10000x128xf32, #tpu.memory_space<hbm>> -> memref<1x80x128xf32, #tpu.memory_space<hbm>>
      %dma_wait3A_94 = tpu.memref_squeeze %dma_wait3A_93 : memref<1x80x128xf32, #tpu.memory_space<hbm>> -> memref<80x128xf32, #tpu.memory_space<hbm>>
      %dma_wait3A_95 = arith.constant 0 : i32
      %dma_wait3A_96 = tpu.memref_slice %arg11[%add3A_53, %dma_wait3A_95] : memref<10000x128xf32, #tpu.memory_space<vmem_shared>> -> memref<80x128xf32, #tpu.memory_space<vmem_shared>>
      tpu.wait_dma2 semaphore(%run_scoped3A : memref<!tpu.dma_semaphore, #tpu.memory_space<semaphore_mem>>) src(%dma_wait3A_96 : memref<80x128xf32, #tpu.memory_space<vmem_shared>>) dst(%dma_wait3A_94 : memref<80x128xf32, #tpu.memory_space<hbm>>)
      tpu.yield
    }) : () -> ()
    %add3A_56 = arith.constant 80 : i32
    %add3A_57 = arith.addi %multiple_of3A, %add3A_56 : i32
    %add3A_58 = arith.constant 80 : i32
    %add3A_59 = arith.addi %multiple_of3A, %add3A_58 : i32
    "tpu.region"() ({
      %run_scoped3A = tpu.sem_alloc : memref<!tpu.dma_semaphore, #tpu.memory_space<semaphore_mem>>
      %dma_start3A = arith.constant 0 : i32
      %dma_start3A_89 = tpu.memref_slice %arg6[%arg0, %add3A_59, %dma_start3A] : memref<2x10000x128xf32, #tpu.memory_space<hbm>> -> memref<1x80x128xf32, #tpu.memory_space<hbm>>
      %dma_start3A_90 = tpu.memref_squeeze %dma_start3A_89 : memref<1x80x128xf32, #tpu.memory_space<hbm>> -> memref<80x128xf32, #tpu.memory_space<hbm>>
      %dma_start3A_91 = arith.constant 0 : i32
      %dma_start3A_92 = tpu.memref_slice %arg11[%add3A_57, %dma_start3A_91] : memref<10000x128xf32, #tpu.memory_space<vmem_shared>> -> memref<80x128xf32, #tpu.memory_space<vmem_shared>>
      tpu.enqueue_dma source(%dma_start3A_92 : memref<80x128xf32, #tpu.memory_space<vmem_shared>>) target(%dma_start3A_90 : memref<80x128xf32, #tpu.memory_space<hbm>>) target_semaphore(%run_scoped3A : memref<!tpu.dma_semaphore, #tpu.memory_space<semaphore_mem>>)
      %dma_wait3A = arith.constant 0 : i32
      %dma_wait3A_93 = tpu.memref_slice %arg6[%arg0, %add3A_59, %dma_wait3A] : memref<2x10000x128xf32, #tpu.memory_space<hbm>> -> memref<1x80x128xf32, #tpu.memory_space<hbm>>
      %dma_wait3A_94 = tpu.memref_squeeze %dma_wait3A_93 : memref<1x80x128xf32, #tpu.memory_space<hbm>> -> memref<80x128xf32, #tpu.memory_space<hbm>>
      %dma_wait3A_95 = arith.constant 0 : i32
      %dma_wait3A_96 = tpu.memref_slice %arg11[%add3A_57, %dma_wait3A_95] : memref<10000x128xf32, #tpu.memory_space<vmem_shared>> -> memref<80x128xf32, #tpu.memory_space<vmem_shared>>
      tpu.wait_dma2 semaphore(%run_scoped3A : memref<!tpu.dma_semaphore, #tpu.memory_space<semaphore_mem>>) src(%dma_wait3A_96 : memref<80x128xf32, #tpu.memory_space<vmem_shared>>) dst(%dma_wait3A_94 : memref<80x128xf32, #tpu.memory_space<hbm>>)
      tpu.yield
    }) : () -> ()
    %add3A_60 = arith.constant 160 : i32
    %add3A_61 = arith.addi %multiple_of3A, %add3A_60 : i32
    %add3A_62 = arith.constant 160 : i32
    %add3A_63 = arith.addi %multiple_of3A, %add3A_62 : i32
    "tpu.region"() ({
      %run_scoped3A = tpu.sem_alloc : memref<!tpu.dma_semaphore, #tpu.memory_space<semaphore_mem>>
      %dma_start3A = arith.constant 0 : i32
      %dma_start3A_89 = tpu.memref_slice %arg6[%arg0, %add3A_63, %dma_start3A] : memref<2x10000x128xf32, #tpu.memory_space<hbm>> -> memref<1x80x128xf32, #tpu.memory_space<hbm>>
      %dma_start3A_90 = tpu.memref_squeeze %dma_start3A_89 : memref<1x80x128xf32, #tpu.memory_space<hbm>> -> memref<80x128xf32, #tpu.memory_space<hbm>>
      %dma_start3A_91 = arith.constant 0 : i32
      %dma_start3A_92 = tpu.memref_slice %arg11[%add3A_61, %dma_start3A_91] : memref<10000x128xf32, #tpu.memory_space<vmem_shared>> -> memref<80x128xf32, #tpu.memory_space<vmem_shared>>
      tpu.enqueue_dma source(%dma_start3A_92 : memref<80x128xf32, #tpu.memory_space<vmem_shared>>) target(%dma_start3A_90 : memref<80x128xf32, #tpu.memory_space<hbm>>) target_semaphore(%run_scoped3A : memref<!tpu.dma_semaphore, #tpu.memory_space<semaphore_mem>>)
      %dma_wait3A = arith.constant 0 : i32
      %dma_wait3A_93 = tpu.memref_slice %arg6[%arg0, %add3A_63, %dma_wait3A] : memref<2x10000x128xf32, #tpu.memory_space<hbm>> -> memref<1x80x128xf32, #tpu.memory_space<hbm>>
      %dma_wait3A_94 = tpu.memref_squeeze %dma_wait3A_93 : memref<1x80x128xf32, #tpu.memory_space<hbm>> -> memref<80x128xf32, #tpu.memory_space<hbm>>
      %dma_wait3A_95 = arith.constant 0 : i32
      %dma_wait3A_96 = tpu.memref_slice %arg11[%add3A_61, %dma_wait3A_95] : memref<10000x128xf32, #tpu.memory_space<vmem_shared>> -> memref<80x128xf32, #tpu.memory_space<vmem_shared>>
      tpu.wait_dma2 semaphore(%run_scoped3A : memref<!tpu.dma_semaphore, #tpu.memory_space<semaphore_mem>>) src(%dma_wait3A_96 : memref<80x128xf32, #tpu.memory_space<vmem_shared>>) dst(%dma_wait3A_94 : memref<80x128xf32, #tpu.memory_space<hbm>>)
      tpu.yield
    }) : () -> ()
    %add3A_64 = arith.constant 240 : i32
    %add3A_65 = arith.addi %multiple_of3A, %add3A_64 : i32
    %add3A_66 = arith.constant 240 : i32
    %add3A_67 = arith.addi %multiple_of3A, %add3A_66 : i32
    "tpu.region"() ({
      %run_scoped3A = tpu.sem_alloc : memref<!tpu.dma_semaphore, #tpu.memory_space<semaphore_mem>>
      %dma_start3A = arith.constant 0 : i32
      %dma_start3A_89 = tpu.memref_slice %arg6[%arg0, %add3A_67, %dma_start3A] : memref<2x10000x128xf32, #tpu.memory_space<hbm>> -> memref<1x80x128xf32, #tpu.memory_space<hbm>>
      %dma_start3A_90 = tpu.memref_squeeze %dma_start3A_89 : memref<1x80x128xf32, #tpu.memory_space<hbm>> -> memref<80x128xf32, #tpu.memory_space<hbm>>
      %dma_start3A_91 = arith.constant 0 : i32
      %dma_start3A_92 = tpu.memref_slice %arg11[%add3A_65, %dma_start3A_91] : memref<10000x128xf32, #tpu.memory_space<vmem_shared>> -> memref<80x128xf32, #tpu.memory_space<vmem_shared>>
      tpu.enqueue_dma source(%dma_start3A_92 : memref<80x128xf32, #tpu.memory_space<vmem_shared>>) target(%dma_start3A_90 : memref<80x128xf32, #tpu.memory_space<hbm>>) target_semaphore(%run_scoped3A : memref<!tpu.dma_semaphore, #tpu.memory_space<semaphore_mem>>)
      %dma_wait3A = arith.constant 0 : i32
      %dma_wait3A_93 = tpu.memref_slice %arg6[%arg0, %add3A_67, %dma_wait3A] : memref<2x10000x128xf32, #tpu.memory_space<hbm>> -> memref<1x80x128xf32, #tpu.memory_space<hbm>>
      %dma_wait3A_94 = tpu.memref_squeeze %dma_wait3A_93 : memref<1x80x128xf32, #tpu.memory_space<hbm>> -> memref<80x128xf32, #tpu.memory_space<hbm>>
      %dma_wait3A_95 = arith.constant 0 : i32
      %dma_wait3A_96 = tpu.memref_slice %arg11[%add3A_65, %dma_wait3A_95] : memref<10000x128xf32, #tpu.memory_space<vmem_shared>> -> memref<80x128xf32, #tpu.memory_space<vmem_shared>>
      tpu.wait_dma2 semaphore(%run_scoped3A : memref<!tpu.dma_semaphore, #tpu.memory_space<semaphore_mem>>) src(%dma_wait3A_96 : memref<80x128xf32, #tpu.memory_space<vmem_shared>>) dst(%dma_wait3A_94 : memref<80x128xf32, #tpu.memory_space<hbm>>)
      tpu.yield
    }) : () -> ()
    %add3A_68 = arith.constant 320 : i32
    %add3A_69 = arith.addi %multiple_of3A, %add3A_68 : i32
    %add3A_70 = arith.constant 320 : i32
    %add3A_71 = arith.addi %multiple_of3A, %add3A_70 : i32
    "tpu.region"() ({
      %run_scoped3A = tpu.sem_alloc : memref<!tpu.dma_semaphore, #tpu.memory_space<semaphore_mem>>
      %dma_start3A = arith.constant 0 : i32
      %dma_start3A_89 = tpu.memref_slice %arg6[%arg0, %add3A_71, %dma_start3A] : memref<2x10000x128xf32, #tpu.memory_space<hbm>> -> memref<1x80x128xf32, #tpu.memory_space<hbm>>
      %dma_start3A_90 = tpu.memref_squeeze %dma_start3A_89 : memref<1x80x128xf32, #tpu.memory_space<hbm>> -> memref<80x128xf32, #tpu.memory_space<hbm>>
      %dma_start3A_91 = arith.constant 0 : i32
      %dma_start3A_92 = tpu.memref_slice %arg11[%add3A_69, %dma_start3A_91] : memref<10000x128xf32, #tpu.memory_space<vmem_shared>> -> memref<80x128xf32, #tpu.memory_space<vmem_shared>>
      tpu.enqueue_dma source(%dma_start3A_92 : memref<80x128xf32, #tpu.memory_space<vmem_shared>>) target(%dma_start3A_90 : memref<80x128xf32, #tpu.memory_space<hbm>>) target_semaphore(%run_scoped3A : memref<!tpu.dma_semaphore, #tpu.memory_space<semaphore_mem>>)
      %dma_wait3A = arith.constant 0 : i32
      %dma_wait3A_93 = tpu.memref_slice %arg6[%arg0, %add3A_71, %dma_wait3A] : memref<2x10000x128xf32, #tpu.memory_space<hbm>> -> memref<1x80x128xf32, #tpu.memory_space<hbm>>
      %dma_wait3A_94 = tpu.memref_squeeze %dma_wait3A_93 : memref<1x80x128xf32, #tpu.memory_space<hbm>> -> memref<80x128xf32, #tpu.memory_space<hbm>>
      %dma_wait3A_95 = arith.constant 0 : i32
      %dma_wait3A_96 = tpu.memref_slice %arg11[%add3A_69, %dma_wait3A_95] : memref<10000x128xf32, #tpu.memory_space<vmem_shared>> -> memref<80x128xf32, #tpu.memory_space<vmem_shared>>
      tpu.wait_dma2 semaphore(%run_scoped3A : memref<!tpu.dma_semaphore, #tpu.memory_space<semaphore_mem>>) src(%dma_wait3A_96 : memref<80x128xf32, #tpu.memory_space<vmem_shared>>) dst(%dma_wait3A_94 : memref<80x128xf32, #tpu.memory_space<hbm>>)
      tpu.yield
    }) : () -> ()
    %add3A_72 = arith.constant 400 : i32
    %add3A_73 = arith.addi %multiple_of3A, %add3A_72 : i32
    %add3A_74 = arith.constant 400 : i32
    %add3A_75 = arith.addi %multiple_of3A, %add3A_74 : i32
    "tpu.region"() ({
      %run_scoped3A = tpu.sem_alloc : memref<!tpu.dma_semaphore, #tpu.memory_space<semaphore_mem>>
      %dma_start3A = arith.constant 0 : i32
      %dma_start3A_89 = tpu.memref_slice %arg6[%arg0, %add3A_75, %dma_start3A] : memref<2x10000x128xf32, #tpu.memory_space<hbm>> -> memref<1x80x128xf32, #tpu.memory_space<hbm>>
      %dma_start3A_90 = tpu.memref_squeeze %dma_start3A_89 : memref<1x80x128xf32, #tpu.memory_space<hbm>> -> memref<80x128xf32, #tpu.memory_space<hbm>>
      %dma_start3A_91 = arith.constant 0 : i32
      %dma_start3A_92 = tpu.memref_slice %arg11[%add3A_73, %dma_start3A_91] : memref<10000x128xf32, #tpu.memory_space<vmem_shared>> -> memref<80x128xf32, #tpu.memory_space<vmem_shared>>
      tpu.enqueue_dma source(%dma_start3A_92 : memref<80x128xf32, #tpu.memory_space<vmem_shared>>) target(%dma_start3A_90 : memref<80x128xf32, #tpu.memory_space<hbm>>) target_semaphore(%run_scoped3A : memref<!tpu.dma_semaphore, #tpu.memory_space<semaphore_mem>>)
      %dma_wait3A = arith.constant 0 : i32
      %dma_wait3A_93 = tpu.memref_slice %arg6[%arg0, %add3A_75, %dma_wait3A] : memref<2x10000x128xf32, #tpu.memory_space<hbm>> -> memref<1x80x128xf32, #tpu.memory_space<hbm>>
      %dma_wait3A_94 = tpu.memref_squeeze %dma_wait3A_93 : memref<1x80x128xf32, #tpu.memory_space<hbm>> -> memref<80x128xf32, #tpu.memory_space<hbm>>
      %dma_wait3A_95 = arith.constant 0 : i32
      %dma_wait3A_96 = tpu.memref_slice %arg11[%add3A_73, %dma_wait3A_95] : memref<10000x128xf32, #tpu.memory_space<vmem_shared>> -> memref<80x128xf32, #tpu.memory_space<vmem_shared>>
      tpu.wait_dma2 semaphore(%run_scoped3A : memref<!tpu.dma_semaphore, #tpu.memory_space<semaphore_mem>>) src(%dma_wait3A_96 : memref<80x128xf32, #tpu.memory_space<vmem_shared>>) dst(%dma_wait3A_94 : memref<80x128xf32, #tpu.memory_space<hbm>>)
      tpu.yield
    }) : () -> ()
    %add3A_76 = arith.constant 480 : i32
    %add3A_77 = arith.addi %multiple_of3A, %add3A_76 : i32
    %add3A_78 = arith.constant 480 : i32
    %add3A_79 = arith.addi %multiple_of3A, %add3A_78 : i32
    "tpu.region"() ({
      %run_scoped3A = tpu.sem_alloc : memref<!tpu.dma_semaphore, #tpu.memory_space<semaphore_mem>>
      %dma_start3A = arith.constant 0 : i32
      %dma_start3A_89 = tpu.memref_slice %arg6[%arg0, %add3A_79, %dma_start3A] : memref<2x10000x128xf32, #tpu.memory_space<hbm>> -> memref<1x80x128xf32, #tpu.memory_space<hbm>>
      %dma_start3A_90 = tpu.memref_squeeze %dma_start3A_89 : memref<1x80x128xf32, #tpu.memory_space<hbm>> -> memref<80x128xf32, #tpu.memory_space<hbm>>
      %dma_start3A_91 = arith.constant 0 : i32
      %dma_start3A_92 = tpu.memref_slice %arg11[%add3A_77, %dma_start3A_91] : memref<10000x128xf32, #tpu.memory_space<vmem_shared>> -> memref<80x128xf32, #tpu.memory_space<vmem_shared>>
      tpu.enqueue_dma source(%dma_start3A_92 : memref<80x128xf32, #tpu.memory_space<vmem_shared>>) target(%dma_start3A_90 : memref<80x128xf32, #tpu.memory_space<hbm>>) target_semaphore(%run_scoped3A : memref<!tpu.dma_semaphore, #tpu.memory_space<semaphore_mem>>)
      %dma_wait3A = arith.constant 0 : i32
      %dma_wait3A_93 = tpu.memref_slice %arg6[%arg0, %add3A_79, %dma_wait3A] : memref<2x10000x128xf32, #tpu.memory_space<hbm>> -> memref<1x80x128xf32, #tpu.memory_space<hbm>>
      %dma_wait3A_94 = tpu.memref_squeeze %dma_wait3A_93 : memref<1x80x128xf32, #tpu.memory_space<hbm>> -> memref<80x128xf32, #tpu.memory_space<hbm>>
      %dma_wait3A_95 = arith.constant 0 : i32
      %dma_wait3A_96 = tpu.memref_slice %arg11[%add3A_77, %dma_wait3A_95] : memref<10000x128xf32, #tpu.memory_space<vmem_shared>> -> memref<80x128xf32, #tpu.memory_space<vmem_shared>>
      tpu.wait_dma2 semaphore(%run_scoped3A : memref<!tpu.dma_semaphore, #tpu.memory_space<semaphore_mem>>) src(%dma_wait3A_96 : memref<80x128xf32, #tpu.memory_space<vmem_shared>>) dst(%dma_wait3A_94 : memref<80x128xf32, #tpu.memory_space<hbm>>)
      tpu.yield
    }) : () -> ()
    %add3A_80 = arith.constant 560 : i32
    %add3A_81 = arith.addi %multiple_of3A, %add3A_80 : i32
    %add3A_82 = arith.constant 560 : i32
    %add3A_83 = arith.addi %multiple_of3A, %add3A_82 : i32
    "tpu.region"() ({
      %run_scoped3A = tpu.sem_alloc : memref<!tpu.dma_semaphore, #tpu.memory_space<semaphore_mem>>
      %dma_start3A = arith.constant 0 : i32
      %dma_start3A_89 = tpu.memref_slice %arg6[%arg0, %add3A_83, %dma_start3A] : memref<2x10000x128xf32, #tpu.memory_space<hbm>> -> memref<1x64x128xf32, #tpu.memory_space<hbm>>
      %dma_start3A_90 = tpu.memref_squeeze %dma_start3A_89 : memref<1x64x128xf32, #tpu.memory_space<hbm>> -> memref<64x128xf32, #tpu.memory_space<hbm>>
      %dma_start3A_91 = arith.constant 0 : i32
      %dma_start3A_92 = tpu.memref_slice %arg11[%add3A_81, %dma_start3A_91] : memref<10000x128xf32, #tpu.memory_space<vmem_shared>> -> memref<64x128xf32, #tpu.memory_space<vmem_shared>>
      tpu.enqueue_dma source(%dma_start3A_92 : memref<64x128xf32, #tpu.memory_space<vmem_shared>>) target(%dma_start3A_90 : memref<64x128xf32, #tpu.memory_space<hbm>>) target_semaphore(%run_scoped3A : memref<!tpu.dma_semaphore, #tpu.memory_space<semaphore_mem>>)
      %dma_wait3A = arith.constant 0 : i32
      %dma_wait3A_93 = tpu.memref_slice %arg6[%arg0, %add3A_83, %dma_wait3A] : memref<2x10000x128xf32, #tpu.memory_space<hbm>> -> memref<1x64x128xf32, #tpu.memory_space<hbm>>
      %dma_wait3A_94 = tpu.memref_squeeze %dma_wait3A_93 : memref<1x64x128xf32, #tpu.memory_space<hbm>> -> memref<64x128xf32, #tpu.memory_space<hbm>>
      %dma_wait3A_95 = arith.constant 0 : i32
      %dma_wait3A_96 = tpu.memref_slice %arg11[%add3A_81, %dma_wait3A_95] : memref<10000x128xf32, #tpu.memory_space<vmem_shared>> -> memref<64x128xf32, #tpu.memory_space<vmem_shared>>
      tpu.wait_dma2 semaphore(%run_scoped3A : memref<!tpu.dma_semaphore, #tpu.memory_space<semaphore_mem>>) src(%dma_wait3A_96 : memref<64x128xf32, #tpu.memory_space<vmem_shared>>) dst(%dma_wait3A_94 : memref<64x128xf32, #tpu.memory_space<hbm>>)
      tpu.yield
    }) : () -> ()
    %eq3A_84 = arith.constant 15 : i32
    %eq3A_85 = arith.cmpi eq, %arg1, %eq3A_84 : i32
    %convert_element_type3A_86 = arith.extui %eq3A_85 : i1 to i32
    %cond3A_87 = arith.constant 0 : i32
    %cond3A_88 = arith.cmpi ne, %convert_element_type3A_86, %cond3A_87 : i32
    scf.if %cond3A_88 {
      "tpu.region"() ({
        %run_scoped3A = tpu.sem_alloc : memref<!tpu.dma_semaphore, #tpu.memory_space<semaphore_mem>>
        %dma_start3A = arith.constant 9984 : i32
        %dma_start3A_89 = arith.constant 0 : i32
        %dma_start3A_90 = tpu.memref_slice %arg6[%arg0, %dma_start3A, %dma_start3A_89] : memref<2x10000x128xf32, #tpu.memory_space<hbm>> -> memref<1x16x128xf32, #tpu.memory_space<hbm>>
        %dma_start3A_91 = tpu.memref_squeeze %dma_start3A_90 : memref<1x16x128xf32, #tpu.memory_space<hbm>> -> memref<16x128xf32, #tpu.memory_space<hbm>>
        %dma_start3A_92 = arith.constant 9984 : i32
        %dma_start3A_93 = arith.constant 0 : i32
        %dma_start3A_94 = tpu.memref_slice %arg11[%dma_start3A_92, %dma_start3A_93] : memref<10000x128xf32, #tpu.memory_space<vmem_shared>> -> memref<16x128xf32, #tpu.memory_space<vmem_shared>>
        tpu.enqueue_dma source(%dma_start3A_94 : memref<16x128xf32, #tpu.memory_space<vmem_shared>>) target(%dma_start3A_91 : memref<16x128xf32, #tpu.memory_space<hbm>>) target_semaphore(%run_scoped3A : memref<!tpu.dma_semaphore, #tpu.memory_space<semaphore_mem>>)
        %dma_wait3A = arith.constant 9984 : i32
        %dma_wait3A_95 = arith.constant 0 : i32
        %dma_wait3A_96 = tpu.memref_slice %arg6[%arg0, %dma_wait3A, %dma_wait3A_95] : memref<2x10000x128xf32, #tpu.memory_space<hbm>> -> memref<1x16x128xf32, #tpu.memory_space<hbm>>
        %dma_wait3A_97 = tpu.memref_squeeze %dma_wait3A_96 : memref<1x16x128xf32, #tpu.memory_space<hbm>> -> memref<16x128xf32, #tpu.memory_space<hbm>>
        %dma_wait3A_98 = arith.constant 9984 : i32
        %dma_wait3A_99 = arith.constant 0 : i32
        %dma_wait3A_100 = tpu.memref_slice %arg11[%dma_wait3A_98, %dma_wait3A_99] : memref<10000x128xf32, #tpu.memory_space<vmem_shared>> -> memref<16x128xf32, #tpu.memory_space<vmem_shared>>
        tpu.wait_dma2 semaphore(%run_scoped3A : memref<!tpu.dma_semaphore, #tpu.memory_space<semaphore_mem>>) src(%dma_wait3A_100 : memref<16x128xf32, #tpu.memory_space<vmem_shared>>) dst(%dma_wait3A_97 : memref<16x128xf32, #tpu.memory_space<hbm>>)
        tpu.yield
      }) : () -> ()
    } else {
    }
    return
  }
}

module attributes {stable_mosaic.version = 14 : i64} {
  func.func @_tc_finish_body(%arg0: i32, %arg1: memref<400x128xf32, #tpu.memory_space<vmem>>, %arg2: memref<2x400x128xf32, #tpu.memory_space<vmem>>, %arg3: memref<128x128xf32, #tpu.memory_space<vmem>>, %arg4: memref<1x128xf32, #tpu.memory_space<vmem>>, %arg5: memref<400x128xf32, #tpu.memory_space<vmem>>) attributes {dimension_semantics = [#tpu.dimension_semantics<arbitrary>], iteration_bounds = array<i64: 25>, scalar_prefetch = 0 : i64, scratch_operands = 0 : i64, tpu.core_type = #tpu.core_type<tc>, window_params = [{transform_indices = @transform_0, window_bounds = array<i64: 400, 128>}, {transform_indices = @transform_1, window_bounds = array<i64: 2, 400, 128>}, {pipeline_mode = #tpu.pipeline_mode<synchronous>, transform_indices = @transform_2, window_bounds = array<i64: 128, 128>}, {pipeline_mode = #tpu.pipeline_mode<synchronous>, transform_indices = @transform_3, window_bounds = array<i64: 1, 128>}, {transform_indices = @transform_4, window_bounds = array<i64: 400, 128>}]} {
    %get3A = arith.constant 0 : index
    %get3A_0 = arith.constant 0 : index
    %get3A_1 = vector.load %arg1[%get3A, %get3A_0] : memref<400x128xf32, #tpu.memory_space<vmem>>, vector<400x128xf32>
    %get3A_2 = arith.constant 0 : index
    %get3A_3 = arith.constant 0 : index
    %get3A_4 = arith.constant 0 : index
    %get3A_5 = vector.load %arg2[%get3A_2, %get3A_3, %get3A_4] : memref<2x400x128xf32, #tpu.memory_space<vmem>>, vector<1x400x128xf32>
    %get3A_6 = vector.shape_cast %get3A_5 : vector<1x400x128xf32> to vector<400x128xf32>
    %add3A = arith.addf %get3A_1, %get3A_6 : vector<400x128xf32>
    %get3A_7 = arith.constant 1 : index
    %get3A_8 = arith.constant 0 : index
    %get3A_9 = arith.constant 0 : index
    %get3A_10 = vector.load %arg2[%get3A_7, %get3A_8, %get3A_9] : memref<2x400x128xf32, #tpu.memory_space<vmem>>, vector<1x400x128xf32>
    %get3A_11 = vector.shape_cast %get3A_10 : vector<1x400x128xf32> to vector<400x128xf32>
    %add3A_12 = arith.addf %add3A, %get3A_11 : vector<400x128xf32>
    %get3A_13 = arith.constant 0 : index
    %get3A_14 = arith.constant 0 : index
    %get3A_15 = vector.load %arg3[%get3A_13, %get3A_14] : memref<128x128xf32, #tpu.memory_space<vmem>>, vector<128x128xf32>
    %dot_general3A = arith.constant dense<0.000000e+00> : vector<400x128xf32>
    %dot_general3A_16 = tpu.matmul %add3A_12, %get3A_15, %dot_general3A {dimension_numbers = #tpu.dot_dimension_numbers<[1], [1], [0], [0], [0, 0, 1, 0], [], []>, transpose_lhs_hint = false} : vector<400x128xf32>, vector<128x128xf32>, vector<400x128xf32> -> vector<400x128xf32>
    %get3A_17 = arith.constant 0 : index
    %get3A_18 = arith.constant 0 : index
    %get3A_19 = vector.load %arg4[%get3A_17, %get3A_18] : memref<1x128xf32, #tpu.memory_space<vmem>>, vector<1x128xf32>
    %add3A_20 = vector.broadcast %get3A_19 : vector<1x128xf32> to vector<400x128xf32>
    %add3A_21 = arith.addf %dot_general3A_16, %add3A_20 : vector<400x128xf32>
    %tanh3A = math.tanh %add3A_21 : vector<400x128xf32>
    %swap3A = arith.constant 0 : index
    %swap3A_22 = arith.constant 0 : index
    %swap3A_23 = vector.load %arg5[%swap3A, %swap3A_22] : memref<400x128xf32, #tpu.memory_space<vmem>>, vector<400x128xf32>
    tpu.vector_store %arg5[%swap3A, %swap3A_22], %tanh3A {strides = array<i32>} : memref<400x128xf32, #tpu.memory_space<vmem>>, vector<400x128xf32>,
    return
  }
  func.func @transform_0(%arg0: i32) -> (i32, i32) {
    %c0_i32 = arith.constant 0 : i32
    %c0_i32_0 = arith.constant 0 : i32
    return %arg0, %c0_i32 : i32, i32
  }
  func.func @transform_1(%arg0: i32) -> (i32, i32, i32) {
    %c0_i32 = arith.constant 0 : i32
    %c0_i32_0 = arith.constant 0 : i32
    %c0_i32_1 = arith.constant 0 : i32
    return %c0_i32, %arg0, %c0_i32_0 : i32, i32, i32
  }
  func.func @transform_2(%arg0: i32) -> (i32, i32) {
    %c0_i32 = arith.constant 0 : i32
    %c0_i32_0 = arith.constant 0 : i32
    %c0_i32_1 = arith.constant 0 : i32
    return %c0_i32, %c0_i32_0 : i32, i32
  }
  func.func @transform_3(%arg0: i32) -> (i32, i32) {
    %c0_i32 = arith.constant 0 : i32
    %c0_i32_0 = arith.constant 0 : i32
    %c0_i32_1 = arith.constant 0 : i32
    return %c0_i32, %c0_i32_0 : i32, i32
  }
  func.func @transform_4(%arg0: i32) -> (i32, i32) {
    %c0_i32 = arith.constant 0 : i32
    %c0_i32_0 = arith.constant 0 : i32
    return %arg0, %c0_i32 : i32, i32
  }
}

</mosaic_0001>

<sc_bundles>
// kernel: kernel.4.cloned.1.call-start
scs
__scs_entry_jumppad:
0x0: {  	(pc) =	sbr.rel $0x88, $3  }
0x1: {  	(tag) =	ssettag $0x0;
	lr =	simm.s32 $0x1  }
0x2: {  	[smem:$0x3F9C] =	sst lr;
	_ =	strace $0xD0000000  }
0x3: {  	_ = 	snop  }
0x4: {  	_ = 	snop  }
0x5: {  	_ = 	snop  }
0x6: {  	_ = 	snop  }
0x7: {  	_ = 	snop  }
__scs_overlays_trampoline_lowered:
0x8: {  	[smem:$0x3FAB] =	sst s0  }
0x9: {  	[smem:$0x3FAC] =	sst s1  }
0xa: {  	[smem:$0x3FAD] =	sst s2  }
0xb: {  	[smem:$0x3FAE] =	sst s3  }
0xc: {  	[smem:$0x3FAF] =	sst s4  }
0xd: {  	[smem:$0x3FB0] =	sst s5  }
0xe: {  	[smem:$0x3FB1] =	sst s6  }
0xf: {  	[smem:$0x3FB2] =	sst s7  }
0x10: {  	[smem:$0x3FB3] =	sst s8  }
0x11: {  	[smem:$0x3FB4] =	sst s9;
	s0 =	simm.s32 @!p0 $0x0  }
0x12: {  	s1 =	sld [smem:$0x3F9A];
	s0 =	simm.s32 @p0 $0x1  }
0x13: {  	[smem:$0x3FB5] =	sst s0;
	s0 =	simm.s32 @!p1 $0x0  }
0x14: {  	s2 =	sld [smem:$0x3F99];
	s0 =	simm.s32 @p1 $0x1  }
0x15: {  	[smem:$0x3FB6] =	sst s0;
	s0 =	simm.s32 @!p2 $0x0  }
0x16: {  	s3 =	sld [smem:$0x3FDB];
	s0 =	simm.s32 @p2 $0x1  }
0x17: {  	s4 =	simm.s32 $0x1BF5;
	[smem:$0x3FB8] =	sst s0  }
0x18: {  	s0 =	sld [smem:$0x3F9B];
	_ =	swait.ge [sflag:s4], $0x0  }
0x19: {  	s7 =	sld [smem:$0x3F9C]  }
0x1a: {  	s8 =	sadd.s32 $0xFFFFE003, lr  }
0x1b: {  	s9 =	sadd.s32 $0xFFFFFEF7, lr;
	s5 =	simm.s32 $0xFFFFFFFF;
	p2 =	slt.u32 s8, $0xFFFFF086  }
0x1c: {  	p1 =	slt.u32 s9, $0xF7A;
	s5 =	simm.s32 @!p2 $0x0  }
0x1d: {  	s5 =	simm.s32 @p1 $0x1;
	p0 =	seq.s32 s7, s2  }
0x1e: {  	s7 =	smul.u32 @!p0 $0xF7A, s2;
	p2 =	seq.s32 @!p0 s5, $0x0  }
0x1f: {  	s9 =	smul.u32 $0xF7A, s1;
	s8 =	simm.s32 @!p0 $0x1BF5;
	p2 =	por !p2, p0  }
0x20: {  	[sflag:s8] =	ssyncset.s32 @!p0 $0xFFFFF086;
	s6 =	sadd.s32 @!p0 s3, s7;
	s7 =	simm.s32 @!p0 $0x108  }
0x21: {  	s3 =	sadd.s32 s3, s9;
	s6 =	sadd.s32 @!p0 $0x88, s6;
	s7 =	simm.s32 @p2 $0x1082  }
0x22: {  	[simem:s7], [sflag:s8] =	dma.local @!p0 [hbm:s6], $0xF7A  }
0x23: {  	s9 =	sor.u32 $0xD0000000, s2;
	s6 =	simm.s32 $0x108;
	_ =	swait.ge @!p0 [sflag:s8], $0x0  }
0x24: {  	s3 =	sadd.s32 $0x88, s3;
	s6 =	simm.s32 @!p1 $0x1082;
	[sflag:s4] =	ssyncset.s32 $0xFFFFF086  }
0x25: {  	[simem:s6], [sflag:s4] =	dma.local [hbm:s3], $0xF7A  }
0x26: {  	[smem:$0x3F9C] =	sst s1;
	(tag) =	ssettag s2;
	_ =	strace s9  }
0x27: {  	s1 =	sld [smem:$0x3FAC]  }
0x28: {  	s2 =	sld [smem:$0x3FAD]  }
0x29: {  	s4 =	sld [smem:$0x3FAF]  }
0x2a: {  	p0 =	seq.s32 s5, $0x0;
	s5 =	sld [smem:$0x3FB0]  }
0x2b: {  	s6 =	sld [smem:$0x3FB1]  }
0x2c: {  	s7 =	sld [smem:$0x3FB2]  }
0x2d: {  	s3 =	simm.s32 $0x108;
	s8 =	sld [smem:$0x3FB3]  }
0x2e: {  	s3 =	simm.s32 @!p0 $0x1082;
	s9 =	sld [smem:$0x3FB4]  }
0x2f: {  	lr =	sadd.s32 s0, s3;
	s0 =	sld [smem:$0x3FAB]  }
0x30: {  	s3 =	sld [smem:$0x3FAE]  }
0x31: {  	[smem:$0x3FB7] =	sst s10  }
0x32: {  	s10 =	sld [smem:$0x3FB5];
	_ =	sdelay $0x3  }
0x33: {  	p0 =	seq.s32 s10, $0x1;
	s10 =	sld [smem:$0x3FB7];
	_ =	sdelay $0x3  }
0x34: {  	[smem:$0x3FB7] =	sst s10  }
0x35: {  	s10 =	sld [smem:$0x3FB6];
	_ =	sdelay $0x3  }
0x36: {  	p1 =	seq.s32 s10, $0x1;
	s10 =	sld [smem:$0x3FB7];
	_ =	sdelay $0x3  }
0x37: {  	[smem:$0x3FB7] =	sst s10  }
0x38: {  	s10 =	sld [smem:$0x3FB8]  }
0x39: {  	_ = 	snop;
	(pc) =	sbr.ind lr, $3  }
0x3a: {  	_ = 	snop  }
0x3b: {  	_ = 	snop  }
0x3c: {  	p2 =	seq.s32 s10, $0x1;
	s10 =	sld [smem:$0x3FB7]  }
0x3d: {  	_ =	shalt  }
0x3e: {  	_ =	shalt  }
0x3f: {  	_ =	shalt  }
0x40: {  	_ =	shalt  }
0x41: {  	_ =	shalt  }
0x42: {  	_ =	shalt  }
0x43: {  	_ =	shalt  }
0x44: {  	_ =	shalt  }
0x45: {  	_ =	shalt  }
0x46: {  	_ =	shalt  }
0x47: {  	_ =	shalt  }
0x48: {  	_ =	shalt  }
0x49: {  	_ =	shalt  }
0x4a: {  	_ =	shalt  }
0x4b: {  	_ =	shalt  }
0x4c: {  	_ =	shalt  }
0x4d: {  	_ =	shalt  }
0x4e: {  	_ =	shalt  }
0x4f: {  	_ =	shalt  }
0x50: {  	_ =	shalt  }
0x51: {  	_ =	shalt  }
0x52: {  	_ =	shalt  }
0x53: {  	_ =	shalt  }
0x54: {  	_ =	shalt  }
0x55: {  	_ =	shalt  }
0x56: {  	_ =	shalt  }
0x57: {  	_ =	shalt  }
0x58: {  	_ =	shalt  }
0x59: {  	_ =	shalt  }
0x5a: {  	_ =	shalt  }
0x5b: {  	_ =	shalt  }
0x5c: {  	_ =	shalt  }
0x5d: {  	_ =	shalt  }
0x5e: {  	_ =	shalt  }
0x5f: {  	_ =	shalt  }
0x60: {  	_ =	shalt  }
0x61: {  	_ =	shalt  }
0x62: {  	_ =	shalt  }
0x63: {  	_ =	shalt  }
0x64: {  	_ =	shalt  }
0x65: {  	_ =	shalt  }
0x66: {  	_ =	shalt  }
0x67: {  	_ =	shalt  }
0x68: {  	_ =	shalt  }
0x69: {  	_ =	shalt  }
0x6a: {  	_ =	shalt  }
0x6b: {  	_ =	shalt  }
0x6c: {  	_ =	shalt  }
0x6d: {  	_ =	shalt  }
0x6e: {  	_ =	shalt  }
0x6f: {  	_ =	shalt  }
0x70: {  	_ =	shalt  }
0x71: {  	_ =	shalt  }
0x72: {  	_ =	shalt  }
0x73: {  	_ =	shalt  }
0x74: {  	_ =	shalt  }
0x75: {  	_ =	shalt  }
0x76: {  	_ =	shalt  }
0x77: {  	_ =	shalt  }
0x78: {  	_ =	shalt  }
0x79: {  	_ =	shalt  }
0x7a: {  	_ =	shalt  }
0x7b: {  	_ =	shalt  }
0x7c: {  	_ =	shalt  }
0x7d: {  	_ =	shalt  }
0x7e: {  	_ =	shalt  }
0x7f: {  	_ =	shalt  }
0x80: {  	_ =	shalt  }
0x81: {  	_ =	shalt  }
0x82: {  	_ =	shalt  }
0x83: {  	_ =	shalt  }
0x84: {  	_ =	shalt  }
0x85: {  	_ =	shalt  }
0x86: {  	_ =	shalt  }
0x87: {  	_ =	shalt  }
.Lfunc_end0:
.L_simem_size_0:
called_computation_lowered:
.L_overlay_start_0:
0x88: {  	s2 =	sld [smem:$0x3FD9]  }
0x89: {  	s3 =	sld [smem:$0x3FFE];
	_ =	sdelay $0x1  }
0x8a: {  	s1 =	srdreg.scid  }
0x8b: {  	s0 =	sand.u32 $0x1, s1  }
0x8c: {  	s17 =	sshll.u32 s0, $0xA;
	s2 =	sadd.s32 s3, s2  }
0x8d: {  	s2 =	sadd.s32 s2, s17  }
0x8e: {  	[smem:$0x3FC3] =	sst s2  }
0x8f: {  	_ = 	snop  }
0x90: {  	s2 =	sld [smem:$0x3FC9]  }
0x91: {  	s18 =	sld [smem:$0x3FC7]  }
0x92: {  	s4 =	sld [smem:$0x3FD0];
	(tm) =	ssettm $0x1  }
0x93: {  	s5 =	sld [smem:$0x3FFB];
	_ =	sdelay $0x3  }
0x94: {  	_ =	strace s5  }
0x95: {  	s5 =	sld [smem:$0x3FFC];
	_ =	sdelay $0x3  }
0x96: {  	_ =	strace s5  }
0x97: {  	s5 =	sld [smem:$0x3FFD];
	_ =	sdelay $0x3  }
0x98: {  	_ =	strace s5  }
0x99: {  	_ =	strace $0x8FFFFFFF  }
0x9a: {  	s19 =	sld [smem:$0x3FDB];
	_ =	sdelay $0x1  }
0x9b: {  	s6 =	simm.s32 $_scs_section_size  }
0x9c: {  	s7 =	simm.s32 $_size__tile_overlayer_lowered;
	s8 =	simm.s32 $_tile_overlayer_lowered  }
0x9d: {  	s22 =	simm.s32 $0x1BFF;
	s21 =	sshll.u32 s8, $0x1;
	s5 =	sadd.s32 s6, s19  }
0x9e: {  	s9 =	simm.s32 $0x0;
	s20 =	sshll.u32 s7, $0x1;
	s7 =	sadd.s32 s21, s5  }
0x9f: {  	[timem:s9], [sflag:s22] =	dma.local [hbm:s7], s20  }
0xa0: {  	_ =	swait.ge [sflag:s22], s20  }
0xa1: {  	s6 =	ssub.s32 $0x0, s20;
	[sflag:s22] =	ssyncset.done $0x0  }
0xa2: {  	[sflag:s22] =	ssyncadd.s32 s6;
	_ =	sdelay $0x1  }
0xa3: {  	s23 =	simm.s32 $0x1B8B  }
0xa4: {  	_ =	swait.ge [sflag:s23], $0x1  }
0xa5: {  	[sflag:s23] =	ssyncset.done $0x0  }
0xa6: {  	s25 =	simm.s32 $0x1B8E;
	s24 =	sld [smem:$0x3FFE];
	[sflag:s23] =	ssyncadd.s32 $0xFFFFFFFF  }
0xa7: {  	s26 =	simm.s32 $execute0_lowered;
	[smem:$0x3FD2] =	sst s25  }
0xa8: {  	s7 =	sshll.u32 s26, $0x1;
	_ =	strace $0x80000046;
	[dreg:$0x1] =	wrdreg $0xFFFFFFFF  }
0xa9: {  	s28 =	simm.s32 $_size_execute0_lowered;
	s5 =	sadd.s32 s5, s7;
	[dreg:$0x0] =	wrdreg $0x0  }
0xaa: {  	s7 =	sshll.u32 s28, $0x1;
	[dreg:$0x2] =	wrdreg s5  }
0xab: {  	[dreg:$0x3] =	wrdreg s7  }
0xac: {  	[dreg:$0x4] =	wrdreg $0xC0  }
0xad: {  	_ =	task [dreg:s9], $0x5FFFF  }
0xae: {  	[dreg:$0x1] =	wrdreg $0xFFFFFFFF  }
0xaf: {  	[dreg:$0x0] =	wrdreg $0x60  }
0xb0: {  	[dreg:$0x2] =	wrdreg s2  }
0xb1: {  	[dreg:$0x3] =	wrdreg s24  }
0xb2: {  	[dreg:$0x4] =	wrdreg s4  }
0xb3: {  	[dreg:$0x5] =	wrdreg s18  }
0xb4: {  	[dreg:$0x6] =	wrdreg $0x29800  }
0xb5: {  	[dreg:$0x7] =	wrdreg $0x9  }
0xb6: {  	_ =	task.clear_ibuf [dreg:s9], $0x8FFFF;
	_ =	strace $0x90000046  }
0xb7: {  	s29 =	simm.s32 $0x9;
	_ =	strace $0x80000048  }
0xb8: {  	_ =	swait.ge [sflag:s29], $0x1  }
0xb9: {  	[sflag:s29] =	ssyncadd.s32 $0xFFFFFFFF  }
0xba: {  	_ =	strace $0x90000048  }
0xbb: {  	_ =	sfence  }
0xbc: {  	s30 =	sld [smem:$0x0];
	_ =	sdelay $0x2  }
0xbd: {  	s31 =	sshll.u32 s1, $0xD;
	s1 =	sshrl.u32 s1, $0x2  }
0xbe: {  	s3 =	sand.u32 $0x4000, s31;
	s1 =	sadd.s32 s1, s30  }
0xbf: {  	s0 =	sor.u32 s3, s0;
	s1 =	sshll.u32 s1, $0x11  }
0xc0: {  	s0 =	sor.u32 s1, s0  }
0xc1: {  	s0 =	sadd.s32 $0x8F2B, s0  }
0xc2: {  	[sflag:s0] =	ssyncadd.remote.s32 $0x1  }
0xc3: {  	_ =	sfence.sel $0xFFFF  }
0xc4: {  	[dreg:$0x0] =	wrdreg $0xFFFFFFFF;
	(pc) =	sbr.abs _section_cstart, $3  }
0xc5: {  	[dreg:$0x1] =	wrdreg $0xFFFFFFFF  }
0xc6: {  	_ =	task.clear_ibuf [dreg:s9], $0x2FFFF;
	_ =	strace $0x9FFFFFFF  }
0xc7: {  	(tm) =	ssettm $0x7FFFFFFF  }
tec
execute0_lowered:
.L_overlay_start_1:
0x0: {  	(tag) =	ssettag $0x1  }
0x1: {  	s0 =	rddreg [dreg:$0x0]  }
0x2: {  	s2 =	rddreg [dreg:$0x1]  }
0x3: {  	s1 =	rddreg [dreg:$0x2]  }
0x4: {  	s3 =	rddreg [dreg:$0x3]  }
0x5: {  	s4 =	simm.s32 $0x0;
	s5 =	srdreg.scid;
	s28 =	stileid.u32  }
0x6: {  	s29 =	simm.s32 $0x180;
	s30 =	simm.s32 $0x2;
	s31 =	simm.s32 $0x80  }
0x7: {  	[smem:$0x7FF] =	sst s4;
	s5 =	sand.u32 $0x1, s5;
	s8 =	smul.u32 $0x4E000, s28  }
0x8: {  	s6 =	sadd.s32 $0xA800, s2;
	s11 =	smul.u32 $0x13800, s28;
	s7 =	ssub.s32 $0x2, s5  }
0x9: {  	s10 =	sshll.u32 s28, $0x1;
	p0 =	sne.s32 s28, $0xF;
	s9 =	sshrl.u32 s7, $0x1  }
0xa: {  	s12 =	sadd.s32 $0x2800, s11;
	s18 =	sadd.s32 $0x5000, s11;
	s19 =	sadd.s32 $0x7800, s11  }
0xb: {  	s7 =	ssub.s32 s7, s9;
	s9 =	sor.u32 s5, s10;
	s5 =	smul.u32 $0x138800, s5  }
0xc: {  	s20 =	sadd.s32 $0xA000, s11;
	s21 =	sadd.s32 $0xC800, s11;
	s22 =	sadd.s32 $0xF000, s11  }
0xd: {  	s23 =	sadd.s32 $0x11800, s11;
	s25 =	sadd.s32 s11, s5;
	s13 =	sadd.s32 s5, s12  }
0xe: {  	s11 =	sadd.s32 s5, s18;
	s14 =	sadd.s32 s5, s20;
	s17 =	sadd.s32 s5, s21  }
0xf: {  	s24 =	sadd.s32 s5, s22;
	s10 =	sshrl.u32 s25, $0x3;
	s26 =	sshrl.u32 s13, $0x3  }
0x10: {  	s13 =	sadd.s32 s5, s19;
	s16 =	sshrl.u32 s14, $0x3;
	s25 =	sadd.s32 s5, s23  }
0x11: {  	s5 =	sshrl.u32 s5, $0x3;
	s14 =	rddreg [dreg:$0x4];
	s10 =	sadd.s32 s6, s10  }
0x12: {  	s5 =	sadd.s32 s6, s5;
	s18 =	sadd.s32 s18, s14;
	s19 =	sadd.s32 s19, s14  }
0x13: {  	s20 =	sadd.s32 s20, s14;
	s21 =	sadd.s32 s21, s14;
	s22 =	sadd.s32 s22, s14  }
0x14: {  	s23 =	sadd.s32 s23, s14;
	[dreg:$0x6] =	wrdreg s10;
	s10 =	sadd.s32 s6, s26  }
0x15: {  	s28 =	sadd.s32 $0x138000, s14;
	s26 =	sshrl.u32 s8, $0x2;
	[dreg:$0x7] =	wrdreg s10  }
0x16: {  	s10 =	sshrl.u32 s11, $0x3;
	s11 =	sshrl.u32 s13, $0x3;
	s13 =	sshrl.u32 s25, $0x3  }
0x17: {  	s25 =	sadd.s32 $0x27000, s5;
	s5 =	simm.s32 $0x1;
	s10 =	sadd.s32 s6, s10  }
0x18: {  	v0 =	vimm.f32 $0.0e+00;
	v1 =	vimm.s32 $0x0;
	s15 =	sadd.s32 s6, s11;
	s11 =	sshrl.u32 s24, $0x3;
	[dreg:$0x8] =	wrdreg s10  }
0x19: {  	v2 =	vimm.s32 $0x1;
	v3 =	vimm.s32 $0x2;
	v4 =	vimm.s32 $0x3;
	s13 =	sadd.s32 s6, s13;
	s24 =	smul.u32 $0x2710, s9;
	[dreg:$0x9] =	wrdreg s15  }
0x1a: {  	v5 =	vimm.s32 $0x4;
	v6 =	vimm.s32 $0x5;
	v7 =	vimm.s32 $0x6;
	s10 =	sadd.s32 s6, s16;
	s11 =	sadd.s32 s6, s11;
	s15 =	sadd.s32 $0xA00, s2  }
0x1b: {  	v8 =	vimm.s32 $0x7;
	v9 =	vimm.s32 $0x8;
	v10 =	vimm.s32 $0x9;
	s16 =	sadd.s32 s26, s14;
	s26 =	smax.u32 s7, $0x1;
	s2 =	simm.s32 $0x50  }
0x1c: {  	v11 =	vimm.s32 $0xA;
	v12 =	vimm.s32 $0xB;
	v13 =	vimm.s32 $0xC;
	[dreg:$0xa] =	wrdreg s10;
	s10 =	sshrl.u32 s17, $0x3;
	s17 =	sadd.s32 s12, s14  }
0x1d: {  	v14 =	vimm.s32 $0xD;
	v15 =	vimm.s32 $0xE;
	v16 =	vimm.s32 $0xF;
	s12 =	simm.s32 $0x100;
	s10 =	sadd.s32 s6, s10;
	_ =	strace $0x80000047  }
.LBB2_1:
0x1e: {  	s6 =	simm.s32 $0x0;
	s7 =	simm.s32 $0x200  }
.LBB2_2:
0x1f: {  	p1 =	sne.s32 s7, $0x9E00;
	[tilespmem:s6+$0x1F0] =	vst v0  }
0x20: {  	[tilespmem:s6+$0x180] =	vst v0  }
0x21: {  	[tilespmem:s6+$0x190] =	vst v0  }
.Ltmp0:
0x22: {  	[tilespmem:s6+$0x1A0] =	vst v0;
	(pc) =	sbr.rel @p1 .LBB2_2-.Ltmp0, $4  }
0x23: {  	[tilespmem:s6+$0x1B0] =	vst v0  }
0x24: {  	[tilespmem:s6+$0x1C0] =	vst v0  }
0x25: {  	[tilespmem:s6+$0x1D0] =	vst v0  }
0x26: {  	[tilespmem:s6+$0x1E0] =	vst v0;
	s6 =	sshra.s32 s7, $0x2;
	s7 =	sadd.s32 $0x200, s7  }
0x27: {  	[tilespmem:s6+$0x1F0] =	vst v0  }
0x28: {  	[tilespmem:s6+$0x180] =	vst v0  }
0x29: {  	[tilespmem:s6+$0x190] =	vst v0  }
0x2a: {  	[tilespmem:s6+$0x1A0] =	vst v0  }
0x2b: {  	[tilespmem:s6+$0x1B0] =	vst v0  }
0x2c: {  	[tilespmem:s6+$0x1C0] =	vst v0  }
0x2d: {  	[tilespmem:s6+$0x1D0] =	vst v0  }
0x2e: {  	[tilespmem:s6+$0x1E0] =	vst v0  }
0x2f: {  	[spmem:s16] =	stream.linear.scatter [tilespmem:s29], [sflag:$0x2], $0x2800, $0x38;
	[tilespmem:$0x16200] =	vst v63  }
0x30: {  	_ =	swait.ge [sflag:s30], $0x2800  }
0x31: {  	[sflag:s30] =	ssyncset.done $0x0  }
0x32: {  	[sflag:s30] =	ssyncadd.s32 $0xFFFFD800  }
0x33: {  	[spmem:s17] =	stream.linear.scatter [tilespmem:s29], [sflag:$0x2], $0x2800, $0x38;
	[tilespmem:$0x16200] =	vst v63  }
0x34: {  	_ =	swait.ge [sflag:s30], $0x2800  }
0x35: {  	[sflag:s30] =	ssyncset.done $0x0  }
0x36: {  	[sflag:s30] =	ssyncadd.s32 $0xFFFFD800  }
0x37: {  	[spmem:s18] =	stream.linear.scatter [tilespmem:s29], [sflag:$0x2], $0x2800, $0x38;
	[tilespmem:$0x16200] =	vst v63  }
0x38: {  	_ =	swait.ge [sflag:s30], $0x2800  }
0x39: {  	[sflag:s30] =	ssyncset.done $0x0  }
0x3a: {  	[sflag:s30] =	ssyncadd.s32 $0xFFFFD800  }
0x3b: {  	[spmem:s19] =	stream.linear.scatter [tilespmem:s29], [sflag:$0x2], $0x2800, $0x38;
	[tilespmem:$0x16200] =	vst v63  }
0x3c: {  	_ =	swait.ge [sflag:s30], $0x2800  }
0x3d: {  	[sflag:s30] =	ssyncset.done $0x0  }
0x3e: {  	[sflag:s30] =	ssyncadd.s32 $0xFFFFD800  }
0x3f: {  	[spmem:s20] =	stream.linear.scatter [tilespmem:s29], [sflag:$0x2], $0x2800, $0x38;
	[tilespmem:$0x16200] =	vst v63  }
0x40: {  	_ =	swait.ge [sflag:s30], $0x2800  }
0x41: {  	[sflag:s30] =	ssyncset.done $0x0  }
0x42: {  	[sflag:s30] =	ssyncadd.s32 $0xFFFFD800  }
0x43: {  	[spmem:s21] =	stream.linear.scatter [tilespmem:s29], [sflag:$0x2], $0x2800, $0x38;
	[tilespmem:$0x16200] =	vst v63  }
0x44: {  	_ =	swait.ge [sflag:s30], $0x2800  }
0x45: {  	[sflag:s30] =	ssyncset.done $0x0  }
0x46: {  	[sflag:s30] =	ssyncadd.s32 $0xFFFFD800  }
0x47: {  	[spmem:s22] =	stream.linear.scatter [tilespmem:s29], [sflag:$0x2], $0x2800, $0x38;
	[tilespmem:$0x16200] =	vst v63  }
0x48: {  	_ =	swait.ge [sflag:s30], $0x2800  }
0x49: {  	[sflag:s30] =	ssyncset.done $0x0  }
0x4a: {  	[sflag:s30] =	ssyncadd.s32 $0xFFFFD800  }
0x4b: {  	[spmem:s23] =	stream.linear.scatter [tilespmem:s29], [sflag:$0x2], $0x2000, $0x38;
	[tilespmem:$0x16200] =	vst v63  }
0x4c: {  	_ =	swait.ge [sflag:s30], $0x2000  }
0x4d: {  	[sflag:s30] =	ssyncset.done $0x0  }
0x4e: {  	s6 =	simm.s32 @!p0 $0x180;
	[sflag:s30] =	ssyncadd.s32 $0xFFFFE000  }
0x4f: {  	[spmem:s28] =	stream.linear.scatter @!p0 [tilespmem:s6], [sflag:$0x2], $0x800, $0x38;
	[tilespmem:$0x16200] =	vst v63  }
0x50: {  	s6 =	simm.s32 @!p0 $0x2  }
0x51: {  	_ =	swait.ge @!p0 [sflag:s6], $0x800  }
0x52: {  	[sflag:s6] =	ssyncset.done @!p0 $0x0  }
0x53: {  	[sflag:s6] =	ssyncadd.s32 @!p0 $0xFFFFF800  }
0x54: {  	s7 =	simm.s32 $0x0;
	s6 =	simm.s32 $0x0;
	[bflag:$0x0] =	sbarrier.arrive $0xFFFF  }
.LBB2_4:
0x55: {  	s8 =	smul.u32 $0x50, s7;
	_ =	sdelay $0x1  }
0x56: {  	s8 =	sadd.s32 s24, s8  }
0x57: {  	s8 =	sshrl.u32 s8, $0x3  }
0x58: {  	s9 =	sadd.s32 s15, s8  }
0x59: {  	[tilespmem:s6], [sflag:$0x2] =	stream.linear.gather [hbm4b:s9+s6], $0x50, $0x38;
	[tilespmem:$0x16200] =	vst v63  }
0x5a: {  	_ =	swait.ge [sflag:s30], $0x50  }
0x5b: {  	[sflag:s30] =	ssyncset.done $0x0  }
0x5c: {  	s9 =	sadd.s32 s1, s8;
	[sflag:s30] =	ssyncadd.s32 $0xFFFFFFB0  }
0x5d: {  	[tilespmem:s31], [sflag:$0x2] =	stream.linear.gather [hbm4b:s9+s6], $0x50, $0x38;
	[tilespmem:$0x16200] =	vst v63  }
0x5e: {  	_ =	swait.ge [sflag:s30], $0x50  }
0x5f: {  	[sflag:s30] =	ssyncset.done $0x0  }
0x60: {  	s8 =	sadd.s32 s3, s8;
	[sflag:s30] =	ssyncadd.s32 $0xFFFFFFB0  }
0x61: {  	[tilespmem:s12], [sflag:$0x2] =	stream.linear.gather [hbm4b:s8+s6], $0x50, $0x38;
	[tilespmem:$0x16200] =	vst v63  }
0x62: {  	_ =	swait.ge [sflag:s30], $0x50  }
0x63: {  	[sflag:s30] =	ssyncset.done $0x0  }
0x64: {  	[sflag:s30] =	ssyncadd.s32 $0xFFFFFFB0  }
0x65: {  	[tilespmem:s29], [sflag:$0x1] =	stream.indirect.gather [hbm4b:s0+s2], $0x80, s6, s2, $0xb8;
	[tilespmem:$0x16200] =	vst v63  }
0x66: {  	_ =	swait.ge [sflag:s5], $0x2800  }
0x67: {  	[sflag:s5] =	ssyncset.done $0x0  }
0x68: {  	s8 =	simm.s32 $0x0;
	[sflag:s5] =	ssyncadd.s32 $0xFFFFD800  }
.LBB2_5:
0x69: {  	s9 =	sshll.u32 s8, $0x4  }
0x6a: {  	s9 =	sand.u32 $0x3FFFFFF0, s9  }
0x6b: {  	v17 =	vld [tilespmem:s9+$0x100];
	s9 =	sshll.u32 s8, $0xB  }
0x6c: {  	s9 =	sand.u32 $0x3FFFF800, s9  }
0x6d: {  	v18 =	vld [tilespmem:s9+$0x180]  }
0x6e: {  	v19 =	vld [tilespmem:s9+$0x190]  }
0x6f: {  	v20 =	vld [tilespmem:s9+$0x1A0]  }
0x70: {  	v22 =	vld [tilespmem:s9+$0x1B0];
	v21 =	vperm.xlane v17, v1  }
0x71: {  	v23 =	vld [tilespmem:s9+$0x1C0]  }
0x72: {  	v24 =	vld [tilespmem:s9+$0x1D0];
	v18 =	vmul.f32 v18, v21  }
0x73: {  	v25 =	vld [tilespmem:s9+$0x1E0];
	v19 =	vmul.f32 v19, v21  }
0x74: {  	v38 =	vld [tilespmem:s9+$0x1F0];
	[tilespmem:s9+$0x180] =	vst v18;
	v18 =	vmul.f32 v20, v21  }
0x75: {  	v39 =	vld [tilespmem:s9+$0x200];
	[tilespmem:s9+$0x190] =	vst v19;
	v19 =	vmul.f32 v22, v21  }
0x76: {  	v40 =	vld [tilespmem:s9+$0x210];
	[tilespmem:s9+$0x1A0] =	vst v18;
	v18 =	vmul.f32 v23, v21  }
0x77: {  	v41 =	vld [tilespmem:s9+$0x220];
	[tilespmem:s9+$0x1B0] =	vst v19;
	v19 =	vmul.f32 v24, v21  }
0x78: {  	v26 =	vld [tilespmem:s9+$0x230];
	v42 =	vperm.xlane v17, v2;
	[tilespmem:s9+$0x1C0] =	vst v18;
	v18 =	vmul.f32 v25, v21  }
0x79: {  	v43 =	vld [tilespmem:s9+$0x240];
	[tilespmem:s9+$0x1D0] =	vst v19;
	v19 =	vmul.f32 v38, v21  }
0x7a: {  	v44 =	vld [tilespmem:s9+$0x250];
	[tilespmem:s9+$0x1E0] =	vst v18;
	v18 =	vmul.f32 v39, v42  }
0x7b: {  	v45 =	vld [tilespmem:s9+$0x260];
	[tilespmem:s9+$0x1F0] =	vst v19;
	v19 =	vmul.f32 v40, v42  }
0x7c: {  	v46 =	vld [tilespmem:s9+$0x270];
	[tilespmem:s9+$0x200] =	vst v18;
	v18 =	vmul.f32 v41, v42  }
0x7d: {  	v47 =	vld [tilespmem:s9+$0x280];
	[tilespmem:s9+$0x210] =	vst v19;
	v19 =	vmul.f32 v26, v42  }
0x7e: {  	v48 =	vld [tilespmem:s9+$0x290];
	[tilespmem:s9+$0x220] =	vst v18;
	v18 =	vmul.f32 v43, v42  }
0x7f: {  	v49 =	vld [tilespmem:s9+$0x2A0];
	[tilespmem:s9+$0x230] =	vst v19;
	v19 =	vmul.f32 v44, v42  }
0x80: {  	v51 =	vld [tilespmem:s9+$0x2B0];
	v50 =	vperm.xlane v17, v3;
	[tilespmem:s9+$0x240] =	vst v18;
	v18 =	vmul.f32 v45, v42  }
0x81: {  	v52 =	vld [tilespmem:s9+$0x2C0];
	[tilespmem:s9+$0x250] =	vst v19;
	v19 =	vmul.f32 v46, v42  }
0x82: {  	v53 =	vld [tilespmem:s9+$0x2D0];
	[tilespmem:s9+$0x260] =	vst v18;
	v18 =	vmul.f32 v47, v50  }
0x83: {  	v54 =	vld [tilespmem:s9+$0x2E0];
	[tilespmem:s9+$0x270] =	vst v19;
	v19 =	vmul.f32 v48, v50  }
0x84: {  	v55 =	vld [tilespmem:s9+$0x2F0];
	[tilespmem:s9+$0x280] =	vst v18;
	v18 =	vmul.f32 v49, v50  }
0x85: {  	v56 =	vld [tilespmem:s9+$0x300];
	[tilespmem:s9+$0x290] =	vst v19;
	v19 =	vmul.f32 v51, v50  }
0x86: {  	v57 =	vld [tilespmem:s9+$0x310];
	[tilespmem:s9+$0x2A0] =	vst v18;
	v18 =	vmul.f32 v52, v50  }
0x87: {  	v58 =	vld [tilespmem:s9+$0x320];
	[tilespmem:s9+$0x2B0] =	vst v19;
	v19 =	vmul.f32 v53, v50  }
0x88: {  	v60 =	vld [tilespmem:s9+$0x330];
	v59 =	vperm.xlane v17, v4;
	[tilespmem:s9+$0x2C0] =	vst v18;
	v18 =	vmul.f32 v54, v50  }
0x89: {  	v61 =	vld [tilespmem:s9+$0x340];
	[tilespmem:s9+$0x2D0] =	vst v19;
	v19 =	vmul.f32 v55, v50  }
0x8a: {  	v62 =	vld [tilespmem:s9+$0x350];
	[tilespmem:s9+$0x2E0] =	vst v18;
	v18 =	vmul.f32 v56, v59  }
0x8b: {  	v63 =	vld [tilespmem:s9+$0x360];
	[tilespmem:s9+$0x2F0] =	vst v19;
	v19 =	vmul.f32 v57, v59  }
0x8c: {  	v28 =	vld [tilespmem:s9+$0x370];
	[tilespmem:s9+$0x300] =	vst v18;
	v18 =	vmul.f32 v58, v59  }
0x8d: {  	v29 =	vld [tilespmem:s9+$0x380];
	[tilespmem:s9+$0x310] =	vst v19;
	v19 =	vmul.f32 v60, v59  }
0x8e: {  	v30 =	vld [tilespmem:s9+$0x390];
	[tilespmem:s9+$0x320] =	vst v18;
	v18 =	vmul.f32 v61, v59  }
0x8f: {  	v31 =	vld [tilespmem:s9+$0x3A0];
	[tilespmem:s9+$0x330] =	vst v19;
	v19 =	vmul.f32 v62, v59  }
0x90: {  	v33 =	vld [tilespmem:s9+$0x3B0];
	v32 =	vperm.xlane v17, v5;
	[tilespmem:s9+$0x340] =	vst v18;
	v18 =	vmul.f32 v63, v59  }
0x91: {  	v34 =	vld [tilespmem:s9+$0x3C0];
	[tilespmem:s9+$0x350] =	vst v19;
	v19 =	vmul.f32 v28, v59  }
0x92: {  	v35 =	vld [tilespmem:s9+$0x3D0];
	[tilespmem:s9+$0x360] =	vst v18;
	v18 =	vmul.f32 v29, v32  }
0x93: {  	v36 =	vld [tilespmem:s9+$0x3E0];
	[tilespmem:s9+$0x370] =	vst v19;
	v19 =	vmul.f32 v30, v32  }
0x94: {  	v37 =	vld [tilespmem:s9+$0x3F0];
	[tilespmem:s9+$0x380] =	vst v18;
	v18 =	vmul.f32 v31, v32  }
0x95: {  	v38 =	vld [tilespmem:s9+$0x400];
	[tilespmem:s9+$0x390] =	vst v19;
	v19 =	vmul.f32 v33, v32  }
0x96: {  	v39 =	vld [tilespmem:s9+$0x410];
	[tilespmem:s9+$0x3A0] =	vst v18;
	v18 =	vmul.f32 v34, v32  }
0x97: {  	v40 =	vld [tilespmem:s9+$0x420];
	[tilespmem:s9+$0x3B0] =	vst v19;
	v19 =	vmul.f32 v35, v32  }
0x98: {  	v41 =	vperm.xlane v17, v6;
	v42 =	vld [tilespmem:s9+$0x430];
	[tilespmem:s9+$0x3C0] =	vst v18;
	v18 =	vmul.f32 v36, v32  }
0x99: {  	v43 =	vld [tilespmem:s9+$0x440];
	[tilespmem:s9+$0x3D0] =	vst v19;
	v19 =	vmul.f32 v37, v32  }
0x9a: {  	v44 =	vld [tilespmem:s9+$0x450];
	[tilespmem:s9+$0x3E0] =	vst v18;
	v18 =	vmul.f32 v38, v41  }
0x9b: {  	v45 =	vld [tilespmem:s9+$0x460];
	[tilespmem:s9+$0x3F0] =	vst v19;
	v19 =	vmul.f32 v39, v41  }
0x9c: {  	v46 =	vld [tilespmem:s9+$0x470];
	[tilespmem:s9+$0x400] =	vst v18;
	v18 =	vmul.f32 v40, v41  }
0x9d: {  	v47 =	vld [tilespmem:s9+$0x480];
	[tilespmem:s9+$0x410] =	vst v19;
	v19 =	vmul.f32 v42, v41  }
0x9e: {  	v48 =	vld [tilespmem:s9+$0x490];
	[tilespmem:s9+$0x420] =	vst v18;
	v18 =	vmul.f32 v43, v41  }
0x9f: {  	v49 =	vld [tilespmem:s9+$0x4A0];
	[tilespmem:s9+$0x430] =	vst v19;
	v19 =	vmul.f32 v44, v41  }
0xa0: {  	v51 =	vld [tilespmem:s9+$0x4B0];
	v50 =	vperm.xlane v17, v7;
	[tilespmem:s9+$0x440] =	vst v18;
	v18 =	vmul.f32 v45, v41  }
0xa1: {  	v52 =	vld [tilespmem:s9+$0x4C0];
	[tilespmem:s9+$0x450] =	vst v19;
	v19 =	vmul.f32 v46, v41  }
0xa2: {  	v53 =	vld [tilespmem:s9+$0x4D0];
	[tilespmem:s9+$0x460] =	vst v18;
	v18 =	vmul.f32 v47, v50  }
0xa3: {  	v54 =	vld [tilespmem:s9+$0x4E0];
	[tilespmem:s9+$0x470] =	vst v19;
	v19 =	vmul.f32 v48, v50  }
0xa4: {  	v55 =	vld [tilespmem:s9+$0x4F0];
	[tilespmem:s9+$0x480] =	vst v18;
	v18 =	vmul.f32 v49, v50  }
0xa5: {  	v56 =	vld [tilespmem:s9+$0x500];
	[tilespmem:s9+$0x490] =	vst v19;
	v19 =	vmul.f32 v51, v50  }
0xa6: {  	v57 =	vld [tilespmem:s9+$0x510];
	[tilespmem:s9+$0x4A0] =	vst v18;
	v18 =	vmul.f32 v52, v50  }
0xa7: {  	v58 =	vld [tilespmem:s9+$0x520];
	[tilespmem:s9+$0x4B0] =	vst v19;
	v19 =	vmul.f32 v53, v50  }
0xa8: {  	v60 =	vld [tilespmem:s9+$0x530];
	v59 =	vperm.xlane v17, v8;
	[tilespmem:s9+$0x4C0] =	vst v18;
	v18 =	vmul.f32 v54, v50  }
0xa9: {  	v61 =	vld [tilespmem:s9+$0x540];
	[tilespmem:s9+$0x4D0] =	vst v19;
	v19 =	vmul.f32 v55, v50  }
0xaa: {  	v62 =	vld [tilespmem:s9+$0x550];
	[tilespmem:s9+$0x4E0] =	vst v18;
	v18 =	vmul.f32 v56, v59  }
0xab: {  	v63 =	vld [tilespmem:s9+$0x560];
	[tilespmem:s9+$0x4F0] =	vst v19;
	v19 =	vmul.f32 v57, v59  }
0xac: {  	v28 =	vld [tilespmem:s9+$0x570];
	[tilespmem:s9+$0x500] =	vst v18;
	v18 =	vmul.f32 v58, v59  }
0xad: {  	v29 =	vld [tilespmem:s9+$0x580];
	[tilespmem:s9+$0x510] =	vst v19;
	v19 =	vmul.f32 v60, v59  }
0xae: {  	v30 =	vld [tilespmem:s9+$0x590];
	[tilespmem:s9+$0x520] =	vst v18;
	v18 =	vmul.f32 v61, v59  }
0xaf: {  	v31 =	vld [tilespmem:s9+$0x5A0];
	[tilespmem:s9+$0x530] =	vst v19;
	v19 =	vmul.f32 v62, v59  }
0xb0: {  	v33 =	vld [tilespmem:s9+$0x5B0];
	v32 =	vperm.xlane v17, v9;
	[tilespmem:s9+$0x540] =	vst v18;
	v18 =	vmul.f32 v63, v59  }
0xb1: {  	v34 =	vld [tilespmem:s9+$0x5C0];
	[tilespmem:s9+$0x550] =	vst v19;
	v19 =	vmul.f32 v28, v59  }
0xb2: {  	v35 =	vld [tilespmem:s9+$0x5D0];
	[tilespmem:s9+$0x560] =	vst v18;
	v18 =	vmul.f32 v29, v32  }
0xb3: {  	v36 =	vld [tilespmem:s9+$0x5E0];
	[tilespmem:s9+$0x570] =	vst v19;
	v19 =	vmul.f32 v30, v32  }
0xb4: {  	v37 =	vld [tilespmem:s9+$0x5F0];
	[tilespmem:s9+$0x580] =	vst v18;
	v18 =	vmul.f32 v31, v32  }
0xb5: {  	v38 =	vld [tilespmem:s9+$0x600];
	[tilespmem:s9+$0x590] =	vst v19;
	v19 =	vmul.f32 v33, v32  }
0xb6: {  	v39 =	vld [tilespmem:s9+$0x610];
	[tilespmem:s9+$0x5A0] =	vst v18;
	v18 =	vmul.f32 v34, v32  }
0xb7: {  	v40 =	vld [tilespmem:s9+$0x620];
	[tilespmem:s9+$0x5B0] =	vst v19;
	v19 =	vmul.f32 v35, v32  }
0xb8: {  	v42 =	vld [tilespmem:s9+$0x630];
	v41 =	vperm.xlane v17, v10;
	[tilespmem:s9+$0x5C0] =	vst v18;
	v18 =	vmul.f32 v36, v32  }
0xb9: {  	v43 =	vld [tilespmem:s9+$0x640];
	[tilespmem:s9+$0x5D0] =	vst v19;
	v19 =	vmul.f32 v37, v32  }
0xba: {  	v44 =	vld [tilespmem:s9+$0x650];
	[tilespmem:s9+$0x5E0] =	vst v18;
	v18 =	vmul.f32 v38, v41  }
0xbb: {  	v45 =	vld [tilespmem:s9+$0x660];
	[tilespmem:s9+$0x5F0] =	vst v19;
	v19 =	vmul.f32 v39, v41  }
0xbc: {  	v46 =	vld [tilespmem:s9+$0x670];
	[tilespmem:s9+$0x600] =	vst v18;
	v18 =	vmul.f32 v40, v41  }
0xbd: {  	v47 =	vld [tilespmem:s9+$0x680];
	[tilespmem:s9+$0x610] =	vst v19;
	v19 =	vmul.f32 v42, v41  }
0xbe: {  	v48 =	vld [tilespmem:s9+$0x690];
	[tilespmem:s9+$0x620] =	vst v18;
	v18 =	vmul.f32 v43, v41  }
0xbf: {  	v49 =	vld [tilespmem:s9+$0x6A0];
	[tilespmem:s9+$0x630] =	vst v19;
	v19 =	vmul.f32 v44, v41  }
0xc0: {  	v51 =	vld [tilespmem:s9+$0x6B0];
	v50 =	vperm.xlane v17, v11;
	[tilespmem:s9+$0x640] =	vst v18;
	v18 =	vmul.f32 v45, v41  }
0xc1: {  	v52 =	vld [tilespmem:s9+$0x6C0];
	[tilespmem:s9+$0x650] =	vst v19;
	v19 =	vmul.f32 v46, v41  }
0xc2: {  	v53 =	vld [tilespmem:s9+$0x6D0];
	[tilespmem:s9+$0x660] =	vst v18;
	v18 =	vmul.f32 v47, v50  }
0xc3: {  	v54 =	vld [tilespmem:s9+$0x6E0];
	[tilespmem:s9+$0x670] =	vst v19;
	v19 =	vmul.f32 v48, v50  }
0xc4: {  	v55 =	vld [tilespmem:s9+$0x6F0];
	[tilespmem:s9+$0x680] =	vst v18;
	v18 =	vmul.f32 v49, v50  }
0xc5: {  	v56 =	vld [tilespmem:s9+$0x700];
	[tilespmem:s9+$0x690] =	vst v19;
	v19 =	vmul.f32 v51, v50  }
0xc6: {  	v57 =	vld [tilespmem:s9+$0x710];
	[tilespmem:s9+$0x6A0] =	vst v18;
	v18 =	vmul.f32 v52, v50  }
0xc7: {  	v58 =	vld [tilespmem:s9+$0x720];
	[tilespmem:s9+$0x6B0] =	vst v19;
	v19 =	vmul.f32 v53, v50  }
0xc8: {  	v60 =	vld [tilespmem:s9+$0x730];
	v59 =	vperm.xlane v17, v12;
	[tilespmem:s9+$0x6C0] =	vst v18;
	v18 =	vmul.f32 v54, v50  }
0xc9: {  	v61 =	vld [tilespmem:s9+$0x740];
	[tilespmem:s9+$0x6D0] =	vst v19;
	v19 =	vmul.f32 v55, v50  }
0xca: {  	v62 =	vld [tilespmem:s9+$0x750];
	[tilespmem:s9+$0x6E0] =	vst v18;
	v18 =	vmul.f32 v56, v59  }
0xcb: {  	v63 =	vld [tilespmem:s9+$0x760];
	[tilespmem:s9+$0x6F0] =	vst v19;
	v19 =	vmul.f32 v57, v59  }
0xcc: {  	v28 =	vld [tilespmem:s9+$0x770];
	[tilespmem:s9+$0x700] =	vst v18;
	v18 =	vmul.f32 v58, v59  }
0xcd: {  	v29 =	vld [tilespmem:s9+$0x780];
	[tilespmem:s9+$0x710] =	vst v19;
	v19 =	vmul.f32 v60, v59  }
0xce: {  	v30 =	vld [tilespmem:s9+$0x790];
	[tilespmem:s9+$0x720] =	vst v18;
	v18 =	vmul.f32 v61, v59  }
0xcf: {  	v31 =	vld [tilespmem:s9+$0x7A0];
	[tilespmem:s9+$0x730] =	vst v19;
	v19 =	vmul.f32 v62, v59  }
0xd0: {  	v33 =	vld [tilespmem:s9+$0x7B0];
	v32 =	vperm.xlane v17, v13;
	[tilespmem:s9+$0x740] =	vst v18;
	v18 =	vmul.f32 v63, v59  }
0xd1: {  	v34 =	vld [tilespmem:s9+$0x7C0];
	[tilespmem:s9+$0x750] =	vst v19;
	v19 =	vmul.f32 v28, v59  }
0xd2: {  	v35 =	vld [tilespmem:s9+$0x7D0];
	[tilespmem:s9+$0x760] =	vst v18;
	v18 =	vmul.f32 v29, v32  }
0xd3: {  	v36 =	vld [tilespmem:s9+$0x7E0];
	[tilespmem:s9+$0x770] =	vst v19;
	v19 =	vmul.f32 v30, v32  }
0xd4: {  	v37 =	vld [tilespmem:s9+$0x7F0];
	[tilespmem:s9+$0x780] =	vst v18;
	v18 =	vmul.f32 v31, v32  }
0xd5: {  	v38 =	vld [tilespmem:s9+$0x800];
	[tilespmem:s9+$0x790] =	vst v19;
	v19 =	vmul.f32 v33, v32  }
0xd6: {  	v39 =	vld [tilespmem:s9+$0x810];
	[tilespmem:s9+$0x7A0] =	vst v18;
	v18 =	vmul.f32 v34, v32  }
0xd7: {  	v40 =	vld [tilespmem:s9+$0x820];
	[tilespmem:s9+$0x7B0] =	vst v19;
	v19 =	vmul.f32 v35, v32  }
0xd8: {  	v42 =	vld [tilespmem:s9+$0x830];
	v41 =	vperm.xlane v17, v14;
	[tilespmem:s9+$0x7C0] =	vst v18;
	v18 =	vmul.f32 v36, v32  }
0xd9: {  	v43 =	vld [tilespmem:s9+$0x840];
	[tilespmem:s9+$0x7D0] =	vst v19;
	v19 =	vmul.f32 v37, v32  }
0xda: {  	v44 =	vld [tilespmem:s9+$0x850];
	[tilespmem:s9+$0x7E0] =	vst v18;
	v18 =	vmul.f32 v38, v41  }
0xdb: {  	v45 =	vld [tilespmem:s9+$0x860];
	[tilespmem:s9+$0x7F0] =	vst v19;
	v19 =	vmul.f32 v39, v41  }
0xdc: {  	v46 =	vld [tilespmem:s9+$0x870];
	[tilespmem:s9+$0x800] =	vst v18;
	v18 =	vmul.f32 v40, v41  }
0xdd: {  	v47 =	vld [tilespmem:s9+$0x880];
	[tilespmem:s9+$0x810] =	vst v19;
	v19 =	vmul.f32 v42, v41  }
0xde: {  	v48 =	vld [tilespmem:s9+$0x890];
	[tilespmem:s9+$0x820] =	vst v18;
	v18 =	vmul.f32 v43, v41  }
0xdf: {  	v49 =	vld [tilespmem:s9+$0x8A0];
	[tilespmem:s9+$0x830] =	vst v19;
	v19 =	vmul.f32 v44, v41  }
0xe0: {  	v51 =	vld [tilespmem:s9+$0x8B0];
	v50 =	vperm.xlane v17, v15;
	[tilespmem:s9+$0x840] =	vst v18;
	v18 =	vmul.f32 v45, v41  }
0xe1: {  	v52 =	vld [tilespmem:s9+$0x8C0];
	[tilespmem:s9+$0x850] =	vst v19;
	v19 =	vmul.f32 v46, v41  }
0xe2: {  	v53 =	vld [tilespmem:s9+$0x8D0];
	[tilespmem:s9+$0x860] =	vst v18;
	v18 =	vmul.f32 v47, v50  }
0xe3: {  	v54 =	vld [tilespmem:s9+$0x8E0];
	[tilespmem:s9+$0x870] =	vst v19;
	v19 =	vmul.f32 v48, v50  }
0xe4: {  	v55 =	vld [tilespmem:s9+$0x8F0];
	[tilespmem:s9+$0x880] =	vst v18;
	v18 =	vmul.f32 v49, v50  }
0xe5: {  	v56 =	vld [tilespmem:s9+$0x900];
	[tilespmem:s9+$0x890] =	vst v19;
	v19 =	vmul.f32 v51, v50  }
0xe6: {  	v57 =	vld [tilespmem:s9+$0x910];
	[tilespmem:s9+$0x8A0] =	vst v18;
	v18 =	vmul.f32 v52, v50  }
0xe7: {  	v58 =	vld [tilespmem:s9+$0x920];
	[tilespmem:s9+$0x8B0] =	vst v19;
	v19 =	vmul.f32 v53, v50  }
0xe8: {  	v17 =	vperm.xlane v17, v16;
	v59 =	vld [tilespmem:s9+$0x930];
	[tilespmem:s9+$0x8C0] =	vst v18;
	v18 =	vmul.f32 v54, v50  }
0xe9: {  	v60 =	vld [tilespmem:s9+$0x940];
	[tilespmem:s9+$0x8D0] =	vst v19;
	v19 =	vmul.f32 v55, v50  }
0xea: {  	v61 =	vld [tilespmem:s9+$0x950];
	[tilespmem:s9+$0x8E0] =	vst v18;
	v18 =	vmul.f32 v56, v17  }
0xeb: {  	v62 =	vld [tilespmem:s9+$0x960];
	[tilespmem:s9+$0x8F0] =	vst v19;
	v19 =	vmul.f32 v57, v17  }
0xec: {  	v63 =	vld [tilespmem:s9+$0x970];
	[tilespmem:s9+$0x900] =	vst v18;
	v18 =	vmul.f32 v58, v17  }
0xed: {  	[tilespmem:s9+$0x910] =	vst v19;
	v19 =	vmul.f32 v59, v17  }
0xee: {  	p1 =	sne.s32 s8, $0x4;
	[tilespmem:s9+$0x920] =	vst v18;
	v18 =	vmul.f32 v60, v17  }
.Ltmp1:
0xef: {  	[tilespmem:s9+$0x930] =	vst v19;
	v19 =	vmul.f32 v61, v17;
	(pc) =	sbr.rel @p1 .LBB2_5-.Ltmp1, $4  }
0xf0: {  	[tilespmem:s9+$0x940] =	vst v18;
	v18 =	vmul.f32 v62, v17  }
0xf1: {  	[tilespmem:s9+$0x950] =	vst v19;
	v17 =	vmul.f32 v63, v17  }
0xf2: {  	[tilespmem:s9+$0x960] =	vst v18  }
0xf3: {  	s8 =	sadd.s32 $0x1, s8;
	[tilespmem:s9+$0x970] =	vst v17  }
0xf4: {  	s7 =	sadd.s32 $0x1, s7  }
0xf5: {  	p1 =	sne.s32 s7, $0x7D  }
.Ltmp2:
0xf6: {  	_ = 	snop;
	(pc) =	sbr.rel @p1 .LBB2_4-.Ltmp2, $4  }
0xf7: {  	[spmem:s14] =	stream.indirect.scatter.add.f32 [tilespmem:s29], [sflag:$0x2], $0x80, s31, s2, $0xb8;
	[tilespmem:$0x16200] =	vst v63  }
0xf8: {  	_ =	swait.ge [sflag:s30], $0x2800  }
0xf9: {  	[sflag:s30] =	ssyncset.done $0x0  }
0xfa: {  	[sflag:s30] =	ssyncadd.s32 $0xFFFFD800  }
0xfb: {  	s6 =	stileid.u32  }
0xfc: {  	[bflag:$0x0] =	sbarrier.arrive $0xFFFF;
	s6 =	sshll.u32 s6, $0x6  }
0xfd: {  	s7 =	sshrl.u32 s16, $0x3;
	s8 =	rddreg [dreg:$0x6];
	s6 =	sor.u32 $0x1C02, s6  }
0xfe: {  	[hbm:s8], [sflag:s6] =	dma.local [spmem:s7], $0x500  }
0xff: {  	_ =	swait.ge [sflag:s30], $0x500  }
0x100: {  	[sflag:s30] =	ssyncset.done $0x0  }
0x101: {  	s8 =	sshrl.u32 s17, $0x3;
	s9 =	rddreg [dreg:$0x7];
	[sflag:s30] =	ssyncadd.s32 $0xFFFFFB00  }
0x102: {  	[hbm:s9], [sflag:s6] =	dma.local [spmem:s8], $0x500  }
0x103: {  	_ =	swait.ge [sflag:s30], $0x500  }
0x104: {  	[sflag:s30] =	ssyncset.done $0x0  }
0x105: {  	s8 =	sshrl.u32 s18, $0x3;
	s9 =	rddreg [dreg:$0x8];
	[sflag:s30] =	ssyncadd.s32 $0xFFFFFB00  }
0x106: {  	[hbm:s9], [sflag:s6] =	dma.local [spmem:s8], $0x500  }
0x107: {  	_ =	swait.ge [sflag:s30], $0x500  }
0x108: {  	[sflag:s30] =	ssyncset.done $0x0  }
0x109: {  	s8 =	sshrl.u32 s19, $0x3;
	s9 =	rddreg [dreg:$0x9];
	[sflag:s30] =	ssyncadd.s32 $0xFFFFFB00  }
0x10a: {  	[hbm:s9], [sflag:s6] =	dma.local [spmem:s8], $0x500  }
0x10b: {  	_ =	swait.ge [sflag:s30], $0x500  }
0x10c: {  	[sflag:s30] =	ssyncset.done $0x0  }
0x10d: {  	s8 =	sshrl.u32 s20, $0x3;
	s9 =	rddreg [dreg:$0xa];
	[sflag:s30] =	ssyncadd.s32 $0xFFFFFB00  }
0x10e: {  	[hbm:s9], [sflag:s6] =	dma.local [spmem:s8], $0x500  }
0x10f: {  	_ =	swait.ge [sflag:s30], $0x500  }
0x110: {  	[sflag:s30] =	ssyncset.done $0x0  }
0x111: {  	s9 =	sshrl.u32 s21, $0x3;
	[sflag:s30] =	ssyncadd.s32 $0xFFFFFB00  }
0x112: {  	[hbm:s10], [sflag:s6] =	dma.local [spmem:s9], $0x500  }
0x113: {  	_ =	swait.ge [sflag:s30], $0x500  }
0x114: {  	[sflag:s30] =	ssyncset.done $0x0  }
0x115: {  	s8 =	sshrl.u32 s22, $0x3;
	[sflag:s30] =	ssyncadd.s32 $0xFFFFFB00  }
0x116: {  	[hbm:s11], [sflag:s6] =	dma.local [spmem:s8], $0x500  }
0x117: {  	_ =	swait.ge [sflag:s30], $0x500  }
0x118: {  	[sflag:s30] =	ssyncset.done $0x0  }
0x119: {  	s9 =	sshrl.u32 s23, $0x3;
	[sflag:s30] =	ssyncadd.s32 $0xFFFFFB00  }
0x11a: {  	[hbm:s13], [sflag:s6] =	dma.local [spmem:s9], $0x400  }
0x11b: {  	_ =	swait.ge [sflag:s30], $0x400  }
0x11c: {  	s4 =	sadd.s32 $0x1, s4;
	[sflag:s30] =	ssyncset.done $0x0  }
0x11d: {  	p1 =	sne.s32 s4, s26;
	s7 =	sshrl.u32 @!p0 s28, $0x3;
	[sflag:s30] =	ssyncadd.s32 $0xFFFFFC00  }
0x11e: {  	[hbm:s25], [sflag:s6] =	dma.local @!p0 [spmem:s7], $0x100  }
.Ltmp3:
0x11f: {  	_ = 	snop;
	(pc) =	sbr.rel @p1 .LBB2_1-.Ltmp3, $4  }
0x120: {  	s6 =	simm.s32 @!p0 $0x2  }
0x121: {  	_ =	swait.ge @!p0 [sflag:s6], $0x100  }
0x122: {  	[sflag:s6] =	ssyncset.done @!p0 $0x0  }
0x123: {  	[sflag:s6] =	ssyncadd.s32 @!p0 $0xFFFFFF00  }
0x124: {  	_ =	sfence.sel $0x180000  }
0x125: {  	[bflag:$0x0] =	sbarrier.arrive $0xFFFF  }
0x126: {  	_ =	strace $0x90000047  }
0x127: {  	s0 =	stileid.u32;
	[bflag:$0x2] =	sbarrier.arrive $0xFFFF  }
0x128: {  	p0 =	sne.s32 s0, $0x0;
	s0 =	rddreg [dreg:$0x5]  }
0x129: {  	s0 =	sadd.s32 @!p0 $0x100000, s0  }
0x12a: {  	[sflag:s0] =	ssyncadd.tile.s32 @!p0 $0x1;
	_ =	shalt  }
.Lfunc_end2:
_tile_overlayer_lowered:
.L_overlay_start_2:
0x12b: {  	(tag) =	ssettag $0x2  }
0x12c: {  	s0 =	rddreg [dreg:$0x0];
	s2 =	stileid.u32  }
0x12d: {  	s1 =	rddreg [dreg:$0x1];
	p0 =	sne.s32 s2, $0x0  }
0x12e: {  	s3 =	rddreg [dreg:$0x2];
	[bflag:$0x3] =	sbarrier.arrive $0xFFFF;
	s2 =	simm.s32 @!p0 $0x1C02  }
0x12f: {  	[timem:s3], [sflag:s2] =	dma.local @!p0 [hbm:s0], s1  }
0x130: {  	s0 =	simm.s32 @!p0 $0x2  }
0x131: {  	_ =	swait.ge @!p0 [sflag:s0], s1  }
0x132: {  	s1 =	ssub.s32 @!p0 $0x0, s1;
	[sflag:s0] =	ssyncset.done @!p0 $0x0  }
0x133: {  	[sflag:s0] =	ssyncadd.s32 @!p0 s1  }
0x134: {  	[bflag:$0x3] =	sbarrier.arrive $0xFFFF  }
0x135: {  	_ =	shalt  }

</sc_bundles>
